<compile_context>
chip_gen: v7x
topology: tpu7x:2x2x1
jax: 0.10.2.dev20260603
libtpu: 0.0.44.dev20260713+nightly
codegen_flags: <defaults>
</compile_context>

<pallas_src>
import functools

import jax
import jax.numpy as jnp
from jax import lax
from jax.experimental import pallas as pl
from jax.experimental.pallas import tpu as pltpu
from jax.experimental.pallas import tpu_sc as plsc

FULL_SCALE = 32
TOPK = 8
R = 0.5
INT_MAX = 2**31 - 1

QT = 128
CC = 2048


def _topk_body(ca_ref, ba_ref, cbt_ref, bb_ref, idx_ref, w_ref):
    nb = cbt_ref.shape[1]
    shift = (nb - 1).bit_length()
    ca = ca_ref[...]
    ba = ba_ref[...]
    an = jnp.sum(ca * ca, axis=1, keepdims=True)
    cols0 = lax.broadcasted_iota(jnp.int32, (QT, CC), 1)

    def chunk_body(c, top8):
        col0 = c * CC
        cb = cbt_ref[:, pl.ds(col0, CC)]
        bb = bb_ref[:, pl.ds(col0, CC)]
        ab = lax.dot_general(ca, cb, (((1,), (0,)), ((), ())),
                             preferred_element_type=jnp.float32,
                             precision=lax.Precision.HIGHEST)
        bn = jnp.sum(cb * cb, axis=0, keepdims=True)
        d2i = (an + bn - 2.0 * ab).astype(jnp.int32)
        key = (d2i << shift) | (cols0 + col0)
        key = jnp.where(ba == bb, key, INT_MAX)
        cand = []
        for _ in range(TOPK):
            m = jnp.min(key, axis=1, keepdims=True)
            cand.append(m)
            key = jnp.where(key == m, INT_MAX, key)
        merged = jnp.concatenate([top8] + cand, axis=1)
        new = []
        for _ in range(TOPK):
            m = jnp.min(merged, axis=1, keepdims=True)
            new.append(m)
            merged = jnp.where(merged == m, INT_MAX, merged)
        return jnp.concatenate(new, axis=1)

    qmin = ba[0, 0]
    qmax = ba[QT - 1, 0]
    bbrow = bb_ref[...]
    lo = jnp.sum((bbrow < qmin).astype(jnp.int32))
    hi = jnp.sum((bbrow <= qmax).astype(jnp.int32))
    clo = lo // CC
    chi = (hi + CC - 1) // CC
    init = jnp.full((QT, TOPK), INT_MAX, jnp.int32)
    top8 = lax.fori_loop(clo, chi, chunk_body, init)
    idx_ref[...] = top8 & (nb - 1)
    d2f = (top8 >> shift).astype(jnp.float32)
    w_ref[...] = jnp.maximum(R - jnp.sqrt(d2f) / FULL_SCALE, 0.0)


def _topk_call(ca, ba, cbt, bb):
    na = ca.shape[0]
    nb = cbt.shape[1]
    return pl.pallas_call(
        _topk_body,
        grid=(na // QT,),
        in_specs=[
            pl.BlockSpec((QT, 8), lambda i: (i, 0)),
            pl.BlockSpec((QT, 1), lambda i: (i, 0)),
            pl.BlockSpec((8, nb), lambda i: (0, 0)),
            pl.BlockSpec((1, nb), lambda i: (0, 0)),
        ],
        out_specs=[
            pl.BlockSpec((QT, TOPK), lambda i: (i, 0)),
            pl.BlockSpec((QT, TOPK), lambda i: (i, 0)),
        ],
        out_shape=[
            jax.ShapeDtypeStruct((na, TOPK), jnp.int32),
            jax.ShapeDtypeStruct((na, TOPK), jnp.float32),
        ],
    )(ca, ba, cbt, bb)


def _make_gather_kernel(na, d, nw):
    q_per_w = na // nw
    n_idx = q_per_w * TOPK
    n_rows = n_idx // 128
    sup = 4
    rows_per_sup = n_rows // sup
    q_per_sup = q_per_w // sup
    mesh = plsc.VectorSubcoreMesh(core_axis_name="c", subcore_axis_name="s")

    @functools.partial(
        pl.kernel, mesh=mesh,
        compiler_params=pltpu.CompilerParams(use_tc_tiling_on_sc=False),
        out_type=jax.ShapeDtypeStruct((na, d), jnp.float32),
        scratch_types=[
            pltpu.VMEM((n_rows, 128), jnp.int32),
            pltpu.VMEM((n_idx,), jnp.float32),
            pltpu.VMEM((rows_per_sup * 128, d), jnp.float32),
            pltpu.VMEM((q_per_sup, d), jnp.float32),
            pltpu.SemaphoreType.DMA,
        ],
    )
    def gather_kernel(idx_hbm, w_hbm, feats_hbm, out_hbm,
                      idx_v, w_v, rows_v, out_v, sem):
        wid = lax.axis_index("s") * 2 + lax.axis_index("c")
        pltpu.sync_copy(idx_hbm.at[wid], idx_v)
        pltpu.sync_copy(w_hbm.at[wid], w_v)
        for s in range(sup):
            handles = []
            for b in range(rows_per_sup):
                handles.append(pltpu.async_copy(
                    feats_hbm.at[idx_v.at[s * rows_per_sup + b]],
                    rows_v.at[pl.ds(b * 128, 128)], sem))
            for h in handles:
                h.wait()

            def pbody(p, _, s=s):
                wv = w_v[pl.ds((s * q_per_sup + 2 * p) * TOPK, 16)]
                for j in range(2):
                    q = 2 * p + j
                    acc0 = jnp.zeros((16,), jnp.float32)
                    acc1 = jnp.zeros((16,), jnp.float32)
                    for k in range(TOPK):
                        wk = wv[j * TOPK + k]
                        r = q * TOPK + k
                        acc0 = acc0 + rows_v[r, pl.ds(0, 16)] * wk
                        acc1 = acc1 + rows_v[r, pl.ds(16, 16)] * wk
                    out_v[q, pl.ds(0, 16)] = acc0
                    out_v[q, pl.ds(16, 16)] = acc1
                return 0

            lax.fori_loop(0, q_per_sup // 2, pbody, 0)
            pltpu.sync_copy(
                out_v, out_hbm.at[pl.ds(wid * q_per_w + s * q_per_sup,
                                        q_per_sup)])

    return gather_kernel


def kernel(coords_a, batch_idx_a, feats_a, coords_b, batch_idx_b, feats_b):
    na = coords_a.shape[0]
    nb = coords_b.shape[0]
    d = feats_b.shape[1]
    nw = 32

    ca = jnp.pad(coords_a.astype(jnp.float32), ((0, 0), (0, 5)))
    cbt = jnp.pad(coords_b.astype(jnp.float32), ((0, 0), (0, 5))).T
    ba = batch_idx_a.reshape(na, 1)
    bb = batch_idx_b.reshape(1, nb)

    idx, w = _topk_call(ca, ba, cbt, bb)

    idx3 = idx.reshape(nw, (na // nw) * TOPK // 128, 128)
    w2 = w.reshape(nw, (na // nw) * TOPK)
    tmp = _make_gather_kernel(na, d, nw)(idx3, w2, feats_b)
    return jnp.concatenate([feats_a, tmp], axis=1)

# --- scband reference (transcript-rebuilt; emitter-appended) ---
"""Pipeline reference for scband-dist-match-layer-v4-33097017983000 (READ-ONLY COPY).

The authoritative reference and input builder live on the scoring server;
editing this copy changes nothing except your own understanding.
"""

import jax, jax.numpy as jnp
import numpy as np

FULL_SCALE = 32
TOPK = 8
R = 0.5


def pairwise_distances_l2(x, y, full_scale):
    x_norm = (x ** 2).sum(1)[:, None]
    y_norm = (y ** 2).sum(1)[None, :]
    dist = x_norm + y_norm - 2.0 * (x @ y.T)
    return jnp.sqrt(jnp.clip(dist, 0.0, np.inf)) / full_scale


def setup_inputs(seed: int = 0) -> dict:
    key = jax.random.key(seed)
    ks = jax.random.split(key, 6)
    Na, Nb, D, B = 16384, 16384, 32, 4
    coords_a = jax.random.randint(ks[0], (Na, 3), 0, 32, dtype=jnp.int32)
    batch_idx_a = jnp.sort(jax.random.randint(ks[1], (Na,), 0, B, dtype=jnp.int32))
    feats_a = jax.random.normal(ks[2], (Na, D), dtype=jnp.float32)
    coords_b = jax.random.randint(ks[3], (Nb, 3), 0, 32, dtype=jnp.int32)
    batch_idx_b = jnp.sort(jax.random.randint(ks[4], (Nb,), 0, B, dtype=jnp.int32))
    feats_b = jax.random.normal(ks[5], (Nb, D), dtype=jnp.float32)
    return {
        "coords_a": coords_a,
        "batch_idx_a": batch_idx_a,
        "feats_a": feats_a,
        "coords_b": coords_b,
        "batch_idx_b": batch_idx_b,
        "feats_b": feats_b,
    }


def reference(coords_a, batch_idx_a, feats_a, coords_b, batch_idx_b, feats_b):
    ca = coords_a.astype(jnp.float32)
    cb = coords_b.astype(jnp.float32)
    same_batch = batch_idx_a[:, None] == batch_idx_b[None, :]
    dist_c = pairwise_distances_l2(ca, cb, FULL_SCALE)
    dist_c = jnp.where(same_batch, dist_c, jnp.inf)
    idx_pick = jnp.argsort(dist_c, axis=1)[:, :TOPK]
    dist_w = jnp.take_along_axis(dist_c, idx_pick, axis=1)
    dist_w = R - jnp.clip(dist_w, 0.0, R)
    tmp = feats_b[idx_pick.reshape(-1)].reshape(-1, TOPK, feats_b.shape[-1]) * dist_w[:, :, None]
    tmp = jnp.sum(tmp, axis=1)
    out = jnp.concatenate([feats_a, tmp], axis=1)
    return out

if __name__ == "__main__":
    import jax
    _d = setup_inputs()
    print(jax.jit(kernel)(*tuple(_d.values())))

</pallas_src>

<mosaic_0001>
#map = affine_map<(d0, d1) -> (0, 0, 0)>
#map1 = affine_map<(d0, d1) -> (0, 0)>
module attributes {stable_mosaic.version = 14 : i64} {
  func.func @gather_kernel(%arg0: i32, %arg1: i32, %arg2: memref<32x32x128xi32, #tpu.memory_space<hbm>>, %arg3: memref<32x4096xf32, #tpu.memory_space<hbm>>, %arg4: memref<16384x32xf32, #tpu.memory_space<hbm>>, %arg5: memref<16384x32xf32, #tpu.memory_space<hbm>>, %arg6: memref<32x128xi32, #tpu.memory_space<vmem>>, %arg7: memref<4096xf32, #tpu.memory_space<vmem>>, %arg8: memref<1024x32xf32, #tpu.memory_space<vmem>>, %arg9: memref<128x32xf32, #tpu.memory_space<vmem>>, %arg10: memref<!tpu.dma_semaphore, #tpu.memory_space<semaphore_mem>>) attributes {dimension_semantics = [#tpu.dimension_semantics<core_parallel>, #tpu.dimension_semantics<subcore_parallel>], iteration_bounds = array<i64: 2, 16>, scalar_prefetch = 0 : i64, scratch_operands = 5 : i64, tpu.core_type = #tpu.core_type<sc_vector_subcore>, window_params = [{transform_indices = #map}, {transform_indices = #map1}, {transform_indices = #map1}, {transform_indices = #map1}]} {
    %mul3A = arith.constant 2 : i32
    %mul3A_0 = arith.muli %arg1, %mul3A : i32
    %add3A = arith.addi %mul3A_0, %arg0 : i32
    "tpu.region"() ({
      %run_scoped3A = tpu.sem_alloc : memref<!tpu.dma_semaphore, #tpu.memory_space<semaphore_mem>>
      %dma_start3A_682 = arith.constant 0 : i32
      %dma_start3A_683 = arith.constant 0 : i32
      %dma_start3A_684 = tpu.memref_slice %arg2[%add3A, %dma_start3A_682, %dma_start3A_683] : memref<32x32x128xi32, #tpu.memory_space<hbm>> -> memref<1x32x128xi32, #tpu.memory_space<hbm>>
      %dma_start3A_685 = tpu.memref_squeeze %dma_start3A_684 : memref<1x32x128xi32, #tpu.memory_space<hbm>> -> memref<32x128xi32, #tpu.memory_space<hbm>>
      %dma_start3A_686 = arith.constant 0 : i32
      %dma_start3A_687 = arith.constant 0 : i32
      %dma_start3A_688 = tpu.memref_slice %arg2[%add3A, %dma_start3A_686, %dma_start3A_687] : memref<32x32x128xi32, #tpu.memory_space<hbm>> -> memref<1x32x128xi32, #tpu.memory_space<hbm>>
      %dma_start3A_689 = tpu.memref_squeeze %dma_start3A_688 : memref<1x32x128xi32, #tpu.memory_space<hbm>> -> memref<32x128xi32, #tpu.memory_space<hbm>>
      tpu.enqueue_dma source(%dma_start3A_689 : memref<32x128xi32, #tpu.memory_space<hbm>>) target(%arg6 : memref<32x128xi32, #tpu.memory_space<vmem>>) target_semaphore(%run_scoped3A : memref<!tpu.dma_semaphore, #tpu.memory_space<semaphore_mem>>)
      %dma_wait3A_690 = arith.constant 0 : i32
      %dma_wait3A_691 = arith.constant 0 : i32
      %dma_wait3A_692 = tpu.memref_slice %arg2[%add3A, %dma_wait3A_690, %dma_wait3A_691] : memref<32x32x128xi32, #tpu.memory_space<hbm>> -> memref<1x32x128xi32, #tpu.memory_space<hbm>>
      %dma_wait3A_693 = tpu.memref_squeeze %dma_wait3A_692 : memref<1x32x128xi32, #tpu.memory_space<hbm>> -> memref<32x128xi32, #tpu.memory_space<hbm>>
      %dma_wait3A_694 = arith.constant 0 : i32
      %dma_wait3A_695 = arith.constant 0 : i32
      %dma_wait3A_696 = tpu.memref_slice %arg2[%add3A, %dma_wait3A_694, %dma_wait3A_695] : memref<32x32x128xi32, #tpu.memory_space<hbm>> -> memref<1x32x128xi32, #tpu.memory_space<hbm>>
      %dma_wait3A_697 = tpu.memref_squeeze %dma_wait3A_696 : memref<1x32x128xi32, #tpu.memory_space<hbm>> -> memref<32x128xi32, #tpu.memory_space<hbm>>
      tpu.wait_dma2 semaphore(%run_scoped3A : memref<!tpu.dma_semaphore, #tpu.memory_space<semaphore_mem>>) src(%dma_wait3A_697 : memref<32x128xi32, #tpu.memory_space<hbm>>) dst(%arg6 : memref<32x128xi32, #tpu.memory_space<vmem>>)
      tpu.yield
    }) : () -> ()
    "tpu.region"() ({
      %run_scoped3A = tpu.sem_alloc : memref<!tpu.dma_semaphore, #tpu.memory_space<semaphore_mem>>
      %dma_start3A_682 = arith.constant 0 : i32
      %dma_start3A_683 = tpu.memref_slice %arg3[%add3A, %dma_start3A_682] : memref<32x4096xf32, #tpu.memory_space<hbm>> -> memref<1x4096xf32, #tpu.memory_space<hbm>>
      %dma_start3A_684 = tpu.memref_squeeze %dma_start3A_683 : memref<1x4096xf32, #tpu.memory_space<hbm>> -> memref<4096xf32, #tpu.memory_space<hbm>>
      %dma_start3A_685 = arith.constant 0 : i32
      %dma_start3A_686 = tpu.memref_slice %arg3[%add3A, %dma_start3A_685] : memref<32x4096xf32, #tpu.memory_space<hbm>> -> memref<1x4096xf32, #tpu.memory_space<hbm>>
      %dma_start3A_687 = tpu.memref_squeeze %dma_start3A_686 : memref<1x4096xf32, #tpu.memory_space<hbm>> -> memref<4096xf32, #tpu.memory_space<hbm>>
      tpu.enqueue_dma source(%dma_start3A_687 : memref<4096xf32, #tpu.memory_space<hbm>>) target(%arg7 : memref<4096xf32, #tpu.memory_space<vmem>>) target_semaphore(%run_scoped3A : memref<!tpu.dma_semaphore, #tpu.memory_space<semaphore_mem>>)
      %dma_wait3A_688 = arith.constant 0 : i32
      %dma_wait3A_689 = tpu.memref_slice %arg3[%add3A, %dma_wait3A_688] : memref<32x4096xf32, #tpu.memory_space<hbm>> -> memref<1x4096xf32, #tpu.memory_space<hbm>>
      %dma_wait3A_690 = tpu.memref_squeeze %dma_wait3A_689 : memref<1x4096xf32, #tpu.memory_space<hbm>> -> memref<4096xf32, #tpu.memory_space<hbm>>
      %dma_wait3A_691 = arith.constant 0 : i32
      %dma_wait3A_692 = tpu.memref_slice %arg3[%add3A, %dma_wait3A_691] : memref<32x4096xf32, #tpu.memory_space<hbm>> -> memref<1x4096xf32, #tpu.memory_space<hbm>>
      %dma_wait3A_693 = tpu.memref_squeeze %dma_wait3A_692 : memref<1x4096xf32, #tpu.memory_space<hbm>> -> memref<4096xf32, #tpu.memory_space<hbm>>
      tpu.wait_dma2 semaphore(%run_scoped3A : memref<!tpu.dma_semaphore, #tpu.memory_space<semaphore_mem>>) src(%dma_wait3A_693 : memref<4096xf32, #tpu.memory_space<hbm>>) dst(%arg7 : memref<4096xf32, #tpu.memory_space<vmem>>)
      tpu.yield
    }) : () -> ()
    %dma_start3A = arith.constant 0 : i32
    %dma_start3A_1 = arith.constant 0 : i32
    %dma_start3A_2 = arith.constant 0 : i32
    %dma_start3A_3 = tpu.memref_slice %arg8[%dma_start3A_1, %dma_start3A_2] : memref<1024x32xf32, #tpu.memory_space<vmem>> -> memref<128x32xf32, #tpu.memory_space<vmem>>
    %dma_start3A_4 = arith.constant 0 : i32
    %dma_start3A_5 = tpu.memref_slice %arg6[%dma_start3A, %dma_start3A_4] : memref<32x128xi32, #tpu.memory_space<vmem>> -> memref<1x128xi32, #tpu.memory_space<vmem>>
    %dma_start3A_6 = tpu.memref_squeeze %dma_start3A_5 : memref<1x128xi32, #tpu.memory_space<vmem>> -> memref<128xi32, #tpu.memory_space<vmem>>
    %dma_start3A_7 = arith.constant 0 : i32
    %dma_start3A_8 = arith.constant 0 : i32
    %dma_start3A_9 = tpu.memref_slice %arg4[%dma_start3A_7, %dma_start3A_8] : memref<16384x32xf32, #tpu.memory_space<hbm>> -> memref<16384x32xf32, #tpu.memory_space<hbm>>
    tpu.enqueue_indirect_dma source(%dma_start3A_9 : memref<16384x32xf32, #tpu.memory_space<hbm>>) target(%dma_start3A_3 : memref<128x32xf32, #tpu.memory_space<vmem>>) offsets(%dma_start3A_6 : memref<128xi32, #tpu.memory_space<vmem>>) semaphore(%arg10 : memref<!tpu.dma_semaphore, #tpu.memory_space<semaphore_mem>>)
    %dma_start3A_10 = arith.constant 1 : i32
    %dma_start3A_11 = arith.constant 128 : i32
    %dma_start3A_12 = arith.constant 0 : i32
    %dma_start3A_13 = tpu.memref_slice %arg8[%dma_start3A_11, %dma_start3A_12] : memref<1024x32xf32, #tpu.memory_space<vmem>> -> memref<128x32xf32, #tpu.memory_space<vmem>>
    %dma_start3A_14 = arith.constant 0 : i32
    %dma_start3A_15 = tpu.memref_slice %arg6[%dma_start3A_10, %dma_start3A_14] : memref<32x128xi32, #tpu.memory_space<vmem>> -> memref<1x128xi32, #tpu.memory_space<vmem>>
    %dma_start3A_16 = tpu.memref_squeeze %dma_start3A_15 : memref<1x128xi32, #tpu.memory_space<vmem>> -> memref<128xi32, #tpu.memory_space<vmem>>
    %dma_start3A_17 = arith.constant 0 : i32
    %dma_start3A_18 = arith.constant 0 : i32
    %dma_start3A_19 = tpu.memref_slice %arg4[%dma_start3A_17, %dma_start3A_18] : memref<16384x32xf32, #tpu.memory_space<hbm>> -> memref<16384x32xf32, #tpu.memory_space<hbm>>
    tpu.enqueue_indirect_dma source(%dma_start3A_19 : memref<16384x32xf32, #tpu.memory_space<hbm>>) target(%dma_start3A_13 : memref<128x32xf32, #tpu.memory_space<vmem>>) offsets(%dma_start3A_16 : memref<128xi32, #tpu.memory_space<vmem>>) semaphore(%arg10 : memref<!tpu.dma_semaphore, #tpu.memory_space<semaphore_mem>>)
    %dma_start3A_20 = arith.constant 2 : i32
    %dma_start3A_21 = arith.constant 256 : i32
    %dma_start3A_22 = arith.constant 0 : i32
    %dma_start3A_23 = tpu.memref_slice %arg8[%dma_start3A_21, %dma_start3A_22] : memref<1024x32xf32, #tpu.memory_space<vmem>> -> memref<128x32xf32, #tpu.memory_space<vmem>>
    %dma_start3A_24 = arith.constant 0 : i32
    %dma_start3A_25 = tpu.memref_slice %arg6[%dma_start3A_20, %dma_start3A_24] : memref<32x128xi32, #tpu.memory_space<vmem>> -> memref<1x128xi32, #tpu.memory_space<vmem>>
    %dma_start3A_26 = tpu.memref_squeeze %dma_start3A_25 : memref<1x128xi32, #tpu.memory_space<vmem>> -> memref<128xi32, #tpu.memory_space<vmem>>
    %dma_start3A_27 = arith.constant 0 : i32
    %dma_start3A_28 = arith.constant 0 : i32
    %dma_start3A_29 = tpu.memref_slice %arg4[%dma_start3A_27, %dma_start3A_28] : memref<16384x32xf32, #tpu.memory_space<hbm>> -> memref<16384x32xf32, #tpu.memory_space<hbm>>
    tpu.enqueue_indirect_dma source(%dma_start3A_29 : memref<16384x32xf32, #tpu.memory_space<hbm>>) target(%dma_start3A_23 : memref<128x32xf32, #tpu.memory_space<vmem>>) offsets(%dma_start3A_26 : memref<128xi32, #tpu.memory_space<vmem>>) semaphore(%arg10 : memref<!tpu.dma_semaphore, #tpu.memory_space<semaphore_mem>>)
    %dma_start3A_30 = arith.constant 3 : i32
    %dma_start3A_31 = arith.constant 384 : i32
    %dma_start3A_32 = arith.constant 0 : i32
    %dma_start3A_33 = tpu.memref_slice %arg8[%dma_start3A_31, %dma_start3A_32] : memref<1024x32xf32, #tpu.memory_space<vmem>> -> memref<128x32xf32, #tpu.memory_space<vmem>>
    %dma_start3A_34 = arith.constant 0 : i32
    %dma_start3A_35 = tpu.memref_slice %arg6[%dma_start3A_30, %dma_start3A_34] : memref<32x128xi32, #tpu.memory_space<vmem>> -> memref<1x128xi32, #tpu.memory_space<vmem>>
    %dma_start3A_36 = tpu.memref_squeeze %dma_start3A_35 : memref<1x128xi32, #tpu.memory_space<vmem>> -> memref<128xi32, #tpu.memory_space<vmem>>
    %dma_start3A_37 = arith.constant 0 : i32
    %dma_start3A_38 = arith.constant 0 : i32
    %dma_start3A_39 = tpu.memref_slice %arg4[%dma_start3A_37, %dma_start3A_38] : memref<16384x32xf32, #tpu.memory_space<hbm>> -> memref<16384x32xf32, #tpu.memory_space<hbm>>
    tpu.enqueue_indirect_dma source(%dma_start3A_39 : memref<16384x32xf32, #tpu.memory_space<hbm>>) target(%dma_start3A_33 : memref<128x32xf32, #tpu.memory_space<vmem>>) offsets(%dma_start3A_36 : memref<128xi32, #tpu.memory_space<vmem>>) semaphore(%arg10 : memref<!tpu.dma_semaphore, #tpu.memory_space<semaphore_mem>>)
    %dma_start3A_40 = arith.constant 4 : i32
    %dma_start3A_41 = arith.constant 512 : i32
    %dma_start3A_42 = arith.constant 0 : i32
    %dma_start3A_43 = tpu.memref_slice %arg8[%dma_start3A_41, %dma_start3A_42] : memref<1024x32xf32, #tpu.memory_space<vmem>> -> memref<128x32xf32, #tpu.memory_space<vmem>>
    %dma_start3A_44 = arith.constant 0 : i32
    %dma_start3A_45 = tpu.memref_slice %arg6[%dma_start3A_40, %dma_start3A_44] : memref<32x128xi32, #tpu.memory_space<vmem>> -> memref<1x128xi32, #tpu.memory_space<vmem>>
    %dma_start3A_46 = tpu.memref_squeeze %dma_start3A_45 : memref<1x128xi32, #tpu.memory_space<vmem>> -> memref<128xi32, #tpu.memory_space<vmem>>
    %dma_start3A_47 = arith.constant 0 : i32
    %dma_start3A_48 = arith.constant 0 : i32
    %dma_start3A_49 = tpu.memref_slice %arg4[%dma_start3A_47, %dma_start3A_48] : memref<16384x32xf32, #tpu.memory_space<hbm>> -> memref<16384x32xf32, #tpu.memory_space<hbm>>
    tpu.enqueue_indirect_dma source(%dma_start3A_49 : memref<16384x32xf32, #tpu.memory_space<hbm>>) target(%dma_start3A_43 : memref<128x32xf32, #tpu.memory_space<vmem>>) offsets(%dma_start3A_46 : memref<128xi32, #tpu.memory_space<vmem>>) semaphore(%arg10 : memref<!tpu.dma_semaphore, #tpu.memory_space<semaphore_mem>>)
    %dma_start3A_50 = arith.constant 5 : i32
    %dma_start3A_51 = arith.constant 640 : i32
    %dma_start3A_52 = arith.constant 0 : i32
    %dma_start3A_53 = tpu.memref_slice %arg8[%dma_start3A_51, %dma_start3A_52] : memref<1024x32xf32, #tpu.memory_space<vmem>> -> memref<128x32xf32, #tpu.memory_space<vmem>>
    %dma_start3A_54 = arith.constant 0 : i32
    %dma_start3A_55 = tpu.memref_slice %arg6[%dma_start3A_50, %dma_start3A_54] : memref<32x128xi32, #tpu.memory_space<vmem>> -> memref<1x128xi32, #tpu.memory_space<vmem>>
    %dma_start3A_56 = tpu.memref_squeeze %dma_start3A_55 : memref<1x128xi32, #tpu.memory_space<vmem>> -> memref<128xi32, #tpu.memory_space<vmem>>
    %dma_start3A_57 = arith.constant 0 : i32
    %dma_start3A_58 = arith.constant 0 : i32
    %dma_start3A_59 = tpu.memref_slice %arg4[%dma_start3A_57, %dma_start3A_58] : memref<16384x32xf32, #tpu.memory_space<hbm>> -> memref<16384x32xf32, #tpu.memory_space<hbm>>
    tpu.enqueue_indirect_dma source(%dma_start3A_59 : memref<16384x32xf32, #tpu.memory_space<hbm>>) target(%dma_start3A_53 : memref<128x32xf32, #tpu.memory_space<vmem>>) offsets(%dma_start3A_56 : memref<128xi32, #tpu.memory_space<vmem>>) semaphore(%arg10 : memref<!tpu.dma_semaphore, #tpu.memory_space<semaphore_mem>>)
    %dma_start3A_60 = arith.constant 6 : i32
    %dma_start3A_61 = arith.constant 768 : i32
    %dma_start3A_62 = arith.constant 0 : i32
    %dma_start3A_63 = tpu.memref_slice %arg8[%dma_start3A_61, %dma_start3A_62] : memref<1024x32xf32, #tpu.memory_space<vmem>> -> memref<128x32xf32, #tpu.memory_space<vmem>>
    %dma_start3A_64 = arith.constant 0 : i32
    %dma_start3A_65 = tpu.memref_slice %arg6[%dma_start3A_60, %dma_start3A_64] : memref<32x128xi32, #tpu.memory_space<vmem>> -> memref<1x128xi32, #tpu.memory_space<vmem>>
    %dma_start3A_66 = tpu.memref_squeeze %dma_start3A_65 : memref<1x128xi32, #tpu.memory_space<vmem>> -> memref<128xi32, #tpu.memory_space<vmem>>
    %dma_start3A_67 = arith.constant 0 : i32
    %dma_start3A_68 = arith.constant 0 : i32
    %dma_start3A_69 = tpu.memref_slice %arg4[%dma_start3A_67, %dma_start3A_68] : memref<16384x32xf32, #tpu.memory_space<hbm>> -> memref<16384x32xf32, #tpu.memory_space<hbm>>
    tpu.enqueue_indirect_dma source(%dma_start3A_69 : memref<16384x32xf32, #tpu.memory_space<hbm>>) target(%dma_start3A_63 : memref<128x32xf32, #tpu.memory_space<vmem>>) offsets(%dma_start3A_66 : memref<128xi32, #tpu.memory_space<vmem>>) semaphore(%arg10 : memref<!tpu.dma_semaphore, #tpu.memory_space<semaphore_mem>>)
    %dma_start3A_70 = arith.constant 7 : i32
    %dma_start3A_71 = arith.constant 896 : i32
    %dma_start3A_72 = arith.constant 0 : i32
    %dma_start3A_73 = tpu.memref_slice %arg8[%dma_start3A_71, %dma_start3A_72] : memref<1024x32xf32, #tpu.memory_space<vmem>> -> memref<128x32xf32, #tpu.memory_space<vmem>>
    %dma_start3A_74 = arith.constant 0 : i32
    %dma_start3A_75 = tpu.memref_slice %arg6[%dma_start3A_70, %dma_start3A_74] : memref<32x128xi32, #tpu.memory_space<vmem>> -> memref<1x128xi32, #tpu.memory_space<vmem>>
    %dma_start3A_76 = tpu.memref_squeeze %dma_start3A_75 : memref<1x128xi32, #tpu.memory_space<vmem>> -> memref<128xi32, #tpu.memory_space<vmem>>
    %dma_start3A_77 = arith.constant 0 : i32
    %dma_start3A_78 = arith.constant 0 : i32
    %dma_start3A_79 = tpu.memref_slice %arg4[%dma_start3A_77, %dma_start3A_78] : memref<16384x32xf32, #tpu.memory_space<hbm>> -> memref<16384x32xf32, #tpu.memory_space<hbm>>
    tpu.enqueue_indirect_dma source(%dma_start3A_79 : memref<16384x32xf32, #tpu.memory_space<hbm>>) target(%dma_start3A_73 : memref<128x32xf32, #tpu.memory_space<vmem>>) offsets(%dma_start3A_76 : memref<128xi32, #tpu.memory_space<vmem>>) semaphore(%arg10 : memref<!tpu.dma_semaphore, #tpu.memory_space<semaphore_mem>>)
    %dma_wait3A = arith.constant 0 : i32
    %dma_wait3A_80 = arith.constant 0 : i32
    %dma_wait3A_81 = arith.constant 0 : i32
    %dma_wait3A_82 = tpu.memref_slice %arg8[%dma_wait3A_80, %dma_wait3A_81] : memref<1024x32xf32, #tpu.memory_space<vmem>> -> memref<128x32xf32, #tpu.memory_space<vmem>>
    %dma_wait3A_83 = arith.constant 0 : i32
    %dma_wait3A_84 = tpu.memref_slice %arg6[%dma_wait3A, %dma_wait3A_83] : memref<32x128xi32, #tpu.memory_space<vmem>> -> memref<1x128xi32, #tpu.memory_space<vmem>>
    %dma_wait3A_85 = tpu.memref_squeeze %dma_wait3A_84 : memref<1x128xi32, #tpu.memory_space<vmem>> -> memref<128xi32, #tpu.memory_space<vmem>>
    %dma_wait3A_86 = arith.constant 0 : i32
    %dma_wait3A_87 = arith.constant 0 : i32
    %dma_wait3A_88 = tpu.memref_slice %arg4[%dma_wait3A_86, %dma_wait3A_87] : memref<16384x32xf32, #tpu.memory_space<hbm>> -> memref<16384x32xf32, #tpu.memory_space<hbm>>
    tpu.wait_indirect_dma semaphore(%arg10 : memref<!tpu.dma_semaphore, #tpu.memory_space<semaphore_mem>>) src(%dma_wait3A_88 : memref<16384x32xf32, #tpu.memory_space<hbm>>) dst(%dma_wait3A_82 : memref<128x32xf32, #tpu.memory_space<vmem>>)
    %dma_wait3A_89 = arith.constant 1 : i32
    %dma_wait3A_90 = arith.constant 128 : i32
    %dma_wait3A_91 = arith.constant 0 : i32
    %dma_wait3A_92 = tpu.memref_slice %arg8[%dma_wait3A_90, %dma_wait3A_91] : memref<1024x32xf32, #tpu.memory_space<vmem>> -> memref<128x32xf32, #tpu.memory_space<vmem>>
    %dma_wait3A_93 = arith.constant 0 : i32
    %dma_wait3A_94 = tpu.memref_slice %arg6[%dma_wait3A_89, %dma_wait3A_93] : memref<32x128xi32, #tpu.memory_space<vmem>> -> memref<1x128xi32, #tpu.memory_space<vmem>>
    %dma_wait3A_95 = tpu.memref_squeeze %dma_wait3A_94 : memref<1x128xi32, #tpu.memory_space<vmem>> -> memref<128xi32, #tpu.memory_space<vmem>>
    %dma_wait3A_96 = arith.constant 0 : i32
    %dma_wait3A_97 = arith.constant 0 : i32
    %dma_wait3A_98 = tpu.memref_slice %arg4[%dma_wait3A_96, %dma_wait3A_97] : memref<16384x32xf32, #tpu.memory_space<hbm>> -> memref<16384x32xf32, #tpu.memory_space<hbm>>
    tpu.wait_indirect_dma semaphore(%arg10 : memref<!tpu.dma_semaphore, #tpu.memory_space<semaphore_mem>>) src(%dma_wait3A_98 : memref<16384x32xf32, #tpu.memory_space<hbm>>) dst(%dma_wait3A_92 : memref<128x32xf32, #tpu.memory_space<vmem>>)
    %dma_wait3A_99 = arith.constant 2 : i32
    %dma_wait3A_100 = arith.constant 256 : i32
    %dma_wait3A_101 = arith.constant 0 : i32
    %dma_wait3A_102 = tpu.memref_slice %arg8[%dma_wait3A_100, %dma_wait3A_101] : memref<1024x32xf32, #tpu.memory_space<vmem>> -> memref<128x32xf32, #tpu.memory_space<vmem>>
    %dma_wait3A_103 = arith.constant 0 : i32
    %dma_wait3A_104 = tpu.memref_slice %arg6[%dma_wait3A_99, %dma_wait3A_103] : memref<32x128xi32, #tpu.memory_space<vmem>> -> memref<1x128xi32, #tpu.memory_space<vmem>>
    %dma_wait3A_105 = tpu.memref_squeeze %dma_wait3A_104 : memref<1x128xi32, #tpu.memory_space<vmem>> -> memref<128xi32, #tpu.memory_space<vmem>>
    %dma_wait3A_106 = arith.constant 0 : i32
    %dma_wait3A_107 = arith.constant 0 : i32
    %dma_wait3A_108 = tpu.memref_slice %arg4[%dma_wait3A_106, %dma_wait3A_107] : memref<16384x32xf32, #tpu.memory_space<hbm>> -> memref<16384x32xf32, #tpu.memory_space<hbm>>
    tpu.wait_indirect_dma semaphore(%arg10 : memref<!tpu.dma_semaphore, #tpu.memory_space<semaphore_mem>>) src(%dma_wait3A_108 : memref<16384x32xf32, #tpu.memory_space<hbm>>) dst(%dma_wait3A_102 : memref<128x32xf32, #tpu.memory_space<vmem>>)
    %dma_wait3A_109 = arith.constant 3 : i32
    %dma_wait3A_110 = arith.constant 384 : i32
    %dma_wait3A_111 = arith.constant 0 : i32
    %dma_wait3A_112 = tpu.memref_slice %arg8[%dma_wait3A_110, %dma_wait3A_111] : memref<1024x32xf32, #tpu.memory_space<vmem>> -> memref<128x32xf32, #tpu.memory_space<vmem>>
    %dma_wait3A_113 = arith.constant 0 : i32
    %dma_wait3A_114 = tpu.memref_slice %arg6[%dma_wait3A_109, %dma_wait3A_113] : memref<32x128xi32, #tpu.memory_space<vmem>> -> memref<1x128xi32, #tpu.memory_space<vmem>>
    %dma_wait3A_115 = tpu.memref_squeeze %dma_wait3A_114 : memref<1x128xi32, #tpu.memory_space<vmem>> -> memref<128xi32, #tpu.memory_space<vmem>>
    %dma_wait3A_116 = arith.constant 0 : i32
    %dma_wait3A_117 = arith.constant 0 : i32
    %dma_wait3A_118 = tpu.memref_slice %arg4[%dma_wait3A_116, %dma_wait3A_117] : memref<16384x32xf32, #tpu.memory_space<hbm>> -> memref<16384x32xf32, #tpu.memory_space<hbm>>
    tpu.wait_indirect_dma semaphore(%arg10 : memref<!tpu.dma_semaphore, #tpu.memory_space<semaphore_mem>>) src(%dma_wait3A_118 : memref<16384x32xf32, #tpu.memory_space<hbm>>) dst(%dma_wait3A_112 : memref<128x32xf32, #tpu.memory_space<vmem>>)
    %dma_wait3A_119 = arith.constant 4 : i32
    %dma_wait3A_120 = arith.constant 512 : i32
    %dma_wait3A_121 = arith.constant 0 : i32
    %dma_wait3A_122 = tpu.memref_slice %arg8[%dma_wait3A_120, %dma_wait3A_121] : memref<1024x32xf32, #tpu.memory_space<vmem>> -> memref<128x32xf32, #tpu.memory_space<vmem>>
    %dma_wait3A_123 = arith.constant 0 : i32
    %dma_wait3A_124 = tpu.memref_slice %arg6[%dma_wait3A_119, %dma_wait3A_123] : memref<32x128xi32, #tpu.memory_space<vmem>> -> memref<1x128xi32, #tpu.memory_space<vmem>>
    %dma_wait3A_125 = tpu.memref_squeeze %dma_wait3A_124 : memref<1x128xi32, #tpu.memory_space<vmem>> -> memref<128xi32, #tpu.memory_space<vmem>>
    %dma_wait3A_126 = arith.constant 0 : i32
    %dma_wait3A_127 = arith.constant 0 : i32
    %dma_wait3A_128 = tpu.memref_slice %arg4[%dma_wait3A_126, %dma_wait3A_127] : memref<16384x32xf32, #tpu.memory_space<hbm>> -> memref<16384x32xf32, #tpu.memory_space<hbm>>
    tpu.wait_indirect_dma semaphore(%arg10 : memref<!tpu.dma_semaphore, #tpu.memory_space<semaphore_mem>>) src(%dma_wait3A_128 : memref<16384x32xf32, #tpu.memory_space<hbm>>) dst(%dma_wait3A_122 : memref<128x32xf32, #tpu.memory_space<vmem>>)
    %dma_wait3A_129 = arith.constant 5 : i32
    %dma_wait3A_130 = arith.constant 640 : i32
    %dma_wait3A_131 = arith.constant 0 : i32
    %dma_wait3A_132 = tpu.memref_slice %arg8[%dma_wait3A_130, %dma_wait3A_131] : memref<1024x32xf32, #tpu.memory_space<vmem>> -> memref<128x32xf32, #tpu.memory_space<vmem>>
    %dma_wait3A_133 = arith.constant 0 : i32
    %dma_wait3A_134 = tpu.memref_slice %arg6[%dma_wait3A_129, %dma_wait3A_133] : memref<32x128xi32, #tpu.memory_space<vmem>> -> memref<1x128xi32, #tpu.memory_space<vmem>>
    %dma_wait3A_135 = tpu.memref_squeeze %dma_wait3A_134 : memref<1x128xi32, #tpu.memory_space<vmem>> -> memref<128xi32, #tpu.memory_space<vmem>>
    %dma_wait3A_136 = arith.constant 0 : i32
    %dma_wait3A_137 = arith.constant 0 : i32
    %dma_wait3A_138 = tpu.memref_slice %arg4[%dma_wait3A_136, %dma_wait3A_137] : memref<16384x32xf32, #tpu.memory_space<hbm>> -> memref<16384x32xf32, #tpu.memory_space<hbm>>
    tpu.wait_indirect_dma semaphore(%arg10 : memref<!tpu.dma_semaphore, #tpu.memory_space<semaphore_mem>>) src(%dma_wait3A_138 : memref<16384x32xf32, #tpu.memory_space<hbm>>) dst(%dma_wait3A_132 : memref<128x32xf32, #tpu.memory_space<vmem>>)
    %dma_wait3A_139 = arith.constant 6 : i32
    %dma_wait3A_140 = arith.constant 768 : i32
    %dma_wait3A_141 = arith.constant 0 : i32
    %dma_wait3A_142 = tpu.memref_slice %arg8[%dma_wait3A_140, %dma_wait3A_141] : memref<1024x32xf32, #tpu.memory_space<vmem>> -> memref<128x32xf32, #tpu.memory_space<vmem>>
    %dma_wait3A_143 = arith.constant 0 : i32
    %dma_wait3A_144 = tpu.memref_slice %arg6[%dma_wait3A_139, %dma_wait3A_143] : memref<32x128xi32, #tpu.memory_space<vmem>> -> memref<1x128xi32, #tpu.memory_space<vmem>>
    %dma_wait3A_145 = tpu.memref_squeeze %dma_wait3A_144 : memref<1x128xi32, #tpu.memory_space<vmem>> -> memref<128xi32, #tpu.memory_space<vmem>>
    %dma_wait3A_146 = arith.constant 0 : i32
    %dma_wait3A_147 = arith.constant 0 : i32
    %dma_wait3A_148 = tpu.memref_slice %arg4[%dma_wait3A_146, %dma_wait3A_147] : memref<16384x32xf32, #tpu.memory_space<hbm>> -> memref<16384x32xf32, #tpu.memory_space<hbm>>
    tpu.wait_indirect_dma semaphore(%arg10 : memref<!tpu.dma_semaphore, #tpu.memory_space<semaphore_mem>>) src(%dma_wait3A_148 : memref<16384x32xf32, #tpu.memory_space<hbm>>) dst(%dma_wait3A_142 : memref<128x32xf32, #tpu.memory_space<vmem>>)
    %dma_wait3A_149 = arith.constant 7 : i32
    %dma_wait3A_150 = arith.constant 896 : i32
    %dma_wait3A_151 = arith.constant 0 : i32
    %dma_wait3A_152 = tpu.memref_slice %arg8[%dma_wait3A_150, %dma_wait3A_151] : memref<1024x32xf32, #tpu.memory_space<vmem>> -> memref<128x32xf32, #tpu.memory_space<vmem>>
    %dma_wait3A_153 = arith.constant 0 : i32
    %dma_wait3A_154 = tpu.memref_slice %arg6[%dma_wait3A_149, %dma_wait3A_153] : memref<32x128xi32, #tpu.memory_space<vmem>> -> memref<1x128xi32, #tpu.memory_space<vmem>>
    %dma_wait3A_155 = tpu.memref_squeeze %dma_wait3A_154 : memref<1x128xi32, #tpu.memory_space<vmem>> -> memref<128xi32, #tpu.memory_space<vmem>>
    %dma_wait3A_156 = arith.constant 0 : i32
    %dma_wait3A_157 = arith.constant 0 : i32
    %dma_wait3A_158 = tpu.memref_slice %arg4[%dma_wait3A_156, %dma_wait3A_157] : memref<16384x32xf32, #tpu.memory_space<hbm>> -> memref<16384x32xf32, #tpu.memory_space<hbm>>
    tpu.wait_indirect_dma semaphore(%arg10 : memref<!tpu.dma_semaphore, #tpu.memory_space<semaphore_mem>>) src(%dma_wait3A_158 : memref<16384x32xf32, #tpu.memory_space<hbm>>) dst(%dma_wait3A_152 : memref<128x32xf32, #tpu.memory_space<vmem>>)
    %scan3A = arith.constant 0 : i32
    %scan3A_159 = arith.constant 0 : i32
    %scan3A_160 = arith.constant 64 : i32
    %scan3A_161 = arith.addi %scan3A_159, %scan3A_160 : i32
    %scan3A_162 = arith.constant 1 : i32
    %scan3A_163 = scf.for %scan3A_682 = %scan3A_159 to %scan3A_161 step %scan3A_162 iter_args(%scan3A_683 = %scan3A) -> (i32)  : i32 {
      %mul3A_684 = arith.constant 2 : i32
      %mul3A_685 = arith.muli %mul3A_684, %scan3A_682 : i32
      %add3A_686 = arith.constant 0 : i32
      %add3A_687 = arith.addi %add3A_686, %mul3A_685 : i32
      %mul3A_688 = arith.constant 8 : i32
      %mul3A_689 = arith.muli %add3A_687, %mul3A_688 : i32
      %get3A = arith.index_cast %mul3A_689 : i32 to index
      %get3A_690 = tpu.vector_load %arg7[%get3A] {strides = array<i32>} : memref<4096xf32, #tpu.memory_space<vmem>>, vector<16xf32>,
      %get3A_691 = vector.shape_cast %get3A_690 : vector<16xf32> to vector<16xf32>
      %mul3A_692 = arith.constant 2 : i32
      %mul3A_693 = arith.muli %mul3A_692, %scan3A_682 : i32
      %add3A_694 = arith.constant 0 : i32
      %add3A_695 = arith.addi %mul3A_693, %add3A_694 : i32
      %broadcast_in_dim3A = arith.constant 0.000000e+00 : f32
      %broadcast_in_dim3A_696 = vector.broadcast %broadcast_in_dim3A : f32 to vector<16xf32>
      %broadcast_in_dim3A_697 = arith.constant 0.000000e+00 : f32
      %broadcast_in_dim3A_698 = vector.broadcast %broadcast_in_dim3A_697 : f32 to vector<16xf32>
      %slice3A = vector.extract_strided_slice %get3A_691 {offsets = [0], sizes = [1], strides = [1]} : vector<16xf32> to vector<1xf32>
      %squeeze3A = vector.extract %slice3A[0] : f32 from vector<1xf32>
      %mul3A_699 = arith.constant 8 : i32
      %mul3A_700 = arith.muli %add3A_695, %mul3A_699 : i32
      %add3A_701 = arith.constant 0 : i32
      %add3A_702 = arith.addi %mul3A_700, %add3A_701 : i32
      %get3A_703 = arith.index_cast %add3A_702 : i32 to index
      %get3A_704 = arith.constant 0 : index
      %get3A_705 = tpu.vector_load %arg8[%get3A_703, %get3A_704] {strides = array<i32>} : memref<1024x32xf32, #tpu.memory_space<vmem>>, vector<1x16xf32>,
      %get3A_706 = vector.shape_cast %get3A_705 : vector<1x16xf32> to vector<16xf32>
      %mul3A_707 = vector.broadcast %squeeze3A : f32 to vector<16xf32>
      %mul3A_708 = arith.mulf %get3A_706, %mul3A_707 : vector<16xf32>
      %add3A_709 = arith.addf %broadcast_in_dim3A_696, %mul3A_708 : vector<16xf32>
      %get3A_710 = arith.index_cast %add3A_702 : i32 to index
      %get3A_711 = arith.constant 16 : index
      %get3A_712 = tpu.vector_load %arg8[%get3A_710, %get3A_711] {strides = array<i32>} : memref<1024x32xf32, #tpu.memory_space<vmem>>, vector<1x16xf32>,
      %get3A_713 = vector.shape_cast %get3A_712 : vector<1x16xf32> to vector<16xf32>
      %mul3A_714 = vector.broadcast %squeeze3A : f32 to vector<16xf32>
      %mul3A_715 = arith.mulf %get3A_713, %mul3A_714 : vector<16xf32>
      %add3A_716 = arith.addf %broadcast_in_dim3A_698, %mul3A_715 : vector<16xf32>
      %slice3A_717 = vector.extract_strided_slice %get3A_691 {offsets = [1], sizes = [1], strides = [1]} : vector<16xf32> to vector<1xf32>
      %squeeze3A_718 = vector.extract %slice3A_717[0] : f32 from vector<1xf32>
      %mul3A_719 = arith.constant 8 : i32
      %mul3A_720 = arith.muli %add3A_695, %mul3A_719 : i32
      %add3A_721 = arith.constant 1 : i32
      %add3A_722 = arith.addi %mul3A_720, %add3A_721 : i32
      %get3A_723 = arith.index_cast %add3A_722 : i32 to index
      %get3A_724 = arith.constant 0 : index
      %get3A_725 = tpu.vector_load %arg8[%get3A_723, %get3A_724] {strides = array<i32>} : memref<1024x32xf32, #tpu.memory_space<vmem>>, vector<1x16xf32>,
      %get3A_726 = vector.shape_cast %get3A_725 : vector<1x16xf32> to vector<16xf32>
      %mul3A_727 = vector.broadcast %squeeze3A_718 : f32 to vector<16xf32>
      %mul3A_728 = arith.mulf %get3A_726, %mul3A_727 : vector<16xf32>
      %add3A_729 = arith.addf %add3A_709, %mul3A_728 : vector<16xf32>
      %get3A_730 = arith.index_cast %add3A_722 : i32 to index
      %get3A_731 = arith.constant 16 : index
      %get3A_732 = tpu.vector_load %arg8[%get3A_730, %get3A_731] {strides = array<i32>} : memref<1024x32xf32, #tpu.memory_space<vmem>>, vector<1x16xf32>,
      %get3A_733 = vector.shape_cast %get3A_732 : vector<1x16xf32> to vector<16xf32>
      %mul3A_734 = vector.broadcast %squeeze3A_718 : f32 to vector<16xf32>
      %mul3A_735 = arith.mulf %get3A_733, %mul3A_734 : vector<16xf32>
      %add3A_736 = arith.addf %add3A_716, %mul3A_735 : vector<16xf32>
      %slice3A_737 = vector.extract_strided_slice %get3A_691 {offsets = [2], sizes = [1], strides = [1]} : vector<16xf32> to vector<1xf32>
      %squeeze3A_738 = vector.extract %slice3A_737[0] : f32 from vector<1xf32>
      %mul3A_739 = arith.constant 8 : i32
      %mul3A_740 = arith.muli %add3A_695, %mul3A_739 : i32
      %add3A_741 = arith.constant 2 : i32
      %add3A_742 = arith.addi %mul3A_740, %add3A_741 : i32
      %get3A_743 = arith.index_cast %add3A_742 : i32 to index
      %get3A_744 = arith.constant 0 : index
      %get3A_745 = tpu.vector_load %arg8[%get3A_743, %get3A_744] {strides = array<i32>} : memref<1024x32xf32, #tpu.memory_space<vmem>>, vector<1x16xf32>,
      %get3A_746 = vector.shape_cast %get3A_745 : vector<1x16xf32> to vector<16xf32>
      %mul3A_747 = vector.broadcast %squeeze3A_738 : f32 to vector<16xf32>
      %mul3A_748 = arith.mulf %get3A_746, %mul3A_747 : vector<16xf32>
      %add3A_749 = arith.addf %add3A_729, %mul3A_748 : vector<16xf32>
      %get3A_750 = arith.index_cast %add3A_742 : i32 to index
      %get3A_751 = arith.constant 16 : index
      %get3A_752 = tpu.vector_load %arg8[%get3A_750, %get3A_751] {strides = array<i32>} : memref<1024x32xf32, #tpu.memory_space<vmem>>, vector<1x16xf32>,
      %get3A_753 = vector.shape_cast %get3A_752 : vector<1x16xf32> to vector<16xf32>
      %mul3A_754 = vector.broadcast %squeeze3A_738 : f32 to vector<16xf32>
      %mul3A_755 = arith.mulf %get3A_753, %mul3A_754 : vector<16xf32>
      %add3A_756 = arith.addf %add3A_736, %mul3A_755 : vector<16xf32>
      %slice3A_757 = vector.extract_strided_slice %get3A_691 {offsets = [3], sizes = [1], strides = [1]} : vector<16xf32> to vector<1xf32>
      %squeeze3A_758 = vector.extract %slice3A_757[0] : f32 from vector<1xf32>
      %mul3A_759 = arith.constant 8 : i32
      %mul3A_760 = arith.muli %add3A_695, %mul3A_759 : i32
      %add3A_761 = arith.constant 3 : i32
      %add3A_762 = arith.addi %mul3A_760, %add3A_761 : i32
      %get3A_763 = arith.index_cast %add3A_762 : i32 to index
      %get3A_764 = arith.constant 0 : index
      %get3A_765 = tpu.vector_load %arg8[%get3A_763, %get3A_764] {strides = array<i32>} : memref<1024x32xf32, #tpu.memory_space<vmem>>, vector<1x16xf32>,
      %get3A_766 = vector.shape_cast %get3A_765 : vector<1x16xf32> to vector<16xf32>
      %mul3A_767 = vector.broadcast %squeeze3A_758 : f32 to vector<16xf32>
      %mul3A_768 = arith.mulf %get3A_766, %mul3A_767 : vector<16xf32>
      %add3A_769 = arith.addf %add3A_749, %mul3A_768 : vector<16xf32>
      %get3A_770 = arith.index_cast %add3A_762 : i32 to index
      %get3A_771 = arith.constant 16 : index
      %get3A_772 = tpu.vector_load %arg8[%get3A_770, %get3A_771] {strides = array<i32>} : memref<1024x32xf32, #tpu.memory_space<vmem>>, vector<1x16xf32>,
      %get3A_773 = vector.shape_cast %get3A_772 : vector<1x16xf32> to vector<16xf32>
      %mul3A_774 = vector.broadcast %squeeze3A_758 : f32 to vector<16xf32>
      %mul3A_775 = arith.mulf %get3A_773, %mul3A_774 : vector<16xf32>
      %add3A_776 = arith.addf %add3A_756, %mul3A_775 : vector<16xf32>
      %slice3A_777 = vector.extract_strided_slice %get3A_691 {offsets = [4], sizes = [1], strides = [1]} : vector<16xf32> to vector<1xf32>
      %squeeze3A_778 = vector.extract %slice3A_777[0] : f32 from vector<1xf32>
      %mul3A_779 = arith.constant 8 : i32
      %mul3A_780 = arith.muli %add3A_695, %mul3A_779 : i32
      %add3A_781 = arith.constant 4 : i32
      %add3A_782 = arith.addi %mul3A_780, %add3A_781 : i32
      %get3A_783 = arith.index_cast %add3A_782 : i32 to index
      %get3A_784 = arith.constant 0 : index
      %get3A_785 = tpu.vector_load %arg8[%get3A_783, %get3A_784] {strides = array<i32>} : memref<1024x32xf32, #tpu.memory_space<vmem>>, vector<1x16xf32>,
      %get3A_786 = vector.shape_cast %get3A_785 : vector<1x16xf32> to vector<16xf32>
      %mul3A_787 = vector.broadcast %squeeze3A_778 : f32 to vector<16xf32>
      %mul3A_788 = arith.mulf %get3A_786, %mul3A_787 : vector<16xf32>
      %add3A_789 = arith.addf %add3A_769, %mul3A_788 : vector<16xf32>
      %get3A_790 = arith.index_cast %add3A_782 : i32 to index
      %get3A_791 = arith.constant 16 : index
      %get3A_792 = tpu.vector_load %arg8[%get3A_790, %get3A_791] {strides = array<i32>} : memref<1024x32xf32, #tpu.memory_space<vmem>>, vector<1x16xf32>,
      %get3A_793 = vector.shape_cast %get3A_792 : vector<1x16xf32> to vector<16xf32>
      %mul3A_794 = vector.broadcast %squeeze3A_778 : f32 to vector<16xf32>
      %mul3A_795 = arith.mulf %get3A_793, %mul3A_794 : vector<16xf32>
      %add3A_796 = arith.addf %add3A_776, %mul3A_795 : vector<16xf32>
      %slice3A_797 = vector.extract_strided_slice %get3A_691 {offsets = [5], sizes = [1], strides = [1]} : vector<16xf32> to vector<1xf32>
      %squeeze3A_798 = vector.extract %slice3A_797[0] : f32 from vector<1xf32>
      %mul3A_799 = arith.constant 8 : i32
      %mul3A_800 = arith.muli %add3A_695, %mul3A_799 : i32
      %add3A_801 = arith.constant 5 : i32
      %add3A_802 = arith.addi %mul3A_800, %add3A_801 : i32
      %get3A_803 = arith.index_cast %add3A_802 : i32 to index
      %get3A_804 = arith.constant 0 : index
      %get3A_805 = tpu.vector_load %arg8[%get3A_803, %get3A_804] {strides = array<i32>} : memref<1024x32xf32, #tpu.memory_space<vmem>>, vector<1x16xf32>,
      %get3A_806 = vector.shape_cast %get3A_805 : vector<1x16xf32> to vector<16xf32>
      %mul3A_807 = vector.broadcast %squeeze3A_798 : f32 to vector<16xf32>
      %mul3A_808 = arith.mulf %get3A_806, %mul3A_807 : vector<16xf32>
      %add3A_809 = arith.addf %add3A_789, %mul3A_808 : vector<16xf32>
      %get3A_810 = arith.index_cast %add3A_802 : i32 to index
      %get3A_811 = arith.constant 16 : index
      %get3A_812 = tpu.vector_load %arg8[%get3A_810, %get3A_811] {strides = array<i32>} : memref<1024x32xf32, #tpu.memory_space<vmem>>, vector<1x16xf32>,
      %get3A_813 = vector.shape_cast %get3A_812 : vector<1x16xf32> to vector<16xf32>
      %mul3A_814 = vector.broadcast %squeeze3A_798 : f32 to vector<16xf32>
      %mul3A_815 = arith.mulf %get3A_813, %mul3A_814 : vector<16xf32>
      %add3A_816 = arith.addf %add3A_796, %mul3A_815 : vector<16xf32>
      %slice3A_817 = vector.extract_strided_slice %get3A_691 {offsets = [6], sizes = [1], strides = [1]} : vector<16xf32> to vector<1xf32>
      %squeeze3A_818 = vector.extract %slice3A_817[0] : f32 from vector<1xf32>
      %mul3A_819 = arith.constant 8 : i32
      %mul3A_820 = arith.muli %add3A_695, %mul3A_819 : i32
      %add3A_821 = arith.constant 6 : i32
      %add3A_822 = arith.addi %mul3A_820, %add3A_821 : i32
      %get3A_823 = arith.index_cast %add3A_822 : i32 to index
      %get3A_824 = arith.constant 0 : index
      %get3A_825 = tpu.vector_load %arg8[%get3A_823, %get3A_824] {strides = array<i32>} : memref<1024x32xf32, #tpu.memory_space<vmem>>, vector<1x16xf32>,
      %get3A_826 = vector.shape_cast %get3A_825 : vector<1x16xf32> to vector<16xf32>
      %mul3A_827 = vector.broadcast %squeeze3A_818 : f32 to vector<16xf32>
      %mul3A_828 = arith.mulf %get3A_826, %mul3A_827 : vector<16xf32>
      %add3A_829 = arith.addf %add3A_809, %mul3A_828 : vector<16xf32>
      %get3A_830 = arith.index_cast %add3A_822 : i32 to index
      %get3A_831 = arith.constant 16 : index
      %get3A_832 = tpu.vector_load %arg8[%get3A_830, %get3A_831] {strides = array<i32>} : memref<1024x32xf32, #tpu.memory_space<vmem>>, vector<1x16xf32>,
      %get3A_833 = vector.shape_cast %get3A_832 : vector<1x16xf32> to vector<16xf32>
      %mul3A_834 = vector.broadcast %squeeze3A_818 : f32 to vector<16xf32>
      %mul3A_835 = arith.mulf %get3A_833, %mul3A_834 : vector<16xf32>
      %add3A_836 = arith.addf %add3A_816, %mul3A_835 : vector<16xf32>
      %slice3A_837 = vector.extract_strided_slice %get3A_691 {offsets = [7], sizes = [1], strides = [1]} : vector<16xf32> to vector<1xf32>
      %squeeze3A_838 = vector.extract %slice3A_837[0] : f32 from vector<1xf32>
      %mul3A_839 = arith.constant 8 : i32
      %mul3A_840 = arith.muli %add3A_695, %mul3A_839 : i32
      %add3A_841 = arith.constant 7 : i32
      %add3A_842 = arith.addi %mul3A_840, %add3A_841 : i32
      %get3A_843 = arith.index_cast %add3A_842 : i32 to index
      %get3A_844 = arith.constant 0 : index
      %get3A_845 = tpu.vector_load %arg8[%get3A_843, %get3A_844] {strides = array<i32>} : memref<1024x32xf32, #tpu.memory_space<vmem>>, vector<1x16xf32>,
      %get3A_846 = vector.shape_cast %get3A_845 : vector<1x16xf32> to vector<16xf32>
      %mul3A_847 = vector.broadcast %squeeze3A_838 : f32 to vector<16xf32>
      %mul3A_848 = arith.mulf %get3A_846, %mul3A_847 : vector<16xf32>
      %add3A_849 = arith.addf %add3A_829, %mul3A_848 : vector<16xf32>
      %get3A_850 = arith.index_cast %add3A_842 : i32 to index
      %get3A_851 = arith.constant 16 : index
      %get3A_852 = tpu.vector_load %arg8[%get3A_850, %get3A_851] {strides = array<i32>} : memref<1024x32xf32, #tpu.memory_space<vmem>>, vector<1x16xf32>,
      %get3A_853 = vector.shape_cast %get3A_852 : vector<1x16xf32> to vector<16xf32>
      %mul3A_854 = vector.broadcast %squeeze3A_838 : f32 to vector<16xf32>
      %mul3A_855 = arith.mulf %get3A_853, %mul3A_854 : vector<16xf32>
      %add3A_856 = arith.addf %add3A_836, %mul3A_855 : vector<16xf32>
      %swap3A = arith.index_cast %add3A_695 : i32 to index
      %swap3A_857 = arith.constant 0 : index
      %swap3A_858 = tpu.vector_load %arg9[%swap3A, %swap3A_857] {strides = array<i32>} : memref<128x32xf32, #tpu.memory_space<vmem>>, vector<1x16xf32>,
      %swap3A_859 = vector.shape_cast %swap3A_858 : vector<1x16xf32> to vector<16xf32>
      %swap3A_860 = vector.shape_cast %add3A_849 : vector<16xf32> to vector<1x16xf32>
      tpu.vector_store %arg9[%swap3A, %swap3A_857], %swap3A_860 {strides = array<i32>} : memref<128x32xf32, #tpu.memory_space<vmem>>, vector<1x16xf32>,
      %swap3A_861 = arith.index_cast %add3A_695 : i32 to index
      %swap3A_862 = arith.constant 16 : index
      %swap3A_863 = tpu.vector_load %arg9[%swap3A_861, %swap3A_862] {strides = array<i32>} : memref<128x32xf32, #tpu.memory_space<vmem>>, vector<1x16xf32>,
      %swap3A_864 = vector.shape_cast %swap3A_863 : vector<1x16xf32> to vector<16xf32>
      %swap3A_865 = vector.shape_cast %add3A_856 : vector<16xf32> to vector<1x16xf32>
      tpu.vector_store %arg9[%swap3A_861, %swap3A_862], %swap3A_865 {strides = array<i32>} : memref<128x32xf32, #tpu.memory_space<vmem>>, vector<1x16xf32>,
      %mul3A_866 = arith.constant 2 : i32
      %mul3A_867 = arith.muli %mul3A_866, %scan3A_682 : i32
      %add3A_868 = arith.constant 1 : i32
      %add3A_869 = arith.addi %mul3A_867, %add3A_868 : i32
      %broadcast_in_dim3A_870 = arith.constant 0.000000e+00 : f32
      %broadcast_in_dim3A_871 = vector.broadcast %broadcast_in_dim3A_870 : f32 to vector<16xf32>
      %broadcast_in_dim3A_872 = arith.constant 0.000000e+00 : f32
      %broadcast_in_dim3A_873 = vector.broadcast %broadcast_in_dim3A_872 : f32 to vector<16xf32>
      %slice3A_874 = vector.extract_strided_slice %get3A_691 {offsets = [8], sizes = [1], strides = [1]} : vector<16xf32> to vector<1xf32>
      %squeeze3A_875 = vector.extract %slice3A_874[0] : f32 from vector<1xf32>
      %mul3A_876 = arith.constant 8 : i32
      %mul3A_877 = arith.muli %add3A_869, %mul3A_876 : i32
      %add3A_878 = arith.constant 0 : i32
      %add3A_879 = arith.addi %mul3A_877, %add3A_878 : i32
      %get3A_880 = arith.index_cast %add3A_879 : i32 to index
      %get3A_881 = arith.constant 0 : index
      %get3A_882 = tpu.vector_load %arg8[%get3A_880, %get3A_881] {strides = array<i32>} : memref<1024x32xf32, #tpu.memory_space<vmem>>, vector<1x16xf32>,
      %get3A_883 = vector.shape_cast %get3A_882 : vector<1x16xf32> to vector<16xf32>
      %mul3A_884 = vector.broadcast %squeeze3A_875 : f32 to vector<16xf32>
      %mul3A_885 = arith.mulf %get3A_883, %mul3A_884 : vector<16xf32>
      %add3A_886 = arith.addf %broadcast_in_dim3A_871, %mul3A_885 : vector<16xf32>
      %get3A_887 = arith.index_cast %add3A_879 : i32 to index
      %get3A_888 = arith.constant 16 : index
      %get3A_889 = tpu.vector_load %arg8[%get3A_887, %get3A_888] {strides = array<i32>} : memref<1024x32xf32, #tpu.memory_space<vmem>>, vector<1x16xf32>,
      %get3A_890 = vector.shape_cast %get3A_889 : vector<1x16xf32> to vector<16xf32>
      %mul3A_891 = vector.broadcast %squeeze3A_875 : f32 to vector<16xf32>
      %mul3A_892 = arith.mulf %get3A_890, %mul3A_891 : vector<16xf32>
      %add3A_893 = arith.addf %broadcast_in_dim3A_873, %mul3A_892 : vector<16xf32>
      %slice3A_894 = vector.extract_strided_slice %get3A_691 {offsets = [9], sizes = [1], strides = [1]} : vector<16xf32> to vector<1xf32>
      %squeeze3A_895 = vector.extract %slice3A_894[0] : f32 from vector<1xf32>
      %mul3A_896 = arith.constant 8 : i32
      %mul3A_897 = arith.muli %add3A_869, %mul3A_896 : i32
      %add3A_898 = arith.constant 1 : i32
      %add3A_899 = arith.addi %mul3A_897, %add3A_898 : i32
      %get3A_900 = arith.index_cast %add3A_899 : i32 to index
      %get3A_901 = arith.constant 0 : index
      %get3A_902 = tpu.vector_load %arg8[%get3A_900, %get3A_901] {strides = array<i32>} : memref<1024x32xf32, #tpu.memory_space<vmem>>, vector<1x16xf32>,
      %get3A_903 = vector.shape_cast %get3A_902 : vector<1x16xf32> to vector<16xf32>
      %mul3A_904 = vector.broadcast %squeeze3A_895 : f32 to vector<16xf32>
      %mul3A_905 = arith.mulf %get3A_903, %mul3A_904 : vector<16xf32>
      %add3A_906 = arith.addf %add3A_886, %mul3A_905 : vector<16xf32>
      %get3A_907 = arith.index_cast %add3A_899 : i32 to index
      %get3A_908 = arith.constant 16 : index
      %get3A_909 = tpu.vector_load %arg8[%get3A_907, %get3A_908] {strides = array<i32>} : memref<1024x32xf32, #tpu.memory_space<vmem>>, vector<1x16xf32>,
      %get3A_910 = vector.shape_cast %get3A_909 : vector<1x16xf32> to vector<16xf32>
      %mul3A_911 = vector.broadcast %squeeze3A_895 : f32 to vector<16xf32>
      %mul3A_912 = arith.mulf %get3A_910, %mul3A_911 : vector<16xf32>
      %add3A_913 = arith.addf %add3A_893, %mul3A_912 : vector<16xf32>
      %slice3A_914 = vector.extract_strided_slice %get3A_691 {offsets = [10], sizes = [1], strides = [1]} : vector<16xf32> to vector<1xf32>
      %squeeze3A_915 = vector.extract %slice3A_914[0] : f32 from vector<1xf32>
      %mul3A_916 = arith.constant 8 : i32
      %mul3A_917 = arith.muli %add3A_869, %mul3A_916 : i32
      %add3A_918 = arith.constant 2 : i32
      %add3A_919 = arith.addi %mul3A_917, %add3A_918 : i32
      %get3A_920 = arith.index_cast %add3A_919 : i32 to index
      %get3A_921 = arith.constant 0 : index
      %get3A_922 = tpu.vector_load %arg8[%get3A_920, %get3A_921] {strides = array<i32>} : memref<1024x32xf32, #tpu.memory_space<vmem>>, vector<1x16xf32>,
      %get3A_923 = vector.shape_cast %get3A_922 : vector<1x16xf32> to vector<16xf32>
      %mul3A_924 = vector.broadcast %squeeze3A_915 : f32 to vector<16xf32>
      %mul3A_925 = arith.mulf %get3A_923, %mul3A_924 : vector<16xf32>
      %add3A_926 = arith.addf %add3A_906, %mul3A_925 : vector<16xf32>
      %get3A_927 = arith.index_cast %add3A_919 : i32 to index
      %get3A_928 = arith.constant 16 : index
      %get3A_929 = tpu.vector_load %arg8[%get3A_927, %get3A_928] {strides = array<i32>} : memref<1024x32xf32, #tpu.memory_space<vmem>>, vector<1x16xf32>,
      %get3A_930 = vector.shape_cast %get3A_929 : vector<1x16xf32> to vector<16xf32>
      %mul3A_931 = vector.broadcast %squeeze3A_915 : f32 to vector<16xf32>
      %mul3A_932 = arith.mulf %get3A_930, %mul3A_931 : vector<16xf32>
      %add3A_933 = arith.addf %add3A_913, %mul3A_932 : vector<16xf32>
      %slice3A_934 = vector.extract_strided_slice %get3A_691 {offsets = [11], sizes = [1], strides = [1]} : vector<16xf32> to vector<1xf32>
      %squeeze3A_935 = vector.extract %slice3A_934[0] : f32 from vector<1xf32>
      %mul3A_936 = arith.constant 8 : i32
      %mul3A_937 = arith.muli %add3A_869, %mul3A_936 : i32
      %add3A_938 = arith.constant 3 : i32
      %add3A_939 = arith.addi %mul3A_937, %add3A_938 : i32
      %get3A_940 = arith.index_cast %add3A_939 : i32 to index
      %get3A_941 = arith.constant 0 : index
      %get3A_942 = tpu.vector_load %arg8[%get3A_940, %get3A_941] {strides = array<i32>} : memref<1024x32xf32, #tpu.memory_space<vmem>>, vector<1x16xf32>,
      %get3A_943 = vector.shape_cast %get3A_942 : vector<1x16xf32> to vector<16xf32>
      %mul3A_944 = vector.broadcast %squeeze3A_935 : f32 to vector<16xf32>
      %mul3A_945 = arith.mulf %get3A_943, %mul3A_944 : vector<16xf32>
      %add3A_946 = arith.addf %add3A_926, %mul3A_945 : vector<16xf32>
      %get3A_947 = arith.index_cast %add3A_939 : i32 to index
      %get3A_948 = arith.constant 16 : index
      %get3A_949 = tpu.vector_load %arg8[%get3A_947, %get3A_948] {strides = array<i32>} : memref<1024x32xf32, #tpu.memory_space<vmem>>, vector<1x16xf32>,
      %get3A_950 = vector.shape_cast %get3A_949 : vector<1x16xf32> to vector<16xf32>
      %mul3A_951 = vector.broadcast %squeeze3A_935 : f32 to vector<16xf32>
      %mul3A_952 = arith.mulf %get3A_950, %mul3A_951 : vector<16xf32>
      %add3A_953 = arith.addf %add3A_933, %mul3A_952 : vector<16xf32>
      %slice3A_954 = vector.extract_strided_slice %get3A_691 {offsets = [12], sizes = [1], strides = [1]} : vector<16xf32> to vector<1xf32>
      %squeeze3A_955 = vector.extract %slice3A_954[0] : f32 from vector<1xf32>
      %mul3A_956 = arith.constant 8 : i32
      %mul3A_957 = arith.muli %add3A_869, %mul3A_956 : i32
      %add3A_958 = arith.constant 4 : i32
      %add3A_959 = arith.addi %mul3A_957, %add3A_958 : i32
      %get3A_960 = arith.index_cast %add3A_959 : i32 to index
      %get3A_961 = arith.constant 0 : index
      %get3A_962 = tpu.vector_load %arg8[%get3A_960, %get3A_961] {strides = array<i32>} : memref<1024x32xf32, #tpu.memory_space<vmem>>, vector<1x16xf32>,
      %get3A_963 = vector.shape_cast %get3A_962 : vector<1x16xf32> to vector<16xf32>
      %mul3A_964 = vector.broadcast %squeeze3A_955 : f32 to vector<16xf32>
      %mul3A_965 = arith.mulf %get3A_963, %mul3A_964 : vector<16xf32>
      %add3A_966 = arith.addf %add3A_946, %mul3A_965 : vector<16xf32>
      %get3A_967 = arith.index_cast %add3A_959 : i32 to index
      %get3A_968 = arith.constant 16 : index
      %get3A_969 = tpu.vector_load %arg8[%get3A_967, %get3A_968] {strides = array<i32>} : memref<1024x32xf32, #tpu.memory_space<vmem>>, vector<1x16xf32>,
      %get3A_970 = vector.shape_cast %get3A_969 : vector<1x16xf32> to vector<16xf32>
      %mul3A_971 = vector.broadcast %squeeze3A_955 : f32 to vector<16xf32>
      %mul3A_972 = arith.mulf %get3A_970, %mul3A_971 : vector<16xf32>
      %add3A_973 = arith.addf %add3A_953, %mul3A_972 : vector<16xf32>
      %slice3A_974 = vector.extract_strided_slice %get3A_691 {offsets = [13], sizes = [1], strides = [1]} : vector<16xf32> to vector<1xf32>
      %squeeze3A_975 = vector.extract %slice3A_974[0] : f32 from vector<1xf32>
      %mul3A_976 = arith.constant 8 : i32
      %mul3A_977 = arith.muli %add3A_869, %mul3A_976 : i32
      %add3A_978 = arith.constant 5 : i32
      %add3A_979 = arith.addi %mul3A_977, %add3A_978 : i32
      %get3A_980 = arith.index_cast %add3A_979 : i32 to index
      %get3A_981 = arith.constant 0 : index
      %get3A_982 = tpu.vector_load %arg8[%get3A_980, %get3A_981] {strides = array<i32>} : memref<1024x32xf32, #tpu.memory_space<vmem>>, vector<1x16xf32>,
      %get3A_983 = vector.shape_cast %get3A_982 : vector<1x16xf32> to vector<16xf32>
      %mul3A_984 = vector.broadcast %squeeze3A_975 : f32 to vector<16xf32>
      %mul3A_985 = arith.mulf %get3A_983, %mul3A_984 : vector<16xf32>
      %add3A_986 = arith.addf %add3A_966, %mul3A_985 : vector<16xf32>
      %get3A_987 = arith.index_cast %add3A_979 : i32 to index
      %get3A_988 = arith.constant 16 : index
      %get3A_989 = tpu.vector_load %arg8[%get3A_987, %get3A_988] {strides = array<i32>} : memref<1024x32xf32, #tpu.memory_space<vmem>>, vector<1x16xf32>,
      %get3A_990 = vector.shape_cast %get3A_989 : vector<1x16xf32> to vector<16xf32>
      %mul3A_991 = vector.broadcast %squeeze3A_975 : f32 to vector<16xf32>
      %mul3A_992 = arith.mulf %get3A_990, %mul3A_991 : vector<16xf32>
      %add3A_993 = arith.addf %add3A_973, %mul3A_992 : vector<16xf32>
      %slice3A_994 = vector.extract_strided_slice %get3A_691 {offsets = [14], sizes = [1], strides = [1]} : vector<16xf32> to vector<1xf32>
      %squeeze3A_995 = vector.extract %slice3A_994[0] : f32 from vector<1xf32>
      %mul3A_996 = arith.constant 8 : i32
      %mul3A_997 = arith.muli %add3A_869, %mul3A_996 : i32
      %add3A_998 = arith.constant 6 : i32
      %add3A_999 = arith.addi %mul3A_997, %add3A_998 : i32
      %get3A_1000 = arith.index_cast %add3A_999 : i32 to index
      %get3A_1001 = arith.constant 0 : index
      %get3A_1002 = tpu.vector_load %arg8[%get3A_1000, %get3A_1001] {strides = array<i32>} : memref<1024x32xf32, #tpu.memory_space<vmem>>, vector<1x16xf32>,
      %get3A_1003 = vector.shape_cast %get3A_1002 : vector<1x16xf32> to vector<16xf32>
      %mul3A_1004 = vector.broadcast %squeeze3A_995 : f32 to vector<16xf32>
      %mul3A_1005 = arith.mulf %get3A_1003, %mul3A_1004 : vector<16xf32>
      %add3A_1006 = arith.addf %add3A_986, %mul3A_1005 : vector<16xf32>
      %get3A_1007 = arith.index_cast %add3A_999 : i32 to index
      %get3A_1008 = arith.constant 16 : index
      %get3A_1009 = tpu.vector_load %arg8[%get3A_1007, %get3A_1008] {strides = array<i32>} : memref<1024x32xf32, #tpu.memory_space<vmem>>, vector<1x16xf32>,
      %get3A_1010 = vector.shape_cast %get3A_1009 : vector<1x16xf32> to vector<16xf32>
      %mul3A_1011 = vector.broadcast %squeeze3A_995 : f32 to vector<16xf32>
      %mul3A_1012 = arith.mulf %get3A_1010, %mul3A_1011 : vector<16xf32>
      %add3A_1013 = arith.addf %add3A_993, %mul3A_1012 : vector<16xf32>
      %slice3A_1014 = vector.extract_strided_slice %get3A_691 {offsets = [15], sizes = [1], strides = [1]} : vector<16xf32> to vector<1xf32>
      %squeeze3A_1015 = vector.extract %slice3A_1014[0] : f32 from vector<1xf32>
      %mul3A_1016 = arith.constant 8 : i32
      %mul3A_1017 = arith.muli %add3A_869, %mul3A_1016 : i32
      %add3A_1018 = arith.constant 7 : i32
      %add3A_1019 = arith.addi %mul3A_1017, %add3A_1018 : i32
      %get3A_1020 = arith.index_cast %add3A_1019 : i32 to index
      %get3A_1021 = arith.constant 0 : index
      %get3A_1022 = tpu.vector_load %arg8[%get3A_1020, %get3A_1021] {strides = array<i32>} : memref<1024x32xf32, #tpu.memory_space<vmem>>, vector<1x16xf32>,
      %get3A_1023 = vector.shape_cast %get3A_1022 : vector<1x16xf32> to vector<16xf32>
      %mul3A_1024 = vector.broadcast %squeeze3A_1015 : f32 to vector<16xf32>
      %mul3A_1025 = arith.mulf %get3A_1023, %mul3A_1024 : vector<16xf32>
      %add3A_1026 = arith.addf %add3A_1006, %mul3A_1025 : vector<16xf32>
      %get3A_1027 = arith.index_cast %add3A_1019 : i32 to index
      %get3A_1028 = arith.constant 16 : index
      %get3A_1029 = tpu.vector_load %arg8[%get3A_1027, %get3A_1028] {strides = array<i32>} : memref<1024x32xf32, #tpu.memory_space<vmem>>, vector<1x16xf32>,
      %get3A_1030 = vector.shape_cast %get3A_1029 : vector<1x16xf32> to vector<16xf32>
      %mul3A_1031 = vector.broadcast %squeeze3A_1015 : f32 to vector<16xf32>
      %mul3A_1032 = arith.mulf %get3A_1030, %mul3A_1031 : vector<16xf32>
      %add3A_1033 = arith.addf %add3A_1013, %mul3A_1032 : vector<16xf32>
      %swap3A_1034 = arith.index_cast %add3A_869 : i32 to index
      %swap3A_1035 = arith.constant 0 : index
      %swap3A_1036 = tpu.vector_load %arg9[%swap3A_1034, %swap3A_1035] {strides = array<i32>} : memref<128x32xf32, #tpu.memory_space<vmem>>, vector<1x16xf32>,
      %swap3A_1037 = vector.shape_cast %swap3A_1036 : vector<1x16xf32> to vector<16xf32>
      %swap3A_1038 = vector.shape_cast %add3A_1026 : vector<16xf32> to vector<1x16xf32>
      tpu.vector_store %arg9[%swap3A_1034, %swap3A_1035], %swap3A_1038 {strides = array<i32>} : memref<128x32xf32, #tpu.memory_space<vmem>>, vector<1x16xf32>,
      %swap3A_1039 = arith.index_cast %add3A_869 : i32 to index
      %swap3A_1040 = arith.constant 16 : index
      %swap3A_1041 = tpu.vector_load %arg9[%swap3A_1039, %swap3A_1040] {strides = array<i32>} : memref<128x32xf32, #tpu.memory_space<vmem>>, vector<1x16xf32>,
      %swap3A_1042 = vector.shape_cast %swap3A_1041 : vector<1x16xf32> to vector<16xf32>
      %swap3A_1043 = vector.shape_cast %add3A_1033 : vector<16xf32> to vector<1x16xf32>
      tpu.vector_store %arg9[%swap3A_1039, %swap3A_1040], %swap3A_1043 {strides = array<i32>} : memref<128x32xf32, #tpu.memory_space<vmem>>, vector<1x16xf32>,
      %scan3A_1044 = arith.constant 0 : i32
      scf.yield %scan3A_1044 : i32
    }
    %scan3A_164 = arith.constant 64 : i32
    %mul3A_165 = arith.constant 512 : i32
    %mul3A_166 = arith.muli %add3A, %mul3A_165 : i32
    %add3A_167 = arith.constant 0 : i32
    %add3A_168 = arith.addi %mul3A_166, %add3A_167 : i32
    "tpu.region"() ({
      %run_scoped3A = tpu.sem_alloc : memref<!tpu.dma_semaphore, #tpu.memory_space<semaphore_mem>>
      %dma_start3A_682 = arith.constant 0 : i32
      %dma_start3A_683 = tpu.memref_slice %arg5[%add3A_168, %dma_start3A_682] : memref<16384x32xf32, #tpu.memory_space<hbm>> -> memref<128x32xf32, #tpu.memory_space<hbm>>
      %dma_start3A_684 = arith.constant 0 : i32
      %dma_start3A_685 = tpu.memref_slice %arg5[%add3A_168, %dma_start3A_684] : memref<16384x32xf32, #tpu.memory_space<hbm>> -> memref<128x32xf32, #tpu.memory_space<hbm>>
      tpu.enqueue_dma source(%arg9 : memref<128x32xf32, #tpu.memory_space<vmem>>) target(%dma_start3A_685 : memref<128x32xf32, #tpu.memory_space<hbm>>) target_semaphore(%run_scoped3A : memref<!tpu.dma_semaphore, #tpu.memory_space<semaphore_mem>>)
      %dma_wait3A_686 = arith.constant 0 : i32
      %dma_wait3A_687 = tpu.memref_slice %arg5[%add3A_168, %dma_wait3A_686] : memref<16384x32xf32, #tpu.memory_space<hbm>> -> memref<128x32xf32, #tpu.memory_space<hbm>>
      %dma_wait3A_688 = arith.constant 0 : i32
      %dma_wait3A_689 = tpu.memref_slice %arg5[%add3A_168, %dma_wait3A_688] : memref<16384x32xf32, #tpu.memory_space<hbm>> -> memref<128x32xf32, #tpu.memory_space<hbm>>
      tpu.wait_dma2 semaphore(%run_scoped3A : memref<!tpu.dma_semaphore, #tpu.memory_space<semaphore_mem>>) src(%arg9 : memref<128x32xf32, #tpu.memory_space<vmem>>) dst(%dma_wait3A_689 : memref<128x32xf32, #tpu.memory_space<hbm>>)
      tpu.yield
    }) : () -> ()
    %dma_start3A_169 = arith.constant 8 : i32
    %dma_start3A_170 = arith.constant 0 : i32
    %dma_start3A_171 = arith.constant 0 : i32
    %dma_start3A_172 = tpu.memref_slice %arg8[%dma_start3A_170, %dma_start3A_171] : memref<1024x32xf32, #tpu.memory_space<vmem>> -> memref<128x32xf32, #tpu.memory_space<vmem>>
    %dma_start3A_173 = arith.constant 0 : i32
    %dma_start3A_174 = tpu.memref_slice %arg6[%dma_start3A_169, %dma_start3A_173] : memref<32x128xi32, #tpu.memory_space<vmem>> -> memref<1x128xi32, #tpu.memory_space<vmem>>
    %dma_start3A_175 = tpu.memref_squeeze %dma_start3A_174 : memref<1x128xi32, #tpu.memory_space<vmem>> -> memref<128xi32, #tpu.memory_space<vmem>>
    %dma_start3A_176 = arith.constant 0 : i32
    %dma_start3A_177 = arith.constant 0 : i32
    %dma_start3A_178 = tpu.memref_slice %arg4[%dma_start3A_176, %dma_start3A_177] : memref<16384x32xf32, #tpu.memory_space<hbm>> -> memref<16384x32xf32, #tpu.memory_space<hbm>>
    tpu.enqueue_indirect_dma source(%dma_start3A_178 : memref<16384x32xf32, #tpu.memory_space<hbm>>) target(%dma_start3A_172 : memref<128x32xf32, #tpu.memory_space<vmem>>) offsets(%dma_start3A_175 : memref<128xi32, #tpu.memory_space<vmem>>) semaphore(%arg10 : memref<!tpu.dma_semaphore, #tpu.memory_space<semaphore_mem>>)
    %dma_start3A_179 = arith.constant 9 : i32
    %dma_start3A_180 = arith.constant 128 : i32
    %dma_start3A_181 = arith.constant 0 : i32
    %dma_start3A_182 = tpu.memref_slice %arg8[%dma_start3A_180, %dma_start3A_181] : memref<1024x32xf32, #tpu.memory_space<vmem>> -> memref<128x32xf32, #tpu.memory_space<vmem>>
    %dma_start3A_183 = arith.constant 0 : i32
    %dma_start3A_184 = tpu.memref_slice %arg6[%dma_start3A_179, %dma_start3A_183] : memref<32x128xi32, #tpu.memory_space<vmem>> -> memref<1x128xi32, #tpu.memory_space<vmem>>
    %dma_start3A_185 = tpu.memref_squeeze %dma_start3A_184 : memref<1x128xi32, #tpu.memory_space<vmem>> -> memref<128xi32, #tpu.memory_space<vmem>>
    %dma_start3A_186 = arith.constant 0 : i32
    %dma_start3A_187 = arith.constant 0 : i32
    %dma_start3A_188 = tpu.memref_slice %arg4[%dma_start3A_186, %dma_start3A_187] : memref<16384x32xf32, #tpu.memory_space<hbm>> -> memref<16384x32xf32, #tpu.memory_space<hbm>>
    tpu.enqueue_indirect_dma source(%dma_start3A_188 : memref<16384x32xf32, #tpu.memory_space<hbm>>) target(%dma_start3A_182 : memref<128x32xf32, #tpu.memory_space<vmem>>) offsets(%dma_start3A_185 : memref<128xi32, #tpu.memory_space<vmem>>) semaphore(%arg10 : memref<!tpu.dma_semaphore, #tpu.memory_space<semaphore_mem>>)
    %dma_start3A_189 = arith.constant 10 : i32
    %dma_start3A_190 = arith.constant 256 : i32
    %dma_start3A_191 = arith.constant 0 : i32
    %dma_start3A_192 = tpu.memref_slice %arg8[%dma_start3A_190, %dma_start3A_191] : memref<1024x32xf32, #tpu.memory_space<vmem>> -> memref<128x32xf32, #tpu.memory_space<vmem>>
    %dma_start3A_193 = arith.constant 0 : i32
    %dma_start3A_194 = tpu.memref_slice %arg6[%dma_start3A_189, %dma_start3A_193] : memref<32x128xi32, #tpu.memory_space<vmem>> -> memref<1x128xi32, #tpu.memory_space<vmem>>
    %dma_start3A_195 = tpu.memref_squeeze %dma_start3A_194 : memref<1x128xi32, #tpu.memory_space<vmem>> -> memref<128xi32, #tpu.memory_space<vmem>>
    %dma_start3A_196 = arith.constant 0 : i32
    %dma_start3A_197 = arith.constant 0 : i32
    %dma_start3A_198 = tpu.memref_slice %arg4[%dma_start3A_196, %dma_start3A_197] : memref<16384x32xf32, #tpu.memory_space<hbm>> -> memref<16384x32xf32, #tpu.memory_space<hbm>>
    tpu.enqueue_indirect_dma source(%dma_start3A_198 : memref<16384x32xf32, #tpu.memory_space<hbm>>) target(%dma_start3A_192 : memref<128x32xf32, #tpu.memory_space<vmem>>) offsets(%dma_start3A_195 : memref<128xi32, #tpu.memory_space<vmem>>) semaphore(%arg10 : memref<!tpu.dma_semaphore, #tpu.memory_space<semaphore_mem>>)
    %dma_start3A_199 = arith.constant 11 : i32
    %dma_start3A_200 = arith.constant 384 : i32
    %dma_start3A_201 = arith.constant 0 : i32
    %dma_start3A_202 = tpu.memref_slice %arg8[%dma_start3A_200, %dma_start3A_201] : memref<1024x32xf32, #tpu.memory_space<vmem>> -> memref<128x32xf32, #tpu.memory_space<vmem>>
    %dma_start3A_203 = arith.constant 0 : i32
    %dma_start3A_204 = tpu.memref_slice %arg6[%dma_start3A_199, %dma_start3A_203] : memref<32x128xi32, #tpu.memory_space<vmem>> -> memref<1x128xi32, #tpu.memory_space<vmem>>
    %dma_start3A_205 = tpu.memref_squeeze %dma_start3A_204 : memref<1x128xi32, #tpu.memory_space<vmem>> -> memref<128xi32, #tpu.memory_space<vmem>>
    %dma_start3A_206 = arith.constant 0 : i32
    %dma_start3A_207 = arith.constant 0 : i32
    %dma_start3A_208 = tpu.memref_slice %arg4[%dma_start3A_206, %dma_start3A_207] : memref<16384x32xf32, #tpu.memory_space<hbm>> -> memref<16384x32xf32, #tpu.memory_space<hbm>>
    tpu.enqueue_indirect_dma source(%dma_start3A_208 : memref<16384x32xf32, #tpu.memory_space<hbm>>) target(%dma_start3A_202 : memref<128x32xf32, #tpu.memory_space<vmem>>) offsets(%dma_start3A_205 : memref<128xi32, #tpu.memory_space<vmem>>) semaphore(%arg10 : memref<!tpu.dma_semaphore, #tpu.memory_space<semaphore_mem>>)
    %dma_start3A_209 = arith.constant 12 : i32
    %dma_start3A_210 = arith.constant 512 : i32
    %dma_start3A_211 = arith.constant 0 : i32
    %dma_start3A_212 = tpu.memref_slice %arg8[%dma_start3A_210, %dma_start3A_211] : memref<1024x32xf32, #tpu.memory_space<vmem>> -> memref<128x32xf32, #tpu.memory_space<vmem>>
    %dma_start3A_213 = arith.constant 0 : i32
    %dma_start3A_214 = tpu.memref_slice %arg6[%dma_start3A_209, %dma_start3A_213] : memref<32x128xi32, #tpu.memory_space<vmem>> -> memref<1x128xi32, #tpu.memory_space<vmem>>
    %dma_start3A_215 = tpu.memref_squeeze %dma_start3A_214 : memref<1x128xi32, #tpu.memory_space<vmem>> -> memref<128xi32, #tpu.memory_space<vmem>>
    %dma_start3A_216 = arith.constant 0 : i32
    %dma_start3A_217 = arith.constant 0 : i32
    %dma_start3A_218 = tpu.memref_slice %arg4[%dma_start3A_216, %dma_start3A_217] : memref<16384x32xf32, #tpu.memory_space<hbm>> -> memref<16384x32xf32, #tpu.memory_space<hbm>>
    tpu.enqueue_indirect_dma source(%dma_start3A_218 : memref<16384x32xf32, #tpu.memory_space<hbm>>) target(%dma_start3A_212 : memref<128x32xf32, #tpu.memory_space<vmem>>) offsets(%dma_start3A_215 : memref<128xi32, #tpu.memory_space<vmem>>) semaphore(%arg10 : memref<!tpu.dma_semaphore, #tpu.memory_space<semaphore_mem>>)
    %dma_start3A_219 = arith.constant 13 : i32
    %dma_start3A_220 = arith.constant 640 : i32
    %dma_start3A_221 = arith.constant 0 : i32
    %dma_start3A_222 = tpu.memref_slice %arg8[%dma_start3A_220, %dma_start3A_221] : memref<1024x32xf32, #tpu.memory_space<vmem>> -> memref<128x32xf32, #tpu.memory_space<vmem>>
    %dma_start3A_223 = arith.constant 0 : i32
    %dma_start3A_224 = tpu.memref_slice %arg6[%dma_start3A_219, %dma_start3A_223] : memref<32x128xi32, #tpu.memory_space<vmem>> -> memref<1x128xi32, #tpu.memory_space<vmem>>
    %dma_start3A_225 = tpu.memref_squeeze %dma_start3A_224 : memref<1x128xi32, #tpu.memory_space<vmem>> -> memref<128xi32, #tpu.memory_space<vmem>>
    %dma_start3A_226 = arith.constant 0 : i32
    %dma_start3A_227 = arith.constant 0 : i32
    %dma_start3A_228 = tpu.memref_slice %arg4[%dma_start3A_226, %dma_start3A_227] : memref<16384x32xf32, #tpu.memory_space<hbm>> -> memref<16384x32xf32, #tpu.memory_space<hbm>>
    tpu.enqueue_indirect_dma source(%dma_start3A_228 : memref<16384x32xf32, #tpu.memory_space<hbm>>) target(%dma_start3A_222 : memref<128x32xf32, #tpu.memory_space<vmem>>) offsets(%dma_start3A_225 : memref<128xi32, #tpu.memory_space<vmem>>) semaphore(%arg10 : memref<!tpu.dma_semaphore, #tpu.memory_space<semaphore_mem>>)
    %dma_start3A_229 = arith.constant 14 : i32
    %dma_start3A_230 = arith.constant 768 : i32
    %dma_start3A_231 = arith.constant 0 : i32
    %dma_start3A_232 = tpu.memref_slice %arg8[%dma_start3A_230, %dma_start3A_231] : memref<1024x32xf32, #tpu.memory_space<vmem>> -> memref<128x32xf32, #tpu.memory_space<vmem>>
    %dma_start3A_233 = arith.constant 0 : i32
    %dma_start3A_234 = tpu.memref_slice %arg6[%dma_start3A_229, %dma_start3A_233] : memref<32x128xi32, #tpu.memory_space<vmem>> -> memref<1x128xi32, #tpu.memory_space<vmem>>
    %dma_start3A_235 = tpu.memref_squeeze %dma_start3A_234 : memref<1x128xi32, #tpu.memory_space<vmem>> -> memref<128xi32, #tpu.memory_space<vmem>>
    %dma_start3A_236 = arith.constant 0 : i32
    %dma_start3A_237 = arith.constant 0 : i32
    %dma_start3A_238 = tpu.memref_slice %arg4[%dma_start3A_236, %dma_start3A_237] : memref<16384x32xf32, #tpu.memory_space<hbm>> -> memref<16384x32xf32, #tpu.memory_space<hbm>>
    tpu.enqueue_indirect_dma source(%dma_start3A_238 : memref<16384x32xf32, #tpu.memory_space<hbm>>) target(%dma_start3A_232 : memref<128x32xf32, #tpu.memory_space<vmem>>) offsets(%dma_start3A_235 : memref<128xi32, #tpu.memory_space<vmem>>) semaphore(%arg10 : memref<!tpu.dma_semaphore, #tpu.memory_space<semaphore_mem>>)
    %dma_start3A_239 = arith.constant 15 : i32
    %dma_start3A_240 = arith.constant 896 : i32
    %dma_start3A_241 = arith.constant 0 : i32
    %dma_start3A_242 = tpu.memref_slice %arg8[%dma_start3A_240, %dma_start3A_241] : memref<1024x32xf32, #tpu.memory_space<vmem>> -> memref<128x32xf32, #tpu.memory_space<vmem>>
    %dma_start3A_243 = arith.constant 0 : i32
    %dma_start3A_244 = tpu.memref_slice %arg6[%dma_start3A_239, %dma_start3A_243] : memref<32x128xi32, #tpu.memory_space<vmem>> -> memref<1x128xi32, #tpu.memory_space<vmem>>
    %dma_start3A_245 = tpu.memref_squeeze %dma_start3A_244 : memref<1x128xi32, #tpu.memory_space<vmem>> -> memref<128xi32, #tpu.memory_space<vmem>>
    %dma_start3A_246 = arith.constant 0 : i32
    %dma_start3A_247 = arith.constant 0 : i32
    %dma_start3A_248 = tpu.memref_slice %arg4[%dma_start3A_246, %dma_start3A_247] : memref<16384x32xf32, #tpu.memory_space<hbm>> -> memref<16384x32xf32, #tpu.memory_space<hbm>>
    tpu.enqueue_indirect_dma source(%dma_start3A_248 : memref<16384x32xf32, #tpu.memory_space<hbm>>) target(%dma_start3A_242 : memref<128x32xf32, #tpu.memory_space<vmem>>) offsets(%dma_start3A_245 : memref<128xi32, #tpu.memory_space<vmem>>) semaphore(%arg10 : memref<!tpu.dma_semaphore, #tpu.memory_space<semaphore_mem>>)
    %dma_wait3A_249 = arith.constant 8 : i32
    %dma_wait3A_250 = arith.constant 0 : i32
    %dma_wait3A_251 = arith.constant 0 : i32
    %dma_wait3A_252 = tpu.memref_slice %arg8[%dma_wait3A_250, %dma_wait3A_251] : memref<1024x32xf32, #tpu.memory_space<vmem>> -> memref<128x32xf32, #tpu.memory_space<vmem>>
    %dma_wait3A_253 = arith.constant 0 : i32
    %dma_wait3A_254 = tpu.memref_slice %arg6[%dma_wait3A_249, %dma_wait3A_253] : memref<32x128xi32, #tpu.memory_space<vmem>> -> memref<1x128xi32, #tpu.memory_space<vmem>>
    %dma_wait3A_255 = tpu.memref_squeeze %dma_wait3A_254 : memref<1x128xi32, #tpu.memory_space<vmem>> -> memref<128xi32, #tpu.memory_space<vmem>>
    %dma_wait3A_256 = arith.constant 0 : i32
    %dma_wait3A_257 = arith.constant 0 : i32
    %dma_wait3A_258 = tpu.memref_slice %arg4[%dma_wait3A_256, %dma_wait3A_257] : memref<16384x32xf32, #tpu.memory_space<hbm>> -> memref<16384x32xf32, #tpu.memory_space<hbm>>
    tpu.wait_indirect_dma semaphore(%arg10 : memref<!tpu.dma_semaphore, #tpu.memory_space<semaphore_mem>>) src(%dma_wait3A_258 : memref<16384x32xf32, #tpu.memory_space<hbm>>) dst(%dma_wait3A_252 : memref<128x32xf32, #tpu.memory_space<vmem>>)
    %dma_wait3A_259 = arith.constant 9 : i32
    %dma_wait3A_260 = arith.constant 128 : i32
    %dma_wait3A_261 = arith.constant 0 : i32
    %dma_wait3A_262 = tpu.memref_slice %arg8[%dma_wait3A_260, %dma_wait3A_261] : memref<1024x32xf32, #tpu.memory_space<vmem>> -> memref<128x32xf32, #tpu.memory_space<vmem>>
    %dma_wait3A_263 = arith.constant 0 : i32
    %dma_wait3A_264 = tpu.memref_slice %arg6[%dma_wait3A_259, %dma_wait3A_263] : memref<32x128xi32, #tpu.memory_space<vmem>> -> memref<1x128xi32, #tpu.memory_space<vmem>>
    %dma_wait3A_265 = tpu.memref_squeeze %dma_wait3A_264 : memref<1x128xi32, #tpu.memory_space<vmem>> -> memref<128xi32, #tpu.memory_space<vmem>>
    %dma_wait3A_266 = arith.constant 0 : i32
    %dma_wait3A_267 = arith.constant 0 : i32
    %dma_wait3A_268 = tpu.memref_slice %arg4[%dma_wait3A_266, %dma_wait3A_267] : memref<16384x32xf32, #tpu.memory_space<hbm>> -> memref<16384x32xf32, #tpu.memory_space<hbm>>
    tpu.wait_indirect_dma semaphore(%arg10 : memref<!tpu.dma_semaphore, #tpu.memory_space<semaphore_mem>>) src(%dma_wait3A_268 : memref<16384x32xf32, #tpu.memory_space<hbm>>) dst(%dma_wait3A_262 : memref<128x32xf32, #tpu.memory_space<vmem>>)
    %dma_wait3A_269 = arith.constant 10 : i32
    %dma_wait3A_270 = arith.constant 256 : i32
    %dma_wait3A_271 = arith.constant 0 : i32
    %dma_wait3A_272 = tpu.memref_slice %arg8[%dma_wait3A_270, %dma_wait3A_271] : memref<1024x32xf32, #tpu.memory_space<vmem>> -> memref<128x32xf32, #tpu.memory_space<vmem>>
    %dma_wait3A_273 = arith.constant 0 : i32
    %dma_wait3A_274 = tpu.memref_slice %arg6[%dma_wait3A_269, %dma_wait3A_273] : memref<32x128xi32, #tpu.memory_space<vmem>> -> memref<1x128xi32, #tpu.memory_space<vmem>>
    %dma_wait3A_275 = tpu.memref_squeeze %dma_wait3A_274 : memref<1x128xi32, #tpu.memory_space<vmem>> -> memref<128xi32, #tpu.memory_space<vmem>>
    %dma_wait3A_276 = arith.constant 0 : i32
    %dma_wait3A_277 = arith.constant 0 : i32
    %dma_wait3A_278 = tpu.memref_slice %arg4[%dma_wait3A_276, %dma_wait3A_277] : memref<16384x32xf32, #tpu.memory_space<hbm>> -> memref<16384x32xf32, #tpu.memory_space<hbm>>
    tpu.wait_indirect_dma semaphore(%arg10 : memref<!tpu.dma_semaphore, #tpu.memory_space<semaphore_mem>>) src(%dma_wait3A_278 : memref<16384x32xf32, #tpu.memory_space<hbm>>) dst(%dma_wait3A_272 : memref<128x32xf32, #tpu.memory_space<vmem>>)
    %dma_wait3A_279 = arith.constant 11 : i32
    %dma_wait3A_280 = arith.constant 384 : i32
    %dma_wait3A_281 = arith.constant 0 : i32
    %dma_wait3A_282 = tpu.memref_slice %arg8[%dma_wait3A_280, %dma_wait3A_281] : memref<1024x32xf32, #tpu.memory_space<vmem>> -> memref<128x32xf32, #tpu.memory_space<vmem>>
    %dma_wait3A_283 = arith.constant 0 : i32
    %dma_wait3A_284 = tpu.memref_slice %arg6[%dma_wait3A_279, %dma_wait3A_283] : memref<32x128xi32, #tpu.memory_space<vmem>> -> memref<1x128xi32, #tpu.memory_space<vmem>>
    %dma_wait3A_285 = tpu.memref_squeeze %dma_wait3A_284 : memref<1x128xi32, #tpu.memory_space<vmem>> -> memref<128xi32, #tpu.memory_space<vmem>>
    %dma_wait3A_286 = arith.constant 0 : i32
    %dma_wait3A_287 = arith.constant 0 : i32
    %dma_wait3A_288 = tpu.memref_slice %arg4[%dma_wait3A_286, %dma_wait3A_287] : memref<16384x32xf32, #tpu.memory_space<hbm>> -> memref<16384x32xf32, #tpu.memory_space<hbm>>
    tpu.wait_indirect_dma semaphore(%arg10 : memref<!tpu.dma_semaphore, #tpu.memory_space<semaphore_mem>>) src(%dma_wait3A_288 : memref<16384x32xf32, #tpu.memory_space<hbm>>) dst(%dma_wait3A_282 : memref<128x32xf32, #tpu.memory_space<vmem>>)
    %dma_wait3A_289 = arith.constant 12 : i32
    %dma_wait3A_290 = arith.constant 512 : i32
    %dma_wait3A_291 = arith.constant 0 : i32
    %dma_wait3A_292 = tpu.memref_slice %arg8[%dma_wait3A_290, %dma_wait3A_291] : memref<1024x32xf32, #tpu.memory_space<vmem>> -> memref<128x32xf32, #tpu.memory_space<vmem>>
    %dma_wait3A_293 = arith.constant 0 : i32
    %dma_wait3A_294 = tpu.memref_slice %arg6[%dma_wait3A_289, %dma_wait3A_293] : memref<32x128xi32, #tpu.memory_space<vmem>> -> memref<1x128xi32, #tpu.memory_space<vmem>>
    %dma_wait3A_295 = tpu.memref_squeeze %dma_wait3A_294 : memref<1x128xi32, #tpu.memory_space<vmem>> -> memref<128xi32, #tpu.memory_space<vmem>>
    %dma_wait3A_296 = arith.constant 0 : i32
    %dma_wait3A_297 = arith.constant 0 : i32
    %dma_wait3A_298 = tpu.memref_slice %arg4[%dma_wait3A_296, %dma_wait3A_297] : memref<16384x32xf32, #tpu.memory_space<hbm>> -> memref<16384x32xf32, #tpu.memory_space<hbm>>
    tpu.wait_indirect_dma semaphore(%arg10 : memref<!tpu.dma_semaphore, #tpu.memory_space<semaphore_mem>>) src(%dma_wait3A_298 : memref<16384x32xf32, #tpu.memory_space<hbm>>) dst(%dma_wait3A_292 : memref<128x32xf32, #tpu.memory_space<vmem>>)
    %dma_wait3A_299 = arith.constant 13 : i32
    %dma_wait3A_300 = arith.constant 640 : i32
    %dma_wait3A_301 = arith.constant 0 : i32
    %dma_wait3A_302 = tpu.memref_slice %arg8[%dma_wait3A_300, %dma_wait3A_301] : memref<1024x32xf32, #tpu.memory_space<vmem>> -> memref<128x32xf32, #tpu.memory_space<vmem>>
    %dma_wait3A_303 = arith.constant 0 : i32
    %dma_wait3A_304 = tpu.memref_slice %arg6[%dma_wait3A_299, %dma_wait3A_303] : memref<32x128xi32, #tpu.memory_space<vmem>> -> memref<1x128xi32, #tpu.memory_space<vmem>>
    %dma_wait3A_305 = tpu.memref_squeeze %dma_wait3A_304 : memref<1x128xi32, #tpu.memory_space<vmem>> -> memref<128xi32, #tpu.memory_space<vmem>>
    %dma_wait3A_306 = arith.constant 0 : i32
    %dma_wait3A_307 = arith.constant 0 : i32
    %dma_wait3A_308 = tpu.memref_slice %arg4[%dma_wait3A_306, %dma_wait3A_307] : memref<16384x32xf32, #tpu.memory_space<hbm>> -> memref<16384x32xf32, #tpu.memory_space<hbm>>
    tpu.wait_indirect_dma semaphore(%arg10 : memref<!tpu.dma_semaphore, #tpu.memory_space<semaphore_mem>>) src(%dma_wait3A_308 : memref<16384x32xf32, #tpu.memory_space<hbm>>) dst(%dma_wait3A_302 : memref<128x32xf32, #tpu.memory_space<vmem>>)
    %dma_wait3A_309 = arith.constant 14 : i32
    %dma_wait3A_310 = arith.constant 768 : i32
    %dma_wait3A_311 = arith.constant 0 : i32
    %dma_wait3A_312 = tpu.memref_slice %arg8[%dma_wait3A_310, %dma_wait3A_311] : memref<1024x32xf32, #tpu.memory_space<vmem>> -> memref<128x32xf32, #tpu.memory_space<vmem>>
    %dma_wait3A_313 = arith.constant 0 : i32
    %dma_wait3A_314 = tpu.memref_slice %arg6[%dma_wait3A_309, %dma_wait3A_313] : memref<32x128xi32, #tpu.memory_space<vmem>> -> memref<1x128xi32, #tpu.memory_space<vmem>>
    %dma_wait3A_315 = tpu.memref_squeeze %dma_wait3A_314 : memref<1x128xi32, #tpu.memory_space<vmem>> -> memref<128xi32, #tpu.memory_space<vmem>>
    %dma_wait3A_316 = arith.constant 0 : i32
    %dma_wait3A_317 = arith.constant 0 : i32
    %dma_wait3A_318 = tpu.memref_slice %arg4[%dma_wait3A_316, %dma_wait3A_317] : memref<16384x32xf32, #tpu.memory_space<hbm>> -> memref<16384x32xf32, #tpu.memory_space<hbm>>
    tpu.wait_indirect_dma semaphore(%arg10 : memref<!tpu.dma_semaphore, #tpu.memory_space<semaphore_mem>>) src(%dma_wait3A_318 : memref<16384x32xf32, #tpu.memory_space<hbm>>) dst(%dma_wait3A_312 : memref<128x32xf32, #tpu.memory_space<vmem>>)
    %dma_wait3A_319 = arith.constant 15 : i32
    %dma_wait3A_320 = arith.constant 896 : i32
    %dma_wait3A_321 = arith.constant 0 : i32
    %dma_wait3A_322 = tpu.memref_slice %arg8[%dma_wait3A_320, %dma_wait3A_321] : memref<1024x32xf32, #tpu.memory_space<vmem>> -> memref<128x32xf32, #tpu.memory_space<vmem>>
    %dma_wait3A_323 = arith.constant 0 : i32
    %dma_wait3A_324 = tpu.memref_slice %arg6[%dma_wait3A_319, %dma_wait3A_323] : memref<32x128xi32, #tpu.memory_space<vmem>> -> memref<1x128xi32, #tpu.memory_space<vmem>>
    %dma_wait3A_325 = tpu.memref_squeeze %dma_wait3A_324 : memref<1x128xi32, #tpu.memory_space<vmem>> -> memref<128xi32, #tpu.memory_space<vmem>>
    %dma_wait3A_326 = arith.constant 0 : i32
    %dma_wait3A_327 = arith.constant 0 : i32
    %dma_wait3A_328 = tpu.memref_slice %arg4[%dma_wait3A_326, %dma_wait3A_327] : memref<16384x32xf32, #tpu.memory_space<hbm>> -> memref<16384x32xf32, #tpu.memory_space<hbm>>
    tpu.wait_indirect_dma semaphore(%arg10 : memref<!tpu.dma_semaphore, #tpu.memory_space<semaphore_mem>>) src(%dma_wait3A_328 : memref<16384x32xf32, #tpu.memory_space<hbm>>) dst(%dma_wait3A_322 : memref<128x32xf32, #tpu.memory_space<vmem>>)
    %scan3A_329 = arith.constant 0 : i32
    %scan3A_330 = arith.constant 0 : i32
    %scan3A_331 = arith.constant 64 : i32
    %scan3A_332 = arith.addi %scan3A_330, %scan3A_331 : i32
    %scan3A_333 = arith.constant 1 : i32
    %scan3A_334 = scf.for %scan3A_682 = %scan3A_330 to %scan3A_332 step %scan3A_333 iter_args(%scan3A_683 = %scan3A_329) -> (i32)  : i32 {
      %mul3A_684 = arith.constant 2 : i32
      %mul3A_685 = arith.muli %mul3A_684, %scan3A_682 : i32
      %add3A_686 = arith.constant 128 : i32
      %add3A_687 = arith.addi %add3A_686, %mul3A_685 : i32
      %mul3A_688 = arith.constant 8 : i32
      %mul3A_689 = arith.muli %add3A_687, %mul3A_688 : i32
      %get3A = arith.index_cast %mul3A_689 : i32 to index
      %get3A_690 = tpu.vector_load %arg7[%get3A] {strides = array<i32>} : memref<4096xf32, #tpu.memory_space<vmem>>, vector<16xf32>,
      %get3A_691 = vector.shape_cast %get3A_690 : vector<16xf32> to vector<16xf32>
      %mul3A_692 = arith.constant 2 : i32
      %mul3A_693 = arith.muli %mul3A_692, %scan3A_682 : i32
      %add3A_694 = arith.constant 0 : i32
      %add3A_695 = arith.addi %mul3A_693, %add3A_694 : i32
      %broadcast_in_dim3A = arith.constant 0.000000e+00 : f32
      %broadcast_in_dim3A_696 = vector.broadcast %broadcast_in_dim3A : f32 to vector<16xf32>
      %broadcast_in_dim3A_697 = arith.constant 0.000000e+00 : f32
      %broadcast_in_dim3A_698 = vector.broadcast %broadcast_in_dim3A_697 : f32 to vector<16xf32>
      %slice3A = vector.extract_strided_slice %get3A_691 {offsets = [0], sizes = [1], strides = [1]} : vector<16xf32> to vector<1xf32>
      %squeeze3A = vector.extract %slice3A[0] : f32 from vector<1xf32>
      %mul3A_699 = arith.constant 8 : i32
      %mul3A_700 = arith.muli %add3A_695, %mul3A_699 : i32
      %add3A_701 = arith.constant 0 : i32
      %add3A_702 = arith.addi %mul3A_700, %add3A_701 : i32
      %get3A_703 = arith.index_cast %add3A_702 : i32 to index
      %get3A_704 = arith.constant 0 : index
      %get3A_705 = tpu.vector_load %arg8[%get3A_703, %get3A_704] {strides = array<i32>} : memref<1024x32xf32, #tpu.memory_space<vmem>>, vector<1x16xf32>,
      %get3A_706 = vector.shape_cast %get3A_705 : vector<1x16xf32> to vector<16xf32>
      %mul3A_707 = vector.broadcast %squeeze3A : f32 to vector<16xf32>
      %mul3A_708 = arith.mulf %get3A_706, %mul3A_707 : vector<16xf32>
      %add3A_709 = arith.addf %broadcast_in_dim3A_696, %mul3A_708 : vector<16xf32>
      %get3A_710 = arith.index_cast %add3A_702 : i32 to index
      %get3A_711 = arith.constant 16 : index
      %get3A_712 = tpu.vector_load %arg8[%get3A_710, %get3A_711] {strides = array<i32>} : memref<1024x32xf32, #tpu.memory_space<vmem>>, vector<1x16xf32>,
      %get3A_713 = vector.shape_cast %get3A_712 : vector<1x16xf32> to vector<16xf32>
      %mul3A_714 = vector.broadcast %squeeze3A : f32 to vector<16xf32>
      %mul3A_715 = arith.mulf %get3A_713, %mul3A_714 : vector<16xf32>
      %add3A_716 = arith.addf %broadcast_in_dim3A_698, %mul3A_715 : vector<16xf32>
      %slice3A_717 = vector.extract_strided_slice %get3A_691 {offsets = [1], sizes = [1], strides = [1]} : vector<16xf32> to vector<1xf32>
      %squeeze3A_718 = vector.extract %slice3A_717[0] : f32 from vector<1xf32>
      %mul3A_719 = arith.constant 8 : i32
      %mul3A_720 = arith.muli %add3A_695, %mul3A_719 : i32
      %add3A_721 = arith.constant 1 : i32
      %add3A_722 = arith.addi %mul3A_720, %add3A_721 : i32
      %get3A_723 = arith.index_cast %add3A_722 : i32 to index
      %get3A_724 = arith.constant 0 : index
      %get3A_725 = tpu.vector_load %arg8[%get3A_723, %get3A_724] {strides = array<i32>} : memref<1024x32xf32, #tpu.memory_space<vmem>>, vector<1x16xf32>,
      %get3A_726 = vector.shape_cast %get3A_725 : vector<1x16xf32> to vector<16xf32>
      %mul3A_727 = vector.broadcast %squeeze3A_718 : f32 to vector<16xf32>
      %mul3A_728 = arith.mulf %get3A_726, %mul3A_727 : vector<16xf32>
      %add3A_729 = arith.addf %add3A_709, %mul3A_728 : vector<16xf32>
      %get3A_730 = arith.index_cast %add3A_722 : i32 to index
      %get3A_731 = arith.constant 16 : index
      %get3A_732 = tpu.vector_load %arg8[%get3A_730, %get3A_731] {strides = array<i32>} : memref<1024x32xf32, #tpu.memory_space<vmem>>, vector<1x16xf32>,
      %get3A_733 = vector.shape_cast %get3A_732 : vector<1x16xf32> to vector<16xf32>
      %mul3A_734 = vector.broadcast %squeeze3A_718 : f32 to vector<16xf32>
      %mul3A_735 = arith.mulf %get3A_733, %mul3A_734 : vector<16xf32>
      %add3A_736 = arith.addf %add3A_716, %mul3A_735 : vector<16xf32>
      %slice3A_737 = vector.extract_strided_slice %get3A_691 {offsets = [2], sizes = [1], strides = [1]} : vector<16xf32> to vector<1xf32>
      %squeeze3A_738 = vector.extract %slice3A_737[0] : f32 from vector<1xf32>
      %mul3A_739 = arith.constant 8 : i32
      %mul3A_740 = arith.muli %add3A_695, %mul3A_739 : i32
      %add3A_741 = arith.constant 2 : i32
      %add3A_742 = arith.addi %mul3A_740, %add3A_741 : i32
      %get3A_743 = arith.index_cast %add3A_742 : i32 to index
      %get3A_744 = arith.constant 0 : index
      %get3A_745 = tpu.vector_load %arg8[%get3A_743, %get3A_744] {strides = array<i32>} : memref<1024x32xf32, #tpu.memory_space<vmem>>, vector<1x16xf32>,
      %get3A_746 = vector.shape_cast %get3A_745 : vector<1x16xf32> to vector<16xf32>
      %mul3A_747 = vector.broadcast %squeeze3A_738 : f32 to vector<16xf32>
      %mul3A_748 = arith.mulf %get3A_746, %mul3A_747 : vector<16xf32>
      %add3A_749 = arith.addf %add3A_729, %mul3A_748 : vector<16xf32>
      %get3A_750 = arith.index_cast %add3A_742 : i32 to index
      %get3A_751 = arith.constant 16 : index
      %get3A_752 = tpu.vector_load %arg8[%get3A_750, %get3A_751] {strides = array<i32>} : memref<1024x32xf32, #tpu.memory_space<vmem>>, vector<1x16xf32>,
      %get3A_753 = vector.shape_cast %get3A_752 : vector<1x16xf32> to vector<16xf32>
      %mul3A_754 = vector.broadcast %squeeze3A_738 : f32 to vector<16xf32>
      %mul3A_755 = arith.mulf %get3A_753, %mul3A_754 : vector<16xf32>
      %add3A_756 = arith.addf %add3A_736, %mul3A_755 : vector<16xf32>
      %slice3A_757 = vector.extract_strided_slice %get3A_691 {offsets = [3], sizes = [1], strides = [1]} : vector<16xf32> to vector<1xf32>
      %squeeze3A_758 = vector.extract %slice3A_757[0] : f32 from vector<1xf32>
      %mul3A_759 = arith.constant 8 : i32
      %mul3A_760 = arith.muli %add3A_695, %mul3A_759 : i32
      %add3A_761 = arith.constant 3 : i32
      %add3A_762 = arith.addi %mul3A_760, %add3A_761 : i32
      %get3A_763 = arith.index_cast %add3A_762 : i32 to index
      %get3A_764 = arith.constant 0 : index
      %get3A_765 = tpu.vector_load %arg8[%get3A_763, %get3A_764] {strides = array<i32>} : memref<1024x32xf32, #tpu.memory_space<vmem>>, vector<1x16xf32>,
      %get3A_766 = vector.shape_cast %get3A_765 : vector<1x16xf32> to vector<16xf32>
      %mul3A_767 = vector.broadcast %squeeze3A_758 : f32 to vector<16xf32>
      %mul3A_768 = arith.mulf %get3A_766, %mul3A_767 : vector<16xf32>
      %add3A_769 = arith.addf %add3A_749, %mul3A_768 : vector<16xf32>
      %get3A_770 = arith.index_cast %add3A_762 : i32 to index
      %get3A_771 = arith.constant 16 : index
      %get3A_772 = tpu.vector_load %arg8[%get3A_770, %get3A_771] {strides = array<i32>} : memref<1024x32xf32, #tpu.memory_space<vmem>>, vector<1x16xf32>,
      %get3A_773 = vector.shape_cast %get3A_772 : vector<1x16xf32> to vector<16xf32>
      %mul3A_774 = vector.broadcast %squeeze3A_758 : f32 to vector<16xf32>
      %mul3A_775 = arith.mulf %get3A_773, %mul3A_774 : vector<16xf32>
      %add3A_776 = arith.addf %add3A_756, %mul3A_775 : vector<16xf32>
      %slice3A_777 = vector.extract_strided_slice %get3A_691 {offsets = [4], sizes = [1], strides = [1]} : vector<16xf32> to vector<1xf32>
      %squeeze3A_778 = vector.extract %slice3A_777[0] : f32 from vector<1xf32>
      %mul3A_779 = arith.constant 8 : i32
      %mul3A_780 = arith.muli %add3A_695, %mul3A_779 : i32
      %add3A_781 = arith.constant 4 : i32
      %add3A_782 = arith.addi %mul3A_780, %add3A_781 : i32
      %get3A_783 = arith.index_cast %add3A_782 : i32 to index
      %get3A_784 = arith.constant 0 : index
      %get3A_785 = tpu.vector_load %arg8[%get3A_783, %get3A_784] {strides = array<i32>} : memref<1024x32xf32, #tpu.memory_space<vmem>>, vector<1x16xf32>,
      %get3A_786 = vector.shape_cast %get3A_785 : vector<1x16xf32> to vector<16xf32>
      %mul3A_787 = vector.broadcast %squeeze3A_778 : f32 to vector<16xf32>
      %mul3A_788 = arith.mulf %get3A_786, %mul3A_787 : vector<16xf32>
      %add3A_789 = arith.addf %add3A_769, %mul3A_788 : vector<16xf32>
      %get3A_790 = arith.index_cast %add3A_782 : i32 to index
      %get3A_791 = arith.constant 16 : index
      %get3A_792 = tpu.vector_load %arg8[%get3A_790, %get3A_791] {strides = array<i32>} : memref<1024x32xf32, #tpu.memory_space<vmem>>, vector<1x16xf32>,
      %get3A_793 = vector.shape_cast %get3A_792 : vector<1x16xf32> to vector<16xf32>
      %mul3A_794 = vector.broadcast %squeeze3A_778 : f32 to vector<16xf32>
      %mul3A_795 = arith.mulf %get3A_793, %mul3A_794 : vector<16xf32>
      %add3A_796 = arith.addf %add3A_776, %mul3A_795 : vector<16xf32>
      %slice3A_797 = vector.extract_strided_slice %get3A_691 {offsets = [5], sizes = [1], strides = [1]} : vector<16xf32> to vector<1xf32>
      %squeeze3A_798 = vector.extract %slice3A_797[0] : f32 from vector<1xf32>
      %mul3A_799 = arith.constant 8 : i32
      %mul3A_800 = arith.muli %add3A_695, %mul3A_799 : i32
      %add3A_801 = arith.constant 5 : i32
      %add3A_802 = arith.addi %mul3A_800, %add3A_801 : i32
      %get3A_803 = arith.index_cast %add3A_802 : i32 to index
      %get3A_804 = arith.constant 0 : index
      %get3A_805 = tpu.vector_load %arg8[%get3A_803, %get3A_804] {strides = array<i32>} : memref<1024x32xf32, #tpu.memory_space<vmem>>, vector<1x16xf32>,
      %get3A_806 = vector.shape_cast %get3A_805 : vector<1x16xf32> to vector<16xf32>
      %mul3A_807 = vector.broadcast %squeeze3A_798 : f32 to vector<16xf32>
      %mul3A_808 = arith.mulf %get3A_806, %mul3A_807 : vector<16xf32>
      %add3A_809 = arith.addf %add3A_789, %mul3A_808 : vector<16xf32>
      %get3A_810 = arith.index_cast %add3A_802 : i32 to index
      %get3A_811 = arith.constant 16 : index
      %get3A_812 = tpu.vector_load %arg8[%get3A_810, %get3A_811] {strides = array<i32>} : memref<1024x32xf32, #tpu.memory_space<vmem>>, vector<1x16xf32>,
      %get3A_813 = vector.shape_cast %get3A_812 : vector<1x16xf32> to vector<16xf32>
      %mul3A_814 = vector.broadcast %squeeze3A_798 : f32 to vector<16xf32>
      %mul3A_815 = arith.mulf %get3A_813, %mul3A_814 : vector<16xf32>
      %add3A_816 = arith.addf %add3A_796, %mul3A_815 : vector<16xf32>
      %slice3A_817 = vector.extract_strided_slice %get3A_691 {offsets = [6], sizes = [1], strides = [1]} : vector<16xf32> to vector<1xf32>
      %squeeze3A_818 = vector.extract %slice3A_817[0] : f32 from vector<1xf32>
      %mul3A_819 = arith.constant 8 : i32
      %mul3A_820 = arith.muli %add3A_695, %mul3A_819 : i32
      %add3A_821 = arith.constant 6 : i32
      %add3A_822 = arith.addi %mul3A_820, %add3A_821 : i32
      %get3A_823 = arith.index_cast %add3A_822 : i32 to index
      %get3A_824 = arith.constant 0 : index
      %get3A_825 = tpu.vector_load %arg8[%get3A_823, %get3A_824] {strides = array<i32>} : memref<1024x32xf32, #tpu.memory_space<vmem>>, vector<1x16xf32>,
      %get3A_826 = vector.shape_cast %get3A_825 : vector<1x16xf32> to vector<16xf32>
      %mul3A_827 = vector.broadcast %squeeze3A_818 : f32 to vector<16xf32>
      %mul3A_828 = arith.mulf %get3A_826, %mul3A_827 : vector<16xf32>
      %add3A_829 = arith.addf %add3A_809, %mul3A_828 : vector<16xf32>
      %get3A_830 = arith.index_cast %add3A_822 : i32 to index
      %get3A_831 = arith.constant 16 : index
      %get3A_832 = tpu.vector_load %arg8[%get3A_830, %get3A_831] {strides = array<i32>} : memref<1024x32xf32, #tpu.memory_space<vmem>>, vector<1x16xf32>,
      %get3A_833 = vector.shape_cast %get3A_832 : vector<1x16xf32> to vector<16xf32>
      %mul3A_834 = vector.broadcast %squeeze3A_818 : f32 to vector<16xf32>
      %mul3A_835 = arith.mulf %get3A_833, %mul3A_834 : vector<16xf32>
      %add3A_836 = arith.addf %add3A_816, %mul3A_835 : vector<16xf32>
      %slice3A_837 = vector.extract_strided_slice %get3A_691 {offsets = [7], sizes = [1], strides = [1]} : vector<16xf32> to vector<1xf32>
      %squeeze3A_838 = vector.extract %slice3A_837[0] : f32 from vector<1xf32>
      %mul3A_839 = arith.constant 8 : i32
      %mul3A_840 = arith.muli %add3A_695, %mul3A_839 : i32
      %add3A_841 = arith.constant 7 : i32
      %add3A_842 = arith.addi %mul3A_840, %add3A_841 : i32
      %get3A_843 = arith.index_cast %add3A_842 : i32 to index
      %get3A_844 = arith.constant 0 : index
      %get3A_845 = tpu.vector_load %arg8[%get3A_843, %get3A_844] {strides = array<i32>} : memref<1024x32xf32, #tpu.memory_space<vmem>>, vector<1x16xf32>,
      %get3A_846 = vector.shape_cast %get3A_845 : vector<1x16xf32> to vector<16xf32>
      %mul3A_847 = vector.broadcast %squeeze3A_838 : f32 to vector<16xf32>
      %mul3A_848 = arith.mulf %get3A_846, %mul3A_847 : vector<16xf32>
      %add3A_849 = arith.addf %add3A_829, %mul3A_848 : vector<16xf32>
      %get3A_850 = arith.index_cast %add3A_842 : i32 to index
      %get3A_851 = arith.constant 16 : index
      %get3A_852 = tpu.vector_load %arg8[%get3A_850, %get3A_851] {strides = array<i32>} : memref<1024x32xf32, #tpu.memory_space<vmem>>, vector<1x16xf32>,
      %get3A_853 = vector.shape_cast %get3A_852 : vector<1x16xf32> to vector<16xf32>
      %mul3A_854 = vector.broadcast %squeeze3A_838 : f32 to vector<16xf32>
      %mul3A_855 = arith.mulf %get3A_853, %mul3A_854 : vector<16xf32>
      %add3A_856 = arith.addf %add3A_836, %mul3A_855 : vector<16xf32>
      %swap3A = arith.index_cast %add3A_695 : i32 to index
      %swap3A_857 = arith.constant 0 : index
      %swap3A_858 = tpu.vector_load %arg9[%swap3A, %swap3A_857] {strides = array<i32>} : memref<128x32xf32, #tpu.memory_space<vmem>>, vector<1x16xf32>,
      %swap3A_859 = vector.shape_cast %swap3A_858 : vector<1x16xf32> to vector<16xf32>
      %swap3A_860 = vector.shape_cast %add3A_849 : vector<16xf32> to vector<1x16xf32>
      tpu.vector_store %arg9[%swap3A, %swap3A_857], %swap3A_860 {strides = array<i32>} : memref<128x32xf32, #tpu.memory_space<vmem>>, vector<1x16xf32>,
      %swap3A_861 = arith.index_cast %add3A_695 : i32 to index
      %swap3A_862 = arith.constant 16 : index
      %swap3A_863 = tpu.vector_load %arg9[%swap3A_861, %swap3A_862] {strides = array<i32>} : memref<128x32xf32, #tpu.memory_space<vmem>>, vector<1x16xf32>,
      %swap3A_864 = vector.shape_cast %swap3A_863 : vector<1x16xf32> to vector<16xf32>
      %swap3A_865 = vector.shape_cast %add3A_856 : vector<16xf32> to vector<1x16xf32>
      tpu.vector_store %arg9[%swap3A_861, %swap3A_862], %swap3A_865 {strides = array<i32>} : memref<128x32xf32, #tpu.memory_space<vmem>>, vector<1x16xf32>,
      %mul3A_866 = arith.constant 2 : i32
      %mul3A_867 = arith.muli %mul3A_866, %scan3A_682 : i32
      %add3A_868 = arith.constant 1 : i32
      %add3A_869 = arith.addi %mul3A_867, %add3A_868 : i32
      %broadcast_in_dim3A_870 = arith.constant 0.000000e+00 : f32
      %broadcast_in_dim3A_871 = vector.broadcast %broadcast_in_dim3A_870 : f32 to vector<16xf32>
      %broadcast_in_dim3A_872 = arith.constant 0.000000e+00 : f32
      %broadcast_in_dim3A_873 = vector.broadcast %broadcast_in_dim3A_872 : f32 to vector<16xf32>
      %slice3A_874 = vector.extract_strided_slice %get3A_691 {offsets = [8], sizes = [1], strides = [1]} : vector<16xf32> to vector<1xf32>
      %squeeze3A_875 = vector.extract %slice3A_874[0] : f32 from vector<1xf32>
      %mul3A_876 = arith.constant 8 : i32
      %mul3A_877 = arith.muli %add3A_869, %mul3A_876 : i32
      %add3A_878 = arith.constant 0 : i32
      %add3A_879 = arith.addi %mul3A_877, %add3A_878 : i32
      %get3A_880 = arith.index_cast %add3A_879 : i32 to index
      %get3A_881 = arith.constant 0 : index
      %get3A_882 = tpu.vector_load %arg8[%get3A_880, %get3A_881] {strides = array<i32>} : memref<1024x32xf32, #tpu.memory_space<vmem>>, vector<1x16xf32>,
      %get3A_883 = vector.shape_cast %get3A_882 : vector<1x16xf32> to vector<16xf32>
      %mul3A_884 = vector.broadcast %squeeze3A_875 : f32 to vector<16xf32>
      %mul3A_885 = arith.mulf %get3A_883, %mul3A_884 : vector<16xf32>
      %add3A_886 = arith.addf %broadcast_in_dim3A_871, %mul3A_885 : vector<16xf32>
      %get3A_887 = arith.index_cast %add3A_879 : i32 to index
      %get3A_888 = arith.constant 16 : index
      %get3A_889 = tpu.vector_load %arg8[%get3A_887, %get3A_888] {strides = array<i32>} : memref<1024x32xf32, #tpu.memory_space<vmem>>, vector<1x16xf32>,
      %get3A_890 = vector.shape_cast %get3A_889 : vector<1x16xf32> to vector<16xf32>
      %mul3A_891 = vector.broadcast %squeeze3A_875 : f32 to vector<16xf32>
      %mul3A_892 = arith.mulf %get3A_890, %mul3A_891 : vector<16xf32>
      %add3A_893 = arith.addf %broadcast_in_dim3A_873, %mul3A_892 : vector<16xf32>
      %slice3A_894 = vector.extract_strided_slice %get3A_691 {offsets = [9], sizes = [1], strides = [1]} : vector<16xf32> to vector<1xf32>
      %squeeze3A_895 = vector.extract %slice3A_894[0] : f32 from vector<1xf32>
      %mul3A_896 = arith.constant 8 : i32
      %mul3A_897 = arith.muli %add3A_869, %mul3A_896 : i32
      %add3A_898 = arith.constant 1 : i32
      %add3A_899 = arith.addi %mul3A_897, %add3A_898 : i32
      %get3A_900 = arith.index_cast %add3A_899 : i32 to index
      %get3A_901 = arith.constant 0 : index
      %get3A_902 = tpu.vector_load %arg8[%get3A_900, %get3A_901] {strides = array<i32>} : memref<1024x32xf32, #tpu.memory_space<vmem>>, vector<1x16xf32>,
      %get3A_903 = vector.shape_cast %get3A_902 : vector<1x16xf32> to vector<16xf32>
      %mul3A_904 = vector.broadcast %squeeze3A_895 : f32 to vector<16xf32>
      %mul3A_905 = arith.mulf %get3A_903, %mul3A_904 : vector<16xf32>
      %add3A_906 = arith.addf %add3A_886, %mul3A_905 : vector<16xf32>
      %get3A_907 = arith.index_cast %add3A_899 : i32 to index
      %get3A_908 = arith.constant 16 : index
      %get3A_909 = tpu.vector_load %arg8[%get3A_907, %get3A_908] {strides = array<i32>} : memref<1024x32xf32, #tpu.memory_space<vmem>>, vector<1x16xf32>,
      %get3A_910 = vector.shape_cast %get3A_909 : vector<1x16xf32> to vector<16xf32>
      %mul3A_911 = vector.broadcast %squeeze3A_895 : f32 to vector<16xf32>
      %mul3A_912 = arith.mulf %get3A_910, %mul3A_911 : vector<16xf32>
      %add3A_913 = arith.addf %add3A_893, %mul3A_912 : vector<16xf32>
      %slice3A_914 = vector.extract_strided_slice %get3A_691 {offsets = [10], sizes = [1], strides = [1]} : vector<16xf32> to vector<1xf32>
      %squeeze3A_915 = vector.extract %slice3A_914[0] : f32 from vector<1xf32>
      %mul3A_916 = arith.constant 8 : i32
      %mul3A_917 = arith.muli %add3A_869, %mul3A_916 : i32
      %add3A_918 = arith.constant 2 : i32
      %add3A_919 = arith.addi %mul3A_917, %add3A_918 : i32
      %get3A_920 = arith.index_cast %add3A_919 : i32 to index
      %get3A_921 = arith.constant 0 : index
      %get3A_922 = tpu.vector_load %arg8[%get3A_920, %get3A_921] {strides = array<i32>} : memref<1024x32xf32, #tpu.memory_space<vmem>>, vector<1x16xf32>,
      %get3A_923 = vector.shape_cast %get3A_922 : vector<1x16xf32> to vector<16xf32>
      %mul3A_924 = vector.broadcast %squeeze3A_915 : f32 to vector<16xf32>
      %mul3A_925 = arith.mulf %get3A_923, %mul3A_924 : vector<16xf32>
      %add3A_926 = arith.addf %add3A_906, %mul3A_925 : vector<16xf32>
      %get3A_927 = arith.index_cast %add3A_919 : i32 to index
      %get3A_928 = arith.constant 16 : index
      %get3A_929 = tpu.vector_load %arg8[%get3A_927, %get3A_928] {strides = array<i32>} : memref<1024x32xf32, #tpu.memory_space<vmem>>, vector<1x16xf32>,
      %get3A_930 = vector.shape_cast %get3A_929 : vector<1x16xf32> to vector<16xf32>
      %mul3A_931 = vector.broadcast %squeeze3A_915 : f32 to vector<16xf32>
      %mul3A_932 = arith.mulf %get3A_930, %mul3A_931 : vector<16xf32>
      %add3A_933 = arith.addf %add3A_913, %mul3A_932 : vector<16xf32>
      %slice3A_934 = vector.extract_strided_slice %get3A_691 {offsets = [11], sizes = [1], strides = [1]} : vector<16xf32> to vector<1xf32>
      %squeeze3A_935 = vector.extract %slice3A_934[0] : f32 from vector<1xf32>
      %mul3A_936 = arith.constant 8 : i32
      %mul3A_937 = arith.muli %add3A_869, %mul3A_936 : i32
      %add3A_938 = arith.constant 3 : i32
      %add3A_939 = arith.addi %mul3A_937, %add3A_938 : i32
      %get3A_940 = arith.index_cast %add3A_939 : i32 to index
      %get3A_941 = arith.constant 0 : index
      %get3A_942 = tpu.vector_load %arg8[%get3A_940, %get3A_941] {strides = array<i32>} : memref<1024x32xf32, #tpu.memory_space<vmem>>, vector<1x16xf32>,
      %get3A_943 = vector.shape_cast %get3A_942 : vector<1x16xf32> to vector<16xf32>
      %mul3A_944 = vector.broadcast %squeeze3A_935 : f32 to vector<16xf32>
      %mul3A_945 = arith.mulf %get3A_943, %mul3A_944 : vector<16xf32>
      %add3A_946 = arith.addf %add3A_926, %mul3A_945 : vector<16xf32>
      %get3A_947 = arith.index_cast %add3A_939 : i32 to index
      %get3A_948 = arith.constant 16 : index
      %get3A_949 = tpu.vector_load %arg8[%get3A_947, %get3A_948] {strides = array<i32>} : memref<1024x32xf32, #tpu.memory_space<vmem>>, vector<1x16xf32>,
      %get3A_950 = vector.shape_cast %get3A_949 : vector<1x16xf32> to vector<16xf32>
      %mul3A_951 = vector.broadcast %squeeze3A_935 : f32 to vector<16xf32>
      %mul3A_952 = arith.mulf %get3A_950, %mul3A_951 : vector<16xf32>
      %add3A_953 = arith.addf %add3A_933, %mul3A_952 : vector<16xf32>
      %slice3A_954 = vector.extract_strided_slice %get3A_691 {offsets = [12], sizes = [1], strides = [1]} : vector<16xf32> to vector<1xf32>
      %squeeze3A_955 = vector.extract %slice3A_954[0] : f32 from vector<1xf32>
      %mul3A_956 = arith.constant 8 : i32
      %mul3A_957 = arith.muli %add3A_869, %mul3A_956 : i32
      %add3A_958 = arith.constant 4 : i32
      %add3A_959 = arith.addi %mul3A_957, %add3A_958 : i32
      %get3A_960 = arith.index_cast %add3A_959 : i32 to index
      %get3A_961 = arith.constant 0 : index
      %get3A_962 = tpu.vector_load %arg8[%get3A_960, %get3A_961] {strides = array<i32>} : memref<1024x32xf32, #tpu.memory_space<vmem>>, vector<1x16xf32>,
      %get3A_963 = vector.shape_cast %get3A_962 : vector<1x16xf32> to vector<16xf32>
      %mul3A_964 = vector.broadcast %squeeze3A_955 : f32 to vector<16xf32>
      %mul3A_965 = arith.mulf %get3A_963, %mul3A_964 : vector<16xf32>
      %add3A_966 = arith.addf %add3A_946, %mul3A_965 : vector<16xf32>
      %get3A_967 = arith.index_cast %add3A_959 : i32 to index
      %get3A_968 = arith.constant 16 : index
      %get3A_969 = tpu.vector_load %arg8[%get3A_967, %get3A_968] {strides = array<i32>} : memref<1024x32xf32, #tpu.memory_space<vmem>>, vector<1x16xf32>,
      %get3A_970 = vector.shape_cast %get3A_969 : vector<1x16xf32> to vector<16xf32>
      %mul3A_971 = vector.broadcast %squeeze3A_955 : f32 to vector<16xf32>
      %mul3A_972 = arith.mulf %get3A_970, %mul3A_971 : vector<16xf32>
      %add3A_973 = arith.addf %add3A_953, %mul3A_972 : vector<16xf32>
      %slice3A_974 = vector.extract_strided_slice %get3A_691 {offsets = [13], sizes = [1], strides = [1]} : vector<16xf32> to vector<1xf32>
      %squeeze3A_975 = vector.extract %slice3A_974[0] : f32 from vector<1xf32>
      %mul3A_976 = arith.constant 8 : i32
      %mul3A_977 = arith.muli %add3A_869, %mul3A_976 : i32
      %add3A_978 = arith.constant 5 : i32
      %add3A_979 = arith.addi %mul3A_977, %add3A_978 : i32
      %get3A_980 = arith.index_cast %add3A_979 : i32 to index
      %get3A_981 = arith.constant 0 : index
      %get3A_982 = tpu.vector_load %arg8[%get3A_980, %get3A_981] {strides = array<i32>} : memref<1024x32xf32, #tpu.memory_space<vmem>>, vector<1x16xf32>,
      %get3A_983 = vector.shape_cast %get3A_982 : vector<1x16xf32> to vector<16xf32>
      %mul3A_984 = vector.broadcast %squeeze3A_975 : f32 to vector<16xf32>
      %mul3A_985 = arith.mulf %get3A_983, %mul3A_984 : vector<16xf32>
      %add3A_986 = arith.addf %add3A_966, %mul3A_985 : vector<16xf32>
      %get3A_987 = arith.index_cast %add3A_979 : i32 to index
      %get3A_988 = arith.constant 16 : index
      %get3A_989 = tpu.vector_load %arg8[%get3A_987, %get3A_988] {strides = array<i32>} : memref<1024x32xf32, #tpu.memory_space<vmem>>, vector<1x16xf32>,
      %get3A_990 = vector.shape_cast %get3A_989 : vector<1x16xf32> to vector<16xf32>
      %mul3A_991 = vector.broadcast %squeeze3A_975 : f32 to vector<16xf32>
      %mul3A_992 = arith.mulf %get3A_990, %mul3A_991 : vector<16xf32>
      %add3A_993 = arith.addf %add3A_973, %mul3A_992 : vector<16xf32>
      %slice3A_994 = vector.extract_strided_slice %get3A_691 {offsets = [14], sizes = [1], strides = [1]} : vector<16xf32> to vector<1xf32>
      %squeeze3A_995 = vector.extract %slice3A_994[0] : f32 from vector<1xf32>
      %mul3A_996 = arith.constant 8 : i32
      %mul3A_997 = arith.muli %add3A_869, %mul3A_996 : i32
      %add3A_998 = arith.constant 6 : i32
      %add3A_999 = arith.addi %mul3A_997, %add3A_998 : i32
      %get3A_1000 = arith.index_cast %add3A_999 : i32 to index
      %get3A_1001 = arith.constant 0 : index
      %get3A_1002 = tpu.vector_load %arg8[%get3A_1000, %get3A_1001] {strides = array<i32>} : memref<1024x32xf32, #tpu.memory_space<vmem>>, vector<1x16xf32>,
      %get3A_1003 = vector.shape_cast %get3A_1002 : vector<1x16xf32> to vector<16xf32>
      %mul3A_1004 = vector.broadcast %squeeze3A_995 : f32 to vector<16xf32>
      %mul3A_1005 = arith.mulf %get3A_1003, %mul3A_1004 : vector<16xf32>
      %add3A_1006 = arith.addf %add3A_986, %mul3A_1005 : vector<16xf32>
      %get3A_1007 = arith.index_cast %add3A_999 : i32 to index
      %get3A_1008 = arith.constant 16 : index
      %get3A_1009 = tpu.vector_load %arg8[%get3A_1007, %get3A_1008] {strides = array<i32>} : memref<1024x32xf32, #tpu.memory_space<vmem>>, vector<1x16xf32>,
      %get3A_1010 = vector.shape_cast %get3A_1009 : vector<1x16xf32> to vector<16xf32>
      %mul3A_1011 = vector.broadcast %squeeze3A_995 : f32 to vector<16xf32>
      %mul3A_1012 = arith.mulf %get3A_1010, %mul3A_1011 : vector<16xf32>
      %add3A_1013 = arith.addf %add3A_993, %mul3A_1012 : vector<16xf32>
      %slice3A_1014 = vector.extract_strided_slice %get3A_691 {offsets = [15], sizes = [1], strides = [1]} : vector<16xf32> to vector<1xf32>
      %squeeze3A_1015 = vector.extract %slice3A_1014[0] : f32 from vector<1xf32>
      %mul3A_1016 = arith.constant 8 : i32
      %mul3A_1017 = arith.muli %add3A_869, %mul3A_1016 : i32
      %add3A_1018 = arith.constant 7 : i32
      %add3A_1019 = arith.addi %mul3A_1017, %add3A_1018 : i32
      %get3A_1020 = arith.index_cast %add3A_1019 : i32 to index
      %get3A_1021 = arith.constant 0 : index
      %get3A_1022 = tpu.vector_load %arg8[%get3A_1020, %get3A_1021] {strides = array<i32>} : memref<1024x32xf32, #tpu.memory_space<vmem>>, vector<1x16xf32>,
      %get3A_1023 = vector.shape_cast %get3A_1022 : vector<1x16xf32> to vector<16xf32>
      %mul3A_1024 = vector.broadcast %squeeze3A_1015 : f32 to vector<16xf32>
      %mul3A_1025 = arith.mulf %get3A_1023, %mul3A_1024 : vector<16xf32>
      %add3A_1026 = arith.addf %add3A_1006, %mul3A_1025 : vector<16xf32>
      %get3A_1027 = arith.index_cast %add3A_1019 : i32 to index
      %get3A_1028 = arith.constant 16 : index
      %get3A_1029 = tpu.vector_load %arg8[%get3A_1027, %get3A_1028] {strides = array<i32>} : memref<1024x32xf32, #tpu.memory_space<vmem>>, vector<1x16xf32>,
      %get3A_1030 = vector.shape_cast %get3A_1029 : vector<1x16xf32> to vector<16xf32>
      %mul3A_1031 = vector.broadcast %squeeze3A_1015 : f32 to vector<16xf32>
      %mul3A_1032 = arith.mulf %get3A_1030, %mul3A_1031 : vector<16xf32>
      %add3A_1033 = arith.addf %add3A_1013, %mul3A_1032 : vector<16xf32>
      %swap3A_1034 = arith.index_cast %add3A_869 : i32 to index
      %swap3A_1035 = arith.constant 0 : index
      %swap3A_1036 = tpu.vector_load %arg9[%swap3A_1034, %swap3A_1035] {strides = array<i32>} : memref<128x32xf32, #tpu.memory_space<vmem>>, vector<1x16xf32>,
      %swap3A_1037 = vector.shape_cast %swap3A_1036 : vector<1x16xf32> to vector<16xf32>
      %swap3A_1038 = vector.shape_cast %add3A_1026 : vector<16xf32> to vector<1x16xf32>
      tpu.vector_store %arg9[%swap3A_1034, %swap3A_1035], %swap3A_1038 {strides = array<i32>} : memref<128x32xf32, #tpu.memory_space<vmem>>, vector<1x16xf32>,
      %swap3A_1039 = arith.index_cast %add3A_869 : i32 to index
      %swap3A_1040 = arith.constant 16 : index
      %swap3A_1041 = tpu.vector_load %arg9[%swap3A_1039, %swap3A_1040] {strides = array<i32>} : memref<128x32xf32, #tpu.memory_space<vmem>>, vector<1x16xf32>,
      %swap3A_1042 = vector.shape_cast %swap3A_1041 : vector<1x16xf32> to vector<16xf32>
      %swap3A_1043 = vector.shape_cast %add3A_1033 : vector<16xf32> to vector<1x16xf32>
      tpu.vector_store %arg9[%swap3A_1039, %swap3A_1040], %swap3A_1043 {strides = array<i32>} : memref<128x32xf32, #tpu.memory_space<vmem>>, vector<1x16xf32>,
      %scan3A_1044 = arith.constant 0 : i32
      scf.yield %scan3A_1044 : i32
    }
    %scan3A_335 = arith.constant 64 : i32
    %mul3A_336 = arith.constant 512 : i32
    %mul3A_337 = arith.muli %add3A, %mul3A_336 : i32
    %add3A_338 = arith.constant 128 : i32
    %add3A_339 = arith.addi %mul3A_337, %add3A_338 : i32
    "tpu.region"() ({
      %run_scoped3A = tpu.sem_alloc : memref<!tpu.dma_semaphore, #tpu.memory_space<semaphore_mem>>
      %dma_start3A_682 = arith.constant 0 : i32
      %dma_start3A_683 = tpu.memref_slice %arg5[%add3A_339, %dma_start3A_682] : memref<16384x32xf32, #tpu.memory_space<hbm>> -> memref<128x32xf32, #tpu.memory_space<hbm>>
      %dma_start3A_684 = arith.constant 0 : i32
      %dma_start3A_685 = tpu.memref_slice %arg5[%add3A_339, %dma_start3A_684] : memref<16384x32xf32, #tpu.memory_space<hbm>> -> memref<128x32xf32, #tpu.memory_space<hbm>>
      tpu.enqueue_dma source(%arg9 : memref<128x32xf32, #tpu.memory_space<vmem>>) target(%dma_start3A_685 : memref<128x32xf32, #tpu.memory_space<hbm>>) target_semaphore(%run_scoped3A : memref<!tpu.dma_semaphore, #tpu.memory_space<semaphore_mem>>)
      %dma_wait3A_686 = arith.constant 0 : i32
      %dma_wait3A_687 = tpu.memref_slice %arg5[%add3A_339, %dma_wait3A_686] : memref<16384x32xf32, #tpu.memory_space<hbm>> -> memref<128x32xf32, #tpu.memory_space<hbm>>
      %dma_wait3A_688 = arith.constant 0 : i32
      %dma_wait3A_689 = tpu.memref_slice %arg5[%add3A_339, %dma_wait3A_688] : memref<16384x32xf32, #tpu.memory_space<hbm>> -> memref<128x32xf32, #tpu.memory_space<hbm>>
      tpu.wait_dma2 semaphore(%run_scoped3A : memref<!tpu.dma_semaphore, #tpu.memory_space<semaphore_mem>>) src(%arg9 : memref<128x32xf32, #tpu.memory_space<vmem>>) dst(%dma_wait3A_689 : memref<128x32xf32, #tpu.memory_space<hbm>>)
      tpu.yield
    }) : () -> ()
    %dma_start3A_340 = arith.constant 16 : i32
    %dma_start3A_341 = arith.constant 0 : i32
    %dma_start3A_342 = arith.constant 0 : i32
    %dma_start3A_343 = tpu.memref_slice %arg8[%dma_start3A_341, %dma_start3A_342] : memref<1024x32xf32, #tpu.memory_space<vmem>> -> memref<128x32xf32, #tpu.memory_space<vmem>>
    %dma_start3A_344 = arith.constant 0 : i32
    %dma_start3A_345 = tpu.memref_slice %arg6[%dma_start3A_340, %dma_start3A_344] : memref<32x128xi32, #tpu.memory_space<vmem>> -> memref<1x128xi32, #tpu.memory_space<vmem>>
    %dma_start3A_346 = tpu.memref_squeeze %dma_start3A_345 : memref<1x128xi32, #tpu.memory_space<vmem>> -> memref<128xi32, #tpu.memory_space<vmem>>
    %dma_start3A_347 = arith.constant 0 : i32
    %dma_start3A_348 = arith.constant 0 : i32
    %dma_start3A_349 = tpu.memref_slice %arg4[%dma_start3A_347, %dma_start3A_348] : memref<16384x32xf32, #tpu.memory_space<hbm>> -> memref<16384x32xf32, #tpu.memory_space<hbm>>
    tpu.enqueue_indirect_dma source(%dma_start3A_349 : memref<16384x32xf32, #tpu.memory_space<hbm>>) target(%dma_start3A_343 : memref<128x32xf32, #tpu.memory_space<vmem>>) offsets(%dma_start3A_346 : memref<128xi32, #tpu.memory_space<vmem>>) semaphore(%arg10 : memref<!tpu.dma_semaphore, #tpu.memory_space<semaphore_mem>>)
    %dma_start3A_350 = arith.constant 17 : i32
    %dma_start3A_351 = arith.constant 128 : i32
    %dma_start3A_352 = arith.constant 0 : i32
    %dma_start3A_353 = tpu.memref_slice %arg8[%dma_start3A_351, %dma_start3A_352] : memref<1024x32xf32, #tpu.memory_space<vmem>> -> memref<128x32xf32, #tpu.memory_space<vmem>>
    %dma_start3A_354 = arith.constant 0 : i32
    %dma_start3A_355 = tpu.memref_slice %arg6[%dma_start3A_350, %dma_start3A_354] : memref<32x128xi32, #tpu.memory_space<vmem>> -> memref<1x128xi32, #tpu.memory_space<vmem>>
    %dma_start3A_356 = tpu.memref_squeeze %dma_start3A_355 : memref<1x128xi32, #tpu.memory_space<vmem>> -> memref<128xi32, #tpu.memory_space<vmem>>
    %dma_start3A_357 = arith.constant 0 : i32
    %dma_start3A_358 = arith.constant 0 : i32
    %dma_start3A_359 = tpu.memref_slice %arg4[%dma_start3A_357, %dma_start3A_358] : memref<16384x32xf32, #tpu.memory_space<hbm>> -> memref<16384x32xf32, #tpu.memory_space<hbm>>
    tpu.enqueue_indirect_dma source(%dma_start3A_359 : memref<16384x32xf32, #tpu.memory_space<hbm>>) target(%dma_start3A_353 : memref<128x32xf32, #tpu.memory_space<vmem>>) offsets(%dma_start3A_356 : memref<128xi32, #tpu.memory_space<vmem>>) semaphore(%arg10 : memref<!tpu.dma_semaphore, #tpu.memory_space<semaphore_mem>>)
    %dma_start3A_360 = arith.constant 18 : i32
    %dma_start3A_361 = arith.constant 256 : i32
    %dma_start3A_362 = arith.constant 0 : i32
    %dma_start3A_363 = tpu.memref_slice %arg8[%dma_start3A_361, %dma_start3A_362] : memref<1024x32xf32, #tpu.memory_space<vmem>> -> memref<128x32xf32, #tpu.memory_space<vmem>>
    %dma_start3A_364 = arith.constant 0 : i32
    %dma_start3A_365 = tpu.memref_slice %arg6[%dma_start3A_360, %dma_start3A_364] : memref<32x128xi32, #tpu.memory_space<vmem>> -> memref<1x128xi32, #tpu.memory_space<vmem>>
    %dma_start3A_366 = tpu.memref_squeeze %dma_start3A_365 : memref<1x128xi32, #tpu.memory_space<vmem>> -> memref<128xi32, #tpu.memory_space<vmem>>
    %dma_start3A_367 = arith.constant 0 : i32
    %dma_start3A_368 = arith.constant 0 : i32
    %dma_start3A_369 = tpu.memref_slice %arg4[%dma_start3A_367, %dma_start3A_368] : memref<16384x32xf32, #tpu.memory_space<hbm>> -> memref<16384x32xf32, #tpu.memory_space<hbm>>
    tpu.enqueue_indirect_dma source(%dma_start3A_369 : memref<16384x32xf32, #tpu.memory_space<hbm>>) target(%dma_start3A_363 : memref<128x32xf32, #tpu.memory_space<vmem>>) offsets(%dma_start3A_366 : memref<128xi32, #tpu.memory_space<vmem>>) semaphore(%arg10 : memref<!tpu.dma_semaphore, #tpu.memory_space<semaphore_mem>>)
    %dma_start3A_370 = arith.constant 19 : i32
    %dma_start3A_371 = arith.constant 384 : i32
    %dma_start3A_372 = arith.constant 0 : i32
    %dma_start3A_373 = tpu.memref_slice %arg8[%dma_start3A_371, %dma_start3A_372] : memref<1024x32xf32, #tpu.memory_space<vmem>> -> memref<128x32xf32, #tpu.memory_space<vmem>>
    %dma_start3A_374 = arith.constant 0 : i32
    %dma_start3A_375 = tpu.memref_slice %arg6[%dma_start3A_370, %dma_start3A_374] : memref<32x128xi32, #tpu.memory_space<vmem>> -> memref<1x128xi32, #tpu.memory_space<vmem>>
    %dma_start3A_376 = tpu.memref_squeeze %dma_start3A_375 : memref<1x128xi32, #tpu.memory_space<vmem>> -> memref<128xi32, #tpu.memory_space<vmem>>
    %dma_start3A_377 = arith.constant 0 : i32
    %dma_start3A_378 = arith.constant 0 : i32
    %dma_start3A_379 = tpu.memref_slice %arg4[%dma_start3A_377, %dma_start3A_378] : memref<16384x32xf32, #tpu.memory_space<hbm>> -> memref<16384x32xf32, #tpu.memory_space<hbm>>
    tpu.enqueue_indirect_dma source(%dma_start3A_379 : memref<16384x32xf32, #tpu.memory_space<hbm>>) target(%dma_start3A_373 : memref<128x32xf32, #tpu.memory_space<vmem>>) offsets(%dma_start3A_376 : memref<128xi32, #tpu.memory_space<vmem>>) semaphore(%arg10 : memref<!tpu.dma_semaphore, #tpu.memory_space<semaphore_mem>>)
    %dma_start3A_380 = arith.constant 20 : i32
    %dma_start3A_381 = arith.constant 512 : i32
    %dma_start3A_382 = arith.constant 0 : i32
    %dma_start3A_383 = tpu.memref_slice %arg8[%dma_start3A_381, %dma_start3A_382] : memref<1024x32xf32, #tpu.memory_space<vmem>> -> memref<128x32xf32, #tpu.memory_space<vmem>>
    %dma_start3A_384 = arith.constant 0 : i32
    %dma_start3A_385 = tpu.memref_slice %arg6[%dma_start3A_380, %dma_start3A_384] : memref<32x128xi32, #tpu.memory_space<vmem>> -> memref<1x128xi32, #tpu.memory_space<vmem>>
    %dma_start3A_386 = tpu.memref_squeeze %dma_start3A_385 : memref<1x128xi32, #tpu.memory_space<vmem>> -> memref<128xi32, #tpu.memory_space<vmem>>
    %dma_start3A_387 = arith.constant 0 : i32
    %dma_start3A_388 = arith.constant 0 : i32
    %dma_start3A_389 = tpu.memref_slice %arg4[%dma_start3A_387, %dma_start3A_388] : memref<16384x32xf32, #tpu.memory_space<hbm>> -> memref<16384x32xf32, #tpu.memory_space<hbm>>
    tpu.enqueue_indirect_dma source(%dma_start3A_389 : memref<16384x32xf32, #tpu.memory_space<hbm>>) target(%dma_start3A_383 : memref<128x32xf32, #tpu.memory_space<vmem>>) offsets(%dma_start3A_386 : memref<128xi32, #tpu.memory_space<vmem>>) semaphore(%arg10 : memref<!tpu.dma_semaphore, #tpu.memory_space<semaphore_mem>>)
    %dma_start3A_390 = arith.constant 21 : i32
    %dma_start3A_391 = arith.constant 640 : i32
    %dma_start3A_392 = arith.constant 0 : i32
    %dma_start3A_393 = tpu.memref_slice %arg8[%dma_start3A_391, %dma_start3A_392] : memref<1024x32xf32, #tpu.memory_space<vmem>> -> memref<128x32xf32, #tpu.memory_space<vmem>>
    %dma_start3A_394 = arith.constant 0 : i32
    %dma_start3A_395 = tpu.memref_slice %arg6[%dma_start3A_390, %dma_start3A_394] : memref<32x128xi32, #tpu.memory_space<vmem>> -> memref<1x128xi32, #tpu.memory_space<vmem>>
    %dma_start3A_396 = tpu.memref_squeeze %dma_start3A_395 : memref<1x128xi32, #tpu.memory_space<vmem>> -> memref<128xi32, #tpu.memory_space<vmem>>
    %dma_start3A_397 = arith.constant 0 : i32
    %dma_start3A_398 = arith.constant 0 : i32
    %dma_start3A_399 = tpu.memref_slice %arg4[%dma_start3A_397, %dma_start3A_398] : memref<16384x32xf32, #tpu.memory_space<hbm>> -> memref<16384x32xf32, #tpu.memory_space<hbm>>
    tpu.enqueue_indirect_dma source(%dma_start3A_399 : memref<16384x32xf32, #tpu.memory_space<hbm>>) target(%dma_start3A_393 : memref<128x32xf32, #tpu.memory_space<vmem>>) offsets(%dma_start3A_396 : memref<128xi32, #tpu.memory_space<vmem>>) semaphore(%arg10 : memref<!tpu.dma_semaphore, #tpu.memory_space<semaphore_mem>>)
    %dma_start3A_400 = arith.constant 22 : i32
    %dma_start3A_401 = arith.constant 768 : i32
    %dma_start3A_402 = arith.constant 0 : i32
    %dma_start3A_403 = tpu.memref_slice %arg8[%dma_start3A_401, %dma_start3A_402] : memref<1024x32xf32, #tpu.memory_space<vmem>> -> memref<128x32xf32, #tpu.memory_space<vmem>>
    %dma_start3A_404 = arith.constant 0 : i32
    %dma_start3A_405 = tpu.memref_slice %arg6[%dma_start3A_400, %dma_start3A_404] : memref<32x128xi32, #tpu.memory_space<vmem>> -> memref<1x128xi32, #tpu.memory_space<vmem>>
    %dma_start3A_406 = tpu.memref_squeeze %dma_start3A_405 : memref<1x128xi32, #tpu.memory_space<vmem>> -> memref<128xi32, #tpu.memory_space<vmem>>
    %dma_start3A_407 = arith.constant 0 : i32
    %dma_start3A_408 = arith.constant 0 : i32
    %dma_start3A_409 = tpu.memref_slice %arg4[%dma_start3A_407, %dma_start3A_408] : memref<16384x32xf32, #tpu.memory_space<hbm>> -> memref<16384x32xf32, #tpu.memory_space<hbm>>
    tpu.enqueue_indirect_dma source(%dma_start3A_409 : memref<16384x32xf32, #tpu.memory_space<hbm>>) target(%dma_start3A_403 : memref<128x32xf32, #tpu.memory_space<vmem>>) offsets(%dma_start3A_406 : memref<128xi32, #tpu.memory_space<vmem>>) semaphore(%arg10 : memref<!tpu.dma_semaphore, #tpu.memory_space<semaphore_mem>>)
    %dma_start3A_410 = arith.constant 23 : i32
    %dma_start3A_411 = arith.constant 896 : i32
    %dma_start3A_412 = arith.constant 0 : i32
    %dma_start3A_413 = tpu.memref_slice %arg8[%dma_start3A_411, %dma_start3A_412] : memref<1024x32xf32, #tpu.memory_space<vmem>> -> memref<128x32xf32, #tpu.memory_space<vmem>>
    %dma_start3A_414 = arith.constant 0 : i32
    %dma_start3A_415 = tpu.memref_slice %arg6[%dma_start3A_410, %dma_start3A_414] : memref<32x128xi32, #tpu.memory_space<vmem>> -> memref<1x128xi32, #tpu.memory_space<vmem>>
    %dma_start3A_416 = tpu.memref_squeeze %dma_start3A_415 : memref<1x128xi32, #tpu.memory_space<vmem>> -> memref<128xi32, #tpu.memory_space<vmem>>
    %dma_start3A_417 = arith.constant 0 : i32
    %dma_start3A_418 = arith.constant 0 : i32
    %dma_start3A_419 = tpu.memref_slice %arg4[%dma_start3A_417, %dma_start3A_418] : memref<16384x32xf32, #tpu.memory_space<hbm>> -> memref<16384x32xf32, #tpu.memory_space<hbm>>
    tpu.enqueue_indirect_dma source(%dma_start3A_419 : memref<16384x32xf32, #tpu.memory_space<hbm>>) target(%dma_start3A_413 : memref<128x32xf32, #tpu.memory_space<vmem>>) offsets(%dma_start3A_416 : memref<128xi32, #tpu.memory_space<vmem>>) semaphore(%arg10 : memref<!tpu.dma_semaphore, #tpu.memory_space<semaphore_mem>>)
    %dma_wait3A_420 = arith.constant 16 : i32
    %dma_wait3A_421 = arith.constant 0 : i32
    %dma_wait3A_422 = arith.constant 0 : i32
    %dma_wait3A_423 = tpu.memref_slice %arg8[%dma_wait3A_421, %dma_wait3A_422] : memref<1024x32xf32, #tpu.memory_space<vmem>> -> memref<128x32xf32, #tpu.memory_space<vmem>>
    %dma_wait3A_424 = arith.constant 0 : i32
    %dma_wait3A_425 = tpu.memref_slice %arg6[%dma_wait3A_420, %dma_wait3A_424] : memref<32x128xi32, #tpu.memory_space<vmem>> -> memref<1x128xi32, #tpu.memory_space<vmem>>
    %dma_wait3A_426 = tpu.memref_squeeze %dma_wait3A_425 : memref<1x128xi32, #tpu.memory_space<vmem>> -> memref<128xi32, #tpu.memory_space<vmem>>
    %dma_wait3A_427 = arith.constant 0 : i32
    %dma_wait3A_428 = arith.constant 0 : i32
    %dma_wait3A_429 = tpu.memref_slice %arg4[%dma_wait3A_427, %dma_wait3A_428] : memref<16384x32xf32, #tpu.memory_space<hbm>> -> memref<16384x32xf32, #tpu.memory_space<hbm>>
    tpu.wait_indirect_dma semaphore(%arg10 : memref<!tpu.dma_semaphore, #tpu.memory_space<semaphore_mem>>) src(%dma_wait3A_429 : memref<16384x32xf32, #tpu.memory_space<hbm>>) dst(%dma_wait3A_423 : memref<128x32xf32, #tpu.memory_space<vmem>>)
    %dma_wait3A_430 = arith.constant 17 : i32
    %dma_wait3A_431 = arith.constant 128 : i32
    %dma_wait3A_432 = arith.constant 0 : i32
    %dma_wait3A_433 = tpu.memref_slice %arg8[%dma_wait3A_431, %dma_wait3A_432] : memref<1024x32xf32, #tpu.memory_space<vmem>> -> memref<128x32xf32, #tpu.memory_space<vmem>>
    %dma_wait3A_434 = arith.constant 0 : i32
    %dma_wait3A_435 = tpu.memref_slice %arg6[%dma_wait3A_430, %dma_wait3A_434] : memref<32x128xi32, #tpu.memory_space<vmem>> -> memref<1x128xi32, #tpu.memory_space<vmem>>
    %dma_wait3A_436 = tpu.memref_squeeze %dma_wait3A_435 : memref<1x128xi32, #tpu.memory_space<vmem>> -> memref<128xi32, #tpu.memory_space<vmem>>
    %dma_wait3A_437 = arith.constant 0 : i32
    %dma_wait3A_438 = arith.constant 0 : i32
    %dma_wait3A_439 = tpu.memref_slice %arg4[%dma_wait3A_437, %dma_wait3A_438] : memref<16384x32xf32, #tpu.memory_space<hbm>> -> memref<16384x32xf32, #tpu.memory_space<hbm>>
    tpu.wait_indirect_dma semaphore(%arg10 : memref<!tpu.dma_semaphore, #tpu.memory_space<semaphore_mem>>) src(%dma_wait3A_439 : memref<16384x32xf32, #tpu.memory_space<hbm>>) dst(%dma_wait3A_433 : memref<128x32xf32, #tpu.memory_space<vmem>>)
    %dma_wait3A_440 = arith.constant 18 : i32
    %dma_wait3A_441 = arith.constant 256 : i32
    %dma_wait3A_442 = arith.constant 0 : i32
    %dma_wait3A_443 = tpu.memref_slice %arg8[%dma_wait3A_441, %dma_wait3A_442] : memref<1024x32xf32, #tpu.memory_space<vmem>> -> memref<128x32xf32, #tpu.memory_space<vmem>>
    %dma_wait3A_444 = arith.constant 0 : i32
    %dma_wait3A_445 = tpu.memref_slice %arg6[%dma_wait3A_440, %dma_wait3A_444] : memref<32x128xi32, #tpu.memory_space<vmem>> -> memref<1x128xi32, #tpu.memory_space<vmem>>
    %dma_wait3A_446 = tpu.memref_squeeze %dma_wait3A_445 : memref<1x128xi32, #tpu.memory_space<vmem>> -> memref<128xi32, #tpu.memory_space<vmem>>
    %dma_wait3A_447 = arith.constant 0 : i32
    %dma_wait3A_448 = arith.constant 0 : i32
    %dma_wait3A_449 = tpu.memref_slice %arg4[%dma_wait3A_447, %dma_wait3A_448] : memref<16384x32xf32, #tpu.memory_space<hbm>> -> memref<16384x32xf32, #tpu.memory_space<hbm>>
    tpu.wait_indirect_dma semaphore(%arg10 : memref<!tpu.dma_semaphore, #tpu.memory_space<semaphore_mem>>) src(%dma_wait3A_449 : memref<16384x32xf32, #tpu.memory_space<hbm>>) dst(%dma_wait3A_443 : memref<128x32xf32, #tpu.memory_space<vmem>>)
    %dma_wait3A_450 = arith.constant 19 : i32
    %dma_wait3A_451 = arith.constant 384 : i32
    %dma_wait3A_452 = arith.constant 0 : i32
    %dma_wait3A_453 = tpu.memref_slice %arg8[%dma_wait3A_451, %dma_wait3A_452] : memref<1024x32xf32, #tpu.memory_space<vmem>> -> memref<128x32xf32, #tpu.memory_space<vmem>>
    %dma_wait3A_454 = arith.constant 0 : i32
    %dma_wait3A_455 = tpu.memref_slice %arg6[%dma_wait3A_450, %dma_wait3A_454] : memref<32x128xi32, #tpu.memory_space<vmem>> -> memref<1x128xi32, #tpu.memory_space<vmem>>
    %dma_wait3A_456 = tpu.memref_squeeze %dma_wait3A_455 : memref<1x128xi32, #tpu.memory_space<vmem>> -> memref<128xi32, #tpu.memory_space<vmem>>
    %dma_wait3A_457 = arith.constant 0 : i32
    %dma_wait3A_458 = arith.constant 0 : i32
    %dma_wait3A_459 = tpu.memref_slice %arg4[%dma_wait3A_457, %dma_wait3A_458] : memref<16384x32xf32, #tpu.memory_space<hbm>> -> memref<16384x32xf32, #tpu.memory_space<hbm>>
    tpu.wait_indirect_dma semaphore(%arg10 : memref<!tpu.dma_semaphore, #tpu.memory_space<semaphore_mem>>) src(%dma_wait3A_459 : memref<16384x32xf32, #tpu.memory_space<hbm>>) dst(%dma_wait3A_453 : memref<128x32xf32, #tpu.memory_space<vmem>>)
    %dma_wait3A_460 = arith.constant 20 : i32
    %dma_wait3A_461 = arith.constant 512 : i32
    %dma_wait3A_462 = arith.constant 0 : i32
    %dma_wait3A_463 = tpu.memref_slice %arg8[%dma_wait3A_461, %dma_wait3A_462] : memref<1024x32xf32, #tpu.memory_space<vmem>> -> memref<128x32xf32, #tpu.memory_space<vmem>>
    %dma_wait3A_464 = arith.constant 0 : i32
    %dma_wait3A_465 = tpu.memref_slice %arg6[%dma_wait3A_460, %dma_wait3A_464] : memref<32x128xi32, #tpu.memory_space<vmem>> -> memref<1x128xi32, #tpu.memory_space<vmem>>
    %dma_wait3A_466 = tpu.memref_squeeze %dma_wait3A_465 : memref<1x128xi32, #tpu.memory_space<vmem>> -> memref<128xi32, #tpu.memory_space<vmem>>
    %dma_wait3A_467 = arith.constant 0 : i32
    %dma_wait3A_468 = arith.constant 0 : i32
    %dma_wait3A_469 = tpu.memref_slice %arg4[%dma_wait3A_467, %dma_wait3A_468] : memref<16384x32xf32, #tpu.memory_space<hbm>> -> memref<16384x32xf32, #tpu.memory_space<hbm>>
    tpu.wait_indirect_dma semaphore(%arg10 : memref<!tpu.dma_semaphore, #tpu.memory_space<semaphore_mem>>) src(%dma_wait3A_469 : memref<16384x32xf32, #tpu.memory_space<hbm>>) dst(%dma_wait3A_463 : memref<128x32xf32, #tpu.memory_space<vmem>>)
    %dma_wait3A_470 = arith.constant 21 : i32
    %dma_wait3A_471 = arith.constant 640 : i32
    %dma_wait3A_472 = arith.constant 0 : i32
    %dma_wait3A_473 = tpu.memref_slice %arg8[%dma_wait3A_471, %dma_wait3A_472] : memref<1024x32xf32, #tpu.memory_space<vmem>> -> memref<128x32xf32, #tpu.memory_space<vmem>>
    %dma_wait3A_474 = arith.constant 0 : i32
    %dma_wait3A_475 = tpu.memref_slice %arg6[%dma_wait3A_470, %dma_wait3A_474] : memref<32x128xi32, #tpu.memory_space<vmem>> -> memref<1x128xi32, #tpu.memory_space<vmem>>
    %dma_wait3A_476 = tpu.memref_squeeze %dma_wait3A_475 : memref<1x128xi32, #tpu.memory_space<vmem>> -> memref<128xi32, #tpu.memory_space<vmem>>
    %dma_wait3A_477 = arith.constant 0 : i32
    %dma_wait3A_478 = arith.constant 0 : i32
    %dma_wait3A_479 = tpu.memref_slice %arg4[%dma_wait3A_477, %dma_wait3A_478] : memref<16384x32xf32, #tpu.memory_space<hbm>> -> memref<16384x32xf32, #tpu.memory_space<hbm>>
    tpu.wait_indirect_dma semaphore(%arg10 : memref<!tpu.dma_semaphore, #tpu.memory_space<semaphore_mem>>) src(%dma_wait3A_479 : memref<16384x32xf32, #tpu.memory_space<hbm>>) dst(%dma_wait3A_473 : memref<128x32xf32, #tpu.memory_space<vmem>>)
    %dma_wait3A_480 = arith.constant 22 : i32
    %dma_wait3A_481 = arith.constant 768 : i32
    %dma_wait3A_482 = arith.constant 0 : i32
    %dma_wait3A_483 = tpu.memref_slice %arg8[%dma_wait3A_481, %dma_wait3A_482] : memref<1024x32xf32, #tpu.memory_space<vmem>> -> memref<128x32xf32, #tpu.memory_space<vmem>>
    %dma_wait3A_484 = arith.constant 0 : i32
    %dma_wait3A_485 = tpu.memref_slice %arg6[%dma_wait3A_480, %dma_wait3A_484] : memref<32x128xi32, #tpu.memory_space<vmem>> -> memref<1x128xi32, #tpu.memory_space<vmem>>
    %dma_wait3A_486 = tpu.memref_squeeze %dma_wait3A_485 : memref<1x128xi32, #tpu.memory_space<vmem>> -> memref<128xi32, #tpu.memory_space<vmem>>
    %dma_wait3A_487 = arith.constant 0 : i32
    %dma_wait3A_488 = arith.constant 0 : i32
    %dma_wait3A_489 = tpu.memref_slice %arg4[%dma_wait3A_487, %dma_wait3A_488] : memref<16384x32xf32, #tpu.memory_space<hbm>> -> memref<16384x32xf32, #tpu.memory_space<hbm>>
    tpu.wait_indirect_dma semaphore(%arg10 : memref<!tpu.dma_semaphore, #tpu.memory_space<semaphore_mem>>) src(%dma_wait3A_489 : memref<16384x32xf32, #tpu.memory_space<hbm>>) dst(%dma_wait3A_483 : memref<128x32xf32, #tpu.memory_space<vmem>>)
    %dma_wait3A_490 = arith.constant 23 : i32
    %dma_wait3A_491 = arith.constant 896 : i32
    %dma_wait3A_492 = arith.constant 0 : i32
    %dma_wait3A_493 = tpu.memref_slice %arg8[%dma_wait3A_491, %dma_wait3A_492] : memref<1024x32xf32, #tpu.memory_space<vmem>> -> memref<128x32xf32, #tpu.memory_space<vmem>>
    %dma_wait3A_494 = arith.constant 0 : i32
    %dma_wait3A_495 = tpu.memref_slice %arg6[%dma_wait3A_490, %dma_wait3A_494] : memref<32x128xi32, #tpu.memory_space<vmem>> -> memref<1x128xi32, #tpu.memory_space<vmem>>
    %dma_wait3A_496 = tpu.memref_squeeze %dma_wait3A_495 : memref<1x128xi32, #tpu.memory_space<vmem>> -> memref<128xi32, #tpu.memory_space<vmem>>
    %dma_wait3A_497 = arith.constant 0 : i32
    %dma_wait3A_498 = arith.constant 0 : i32
    %dma_wait3A_499 = tpu.memref_slice %arg4[%dma_wait3A_497, %dma_wait3A_498] : memref<16384x32xf32, #tpu.memory_space<hbm>> -> memref<16384x32xf32, #tpu.memory_space<hbm>>
    tpu.wait_indirect_dma semaphore(%arg10 : memref<!tpu.dma_semaphore, #tpu.memory_space<semaphore_mem>>) src(%dma_wait3A_499 : memref<16384x32xf32, #tpu.memory_space<hbm>>) dst(%dma_wait3A_493 : memref<128x32xf32, #tpu.memory_space<vmem>>)
    %scan3A_500 = arith.constant 0 : i32
    %scan3A_501 = arith.constant 0 : i32
    %scan3A_502 = arith.constant 64 : i32
    %scan3A_503 = arith.addi %scan3A_501, %scan3A_502 : i32
    %scan3A_504 = arith.constant 1 : i32
    %scan3A_505 = scf.for %scan3A_682 = %scan3A_501 to %scan3A_503 step %scan3A_504 iter_args(%scan3A_683 = %scan3A_500) -> (i32)  : i32 {
      %mul3A_684 = arith.constant 2 : i32
      %mul3A_685 = arith.muli %mul3A_684, %scan3A_682 : i32
      %add3A_686 = arith.constant 256 : i32
      %add3A_687 = arith.addi %add3A_686, %mul3A_685 : i32
      %mul3A_688 = arith.constant 8 : i32
      %mul3A_689 = arith.muli %add3A_687, %mul3A_688 : i32
      %get3A = arith.index_cast %mul3A_689 : i32 to index
      %get3A_690 = tpu.vector_load %arg7[%get3A] {strides = array<i32>} : memref<4096xf32, #tpu.memory_space<vmem>>, vector<16xf32>,
      %get3A_691 = vector.shape_cast %get3A_690 : vector<16xf32> to vector<16xf32>
      %mul3A_692 = arith.constant 2 : i32
      %mul3A_693 = arith.muli %mul3A_692, %scan3A_682 : i32
      %add3A_694 = arith.constant 0 : i32
      %add3A_695 = arith.addi %mul3A_693, %add3A_694 : i32
      %broadcast_in_dim3A = arith.constant 0.000000e+00 : f32
      %broadcast_in_dim3A_696 = vector.broadcast %broadcast_in_dim3A : f32 to vector<16xf32>
      %broadcast_in_dim3A_697 = arith.constant 0.000000e+00 : f32
      %broadcast_in_dim3A_698 = vector.broadcast %broadcast_in_dim3A_697 : f32 to vector<16xf32>
      %slice3A = vector.extract_strided_slice %get3A_691 {offsets = [0], sizes = [1], strides = [1]} : vector<16xf32> to vector<1xf32>
      %squeeze3A = vector.extract %slice3A[0] : f32 from vector<1xf32>
      %mul3A_699 = arith.constant 8 : i32
      %mul3A_700 = arith.muli %add3A_695, %mul3A_699 : i32
      %add3A_701 = arith.constant 0 : i32
      %add3A_702 = arith.addi %mul3A_700, %add3A_701 : i32
      %get3A_703 = arith.index_cast %add3A_702 : i32 to index
      %get3A_704 = arith.constant 0 : index
      %get3A_705 = tpu.vector_load %arg8[%get3A_703, %get3A_704] {strides = array<i32>} : memref<1024x32xf32, #tpu.memory_space<vmem>>, vector<1x16xf32>,
      %get3A_706 = vector.shape_cast %get3A_705 : vector<1x16xf32> to vector<16xf32>
      %mul3A_707 = vector.broadcast %squeeze3A : f32 to vector<16xf32>
      %mul3A_708 = arith.mulf %get3A_706, %mul3A_707 : vector<16xf32>
      %add3A_709 = arith.addf %broadcast_in_dim3A_696, %mul3A_708 : vector<16xf32>
      %get3A_710 = arith.index_cast %add3A_702 : i32 to index
      %get3A_711 = arith.constant 16 : index
      %get3A_712 = tpu.vector_load %arg8[%get3A_710, %get3A_711] {strides = array<i32>} : memref<1024x32xf32, #tpu.memory_space<vmem>>, vector<1x16xf32>,
      %get3A_713 = vector.shape_cast %get3A_712 : vector<1x16xf32> to vector<16xf32>
      %mul3A_714 = vector.broadcast %squeeze3A : f32 to vector<16xf32>
      %mul3A_715 = arith.mulf %get3A_713, %mul3A_714 : vector<16xf32>
      %add3A_716 = arith.addf %broadcast_in_dim3A_698, %mul3A_715 : vector<16xf32>
      %slice3A_717 = vector.extract_strided_slice %get3A_691 {offsets = [1], sizes = [1], strides = [1]} : vector<16xf32> to vector<1xf32>
      %squeeze3A_718 = vector.extract %slice3A_717[0] : f32 from vector<1xf32>
      %mul3A_719 = arith.constant 8 : i32
      %mul3A_720 = arith.muli %add3A_695, %mul3A_719 : i32
      %add3A_721 = arith.constant 1 : i32
      %add3A_722 = arith.addi %mul3A_720, %add3A_721 : i32
      %get3A_723 = arith.index_cast %add3A_722 : i32 to index
      %get3A_724 = arith.constant 0 : index
      %get3A_725 = tpu.vector_load %arg8[%get3A_723, %get3A_724] {strides = array<i32>} : memref<1024x32xf32, #tpu.memory_space<vmem>>, vector<1x16xf32>,
      %get3A_726 = vector.shape_cast %get3A_725 : vector<1x16xf32> to vector<16xf32>
      %mul3A_727 = vector.broadcast %squeeze3A_718 : f32 to vector<16xf32>
      %mul3A_728 = arith.mulf %get3A_726, %mul3A_727 : vector<16xf32>
      %add3A_729 = arith.addf %add3A_709, %mul3A_728 : vector<16xf32>
      %get3A_730 = arith.index_cast %add3A_722 : i32 to index
      %get3A_731 = arith.constant 16 : index
      %get3A_732 = tpu.vector_load %arg8[%get3A_730, %get3A_731] {strides = array<i32>} : memref<1024x32xf32, #tpu.memory_space<vmem>>, vector<1x16xf32>,
      %get3A_733 = vector.shape_cast %get3A_732 : vector<1x16xf32> to vector<16xf32>
      %mul3A_734 = vector.broadcast %squeeze3A_718 : f32 to vector<16xf32>
      %mul3A_735 = arith.mulf %get3A_733, %mul3A_734 : vector<16xf32>
      %add3A_736 = arith.addf %add3A_716, %mul3A_735 : vector<16xf32>
      %slice3A_737 = vector.extract_strided_slice %get3A_691 {offsets = [2], sizes = [1], strides = [1]} : vector<16xf32> to vector<1xf32>
      %squeeze3A_738 = vector.extract %slice3A_737[0] : f32 from vector<1xf32>
      %mul3A_739 = arith.constant 8 : i32
      %mul3A_740 = arith.muli %add3A_695, %mul3A_739 : i32
      %add3A_741 = arith.constant 2 : i32
      %add3A_742 = arith.addi %mul3A_740, %add3A_741 : i32
      %get3A_743 = arith.index_cast %add3A_742 : i32 to index
      %get3A_744 = arith.constant 0 : index
      %get3A_745 = tpu.vector_load %arg8[%get3A_743, %get3A_744] {strides = array<i32>} : memref<1024x32xf32, #tpu.memory_space<vmem>>, vector<1x16xf32>,
      %get3A_746 = vector.shape_cast %get3A_745 : vector<1x16xf32> to vector<16xf32>
      %mul3A_747 = vector.broadcast %squeeze3A_738 : f32 to vector<16xf32>
      %mul3A_748 = arith.mulf %get3A_746, %mul3A_747 : vector<16xf32>
      %add3A_749 = arith.addf %add3A_729, %mul3A_748 : vector<16xf32>
      %get3A_750 = arith.index_cast %add3A_742 : i32 to index
      %get3A_751 = arith.constant 16 : index
      %get3A_752 = tpu.vector_load %arg8[%get3A_750, %get3A_751] {strides = array<i32>} : memref<1024x32xf32, #tpu.memory_space<vmem>>, vector<1x16xf32>,
      %get3A_753 = vector.shape_cast %get3A_752 : vector<1x16xf32> to vector<16xf32>
      %mul3A_754 = vector.broadcast %squeeze3A_738 : f32 to vector<16xf32>
      %mul3A_755 = arith.mulf %get3A_753, %mul3A_754 : vector<16xf32>
      %add3A_756 = arith.addf %add3A_736, %mul3A_755 : vector<16xf32>
      %slice3A_757 = vector.extract_strided_slice %get3A_691 {offsets = [3], sizes = [1], strides = [1]} : vector<16xf32> to vector<1xf32>
      %squeeze3A_758 = vector.extract %slice3A_757[0] : f32 from vector<1xf32>
      %mul3A_759 = arith.constant 8 : i32
      %mul3A_760 = arith.muli %add3A_695, %mul3A_759 : i32
      %add3A_761 = arith.constant 3 : i32
      %add3A_762 = arith.addi %mul3A_760, %add3A_761 : i32
      %get3A_763 = arith.index_cast %add3A_762 : i32 to index
      %get3A_764 = arith.constant 0 : index
      %get3A_765 = tpu.vector_load %arg8[%get3A_763, %get3A_764] {strides = array<i32>} : memref<1024x32xf32, #tpu.memory_space<vmem>>, vector<1x16xf32>,
      %get3A_766 = vector.shape_cast %get3A_765 : vector<1x16xf32> to vector<16xf32>
      %mul3A_767 = vector.broadcast %squeeze3A_758 : f32 to vector<16xf32>
      %mul3A_768 = arith.mulf %get3A_766, %mul3A_767 : vector<16xf32>
      %add3A_769 = arith.addf %add3A_749, %mul3A_768 : vector<16xf32>
      %get3A_770 = arith.index_cast %add3A_762 : i32 to index
      %get3A_771 = arith.constant 16 : index
      %get3A_772 = tpu.vector_load %arg8[%get3A_770, %get3A_771] {strides = array<i32>} : memref<1024x32xf32, #tpu.memory_space<vmem>>, vector<1x16xf32>,
      %get3A_773 = vector.shape_cast %get3A_772 : vector<1x16xf32> to vector<16xf32>
      %mul3A_774 = vector.broadcast %squeeze3A_758 : f32 to vector<16xf32>
      %mul3A_775 = arith.mulf %get3A_773, %mul3A_774 : vector<16xf32>
      %add3A_776 = arith.addf %add3A_756, %mul3A_775 : vector<16xf32>
      %slice3A_777 = vector.extract_strided_slice %get3A_691 {offsets = [4], sizes = [1], strides = [1]} : vector<16xf32> to vector<1xf32>
      %squeeze3A_778 = vector.extract %slice3A_777[0] : f32 from vector<1xf32>
      %mul3A_779 = arith.constant 8 : i32
      %mul3A_780 = arith.muli %add3A_695, %mul3A_779 : i32
      %add3A_781 = arith.constant 4 : i32
      %add3A_782 = arith.addi %mul3A_780, %add3A_781 : i32
      %get3A_783 = arith.index_cast %add3A_782 : i32 to index
      %get3A_784 = arith.constant 0 : index
      %get3A_785 = tpu.vector_load %arg8[%get3A_783, %get3A_784] {strides = array<i32>} : memref<1024x32xf32, #tpu.memory_space<vmem>>, vector<1x16xf32>,
      %get3A_786 = vector.shape_cast %get3A_785 : vector<1x16xf32> to vector<16xf32>
      %mul3A_787 = vector.broadcast %squeeze3A_778 : f32 to vector<16xf32>
      %mul3A_788 = arith.mulf %get3A_786, %mul3A_787 : vector<16xf32>
      %add3A_789 = arith.addf %add3A_769, %mul3A_788 : vector<16xf32>
      %get3A_790 = arith.index_cast %add3A_782 : i32 to index
      %get3A_791 = arith.constant 16 : index
      %get3A_792 = tpu.vector_load %arg8[%get3A_790, %get3A_791] {strides = array<i32>} : memref<1024x32xf32, #tpu.memory_space<vmem>>, vector<1x16xf32>,
      %get3A_793 = vector.shape_cast %get3A_792 : vector<1x16xf32> to vector<16xf32>
      %mul3A_794 = vector.broadcast %squeeze3A_778 : f32 to vector<16xf32>
      %mul3A_795 = arith.mulf %get3A_793, %mul3A_794 : vector<16xf32>
      %add3A_796 = arith.addf %add3A_776, %mul3A_795 : vector<16xf32>
      %slice3A_797 = vector.extract_strided_slice %get3A_691 {offsets = [5], sizes = [1], strides = [1]} : vector<16xf32> to vector<1xf32>
      %squeeze3A_798 = vector.extract %slice3A_797[0] : f32 from vector<1xf32>
      %mul3A_799 = arith.constant 8 : i32
      %mul3A_800 = arith.muli %add3A_695, %mul3A_799 : i32
      %add3A_801 = arith.constant 5 : i32
      %add3A_802 = arith.addi %mul3A_800, %add3A_801 : i32
      %get3A_803 = arith.index_cast %add3A_802 : i32 to index
      %get3A_804 = arith.constant 0 : index
      %get3A_805 = tpu.vector_load %arg8[%get3A_803, %get3A_804] {strides = array<i32>} : memref<1024x32xf32, #tpu.memory_space<vmem>>, vector<1x16xf32>,
      %get3A_806 = vector.shape_cast %get3A_805 : vector<1x16xf32> to vector<16xf32>
      %mul3A_807 = vector.broadcast %squeeze3A_798 : f32 to vector<16xf32>
      %mul3A_808 = arith.mulf %get3A_806, %mul3A_807 : vector<16xf32>
      %add3A_809 = arith.addf %add3A_789, %mul3A_808 : vector<16xf32>
      %get3A_810 = arith.index_cast %add3A_802 : i32 to index
      %get3A_811 = arith.constant 16 : index
      %get3A_812 = tpu.vector_load %arg8[%get3A_810, %get3A_811] {strides = array<i32>} : memref<1024x32xf32, #tpu.memory_space<vmem>>, vector<1x16xf32>,
      %get3A_813 = vector.shape_cast %get3A_812 : vector<1x16xf32> to vector<16xf32>
      %mul3A_814 = vector.broadcast %squeeze3A_798 : f32 to vector<16xf32>
      %mul3A_815 = arith.mulf %get3A_813, %mul3A_814 : vector<16xf32>
      %add3A_816 = arith.addf %add3A_796, %mul3A_815 : vector<16xf32>
      %slice3A_817 = vector.extract_strided_slice %get3A_691 {offsets = [6], sizes = [1], strides = [1]} : vector<16xf32> to vector<1xf32>
      %squeeze3A_818 = vector.extract %slice3A_817[0] : f32 from vector<1xf32>
      %mul3A_819 = arith.constant 8 : i32
      %mul3A_820 = arith.muli %add3A_695, %mul3A_819 : i32
      %add3A_821 = arith.constant 6 : i32
      %add3A_822 = arith.addi %mul3A_820, %add3A_821 : i32
      %get3A_823 = arith.index_cast %add3A_822 : i32 to index
      %get3A_824 = arith.constant 0 : index
      %get3A_825 = tpu.vector_load %arg8[%get3A_823, %get3A_824] {strides = array<i32>} : memref<1024x32xf32, #tpu.memory_space<vmem>>, vector<1x16xf32>,
      %get3A_826 = vector.shape_cast %get3A_825 : vector<1x16xf32> to vector<16xf32>
      %mul3A_827 = vector.broadcast %squeeze3A_818 : f32 to vector<16xf32>
      %mul3A_828 = arith.mulf %get3A_826, %mul3A_827 : vector<16xf32>
      %add3A_829 = arith.addf %add3A_809, %mul3A_828 : vector<16xf32>
      %get3A_830 = arith.index_cast %add3A_822 : i32 to index
      %get3A_831 = arith.constant 16 : index
      %get3A_832 = tpu.vector_load %arg8[%get3A_830, %get3A_831] {strides = array<i32>} : memref<1024x32xf32, #tpu.memory_space<vmem>>, vector<1x16xf32>,
      %get3A_833 = vector.shape_cast %get3A_832 : vector<1x16xf32> to vector<16xf32>
      %mul3A_834 = vector.broadcast %squeeze3A_818 : f32 to vector<16xf32>
      %mul3A_835 = arith.mulf %get3A_833, %mul3A_834 : vector<16xf32>
      %add3A_836 = arith.addf %add3A_816, %mul3A_835 : vector<16xf32>
      %slice3A_837 = vector.extract_strided_slice %get3A_691 {offsets = [7], sizes = [1], strides = [1]} : vector<16xf32> to vector<1xf32>
      %squeeze3A_838 = vector.extract %slice3A_837[0] : f32 from vector<1xf32>
      %mul3A_839 = arith.constant 8 : i32
      %mul3A_840 = arith.muli %add3A_695, %mul3A_839 : i32
      %add3A_841 = arith.constant 7 : i32
      %add3A_842 = arith.addi %mul3A_840, %add3A_841 : i32
      %get3A_843 = arith.index_cast %add3A_842 : i32 to index
      %get3A_844 = arith.constant 0 : index
      %get3A_845 = tpu.vector_load %arg8[%get3A_843, %get3A_844] {strides = array<i32>} : memref<1024x32xf32, #tpu.memory_space<vmem>>, vector<1x16xf32>,
      %get3A_846 = vector.shape_cast %get3A_845 : vector<1x16xf32> to vector<16xf32>
      %mul3A_847 = vector.broadcast %squeeze3A_838 : f32 to vector<16xf32>
      %mul3A_848 = arith.mulf %get3A_846, %mul3A_847 : vector<16xf32>
      %add3A_849 = arith.addf %add3A_829, %mul3A_848 : vector<16xf32>
      %get3A_850 = arith.index_cast %add3A_842 : i32 to index
      %get3A_851 = arith.constant 16 : index
      %get3A_852 = tpu.vector_load %arg8[%get3A_850, %get3A_851] {strides = array<i32>} : memref<1024x32xf32, #tpu.memory_space<vmem>>, vector<1x16xf32>,
      %get3A_853 = vector.shape_cast %get3A_852 : vector<1x16xf32> to vector<16xf32>
      %mul3A_854 = vector.broadcast %squeeze3A_838 : f32 to vector<16xf32>
      %mul3A_855 = arith.mulf %get3A_853, %mul3A_854 : vector<16xf32>
      %add3A_856 = arith.addf %add3A_836, %mul3A_855 : vector<16xf32>
      %swap3A = arith.index_cast %add3A_695 : i32 to index
      %swap3A_857 = arith.constant 0 : index
      %swap3A_858 = tpu.vector_load %arg9[%swap3A, %swap3A_857] {strides = array<i32>} : memref<128x32xf32, #tpu.memory_space<vmem>>, vector<1x16xf32>,
      %swap3A_859 = vector.shape_cast %swap3A_858 : vector<1x16xf32> to vector<16xf32>
      %swap3A_860 = vector.shape_cast %add3A_849 : vector<16xf32> to vector<1x16xf32>
      tpu.vector_store %arg9[%swap3A, %swap3A_857], %swap3A_860 {strides = array<i32>} : memref<128x32xf32, #tpu.memory_space<vmem>>, vector<1x16xf32>,
      %swap3A_861 = arith.index_cast %add3A_695 : i32 to index
      %swap3A_862 = arith.constant 16 : index
      %swap3A_863 = tpu.vector_load %arg9[%swap3A_861, %swap3A_862] {strides = array<i32>} : memref<128x32xf32, #tpu.memory_space<vmem>>, vector<1x16xf32>,
      %swap3A_864 = vector.shape_cast %swap3A_863 : vector<1x16xf32> to vector<16xf32>
      %swap3A_865 = vector.shape_cast %add3A_856 : vector<16xf32> to vector<1x16xf32>
      tpu.vector_store %arg9[%swap3A_861, %swap3A_862], %swap3A_865 {strides = array<i32>} : memref<128x32xf32, #tpu.memory_space<vmem>>, vector<1x16xf32>,
      %mul3A_866 = arith.constant 2 : i32
      %mul3A_867 = arith.muli %mul3A_866, %scan3A_682 : i32
      %add3A_868 = arith.constant 1 : i32
      %add3A_869 = arith.addi %mul3A_867, %add3A_868 : i32
      %broadcast_in_dim3A_870 = arith.constant 0.000000e+00 : f32
      %broadcast_in_dim3A_871 = vector.broadcast %broadcast_in_dim3A_870 : f32 to vector<16xf32>
      %broadcast_in_dim3A_872 = arith.constant 0.000000e+00 : f32
      %broadcast_in_dim3A_873 = vector.broadcast %broadcast_in_dim3A_872 : f32 to vector<16xf32>
      %slice3A_874 = vector.extract_strided_slice %get3A_691 {offsets = [8], sizes = [1], strides = [1]} : vector<16xf32> to vector<1xf32>
      %squeeze3A_875 = vector.extract %slice3A_874[0] : f32 from vector<1xf32>
      %mul3A_876 = arith.constant 8 : i32
      %mul3A_877 = arith.muli %add3A_869, %mul3A_876 : i32
      %add3A_878 = arith.constant 0 : i32
      %add3A_879 = arith.addi %mul3A_877, %add3A_878 : i32
      %get3A_880 = arith.index_cast %add3A_879 : i32 to index
      %get3A_881 = arith.constant 0 : index
      %get3A_882 = tpu.vector_load %arg8[%get3A_880, %get3A_881] {strides = array<i32>} : memref<1024x32xf32, #tpu.memory_space<vmem>>, vector<1x16xf32>,
      %get3A_883 = vector.shape_cast %get3A_882 : vector<1x16xf32> to vector<16xf32>
      %mul3A_884 = vector.broadcast %squeeze3A_875 : f32 to vector<16xf32>
      %mul3A_885 = arith.mulf %get3A_883, %mul3A_884 : vector<16xf32>
      %add3A_886 = arith.addf %broadcast_in_dim3A_871, %mul3A_885 : vector<16xf32>
      %get3A_887 = arith.index_cast %add3A_879 : i32 to index
      %get3A_888 = arith.constant 16 : index
      %get3A_889 = tpu.vector_load %arg8[%get3A_887, %get3A_888] {strides = array<i32>} : memref<1024x32xf32, #tpu.memory_space<vmem>>, vector<1x16xf32>,
      %get3A_890 = vector.shape_cast %get3A_889 : vector<1x16xf32> to vector<16xf32>
      %mul3A_891 = vector.broadcast %squeeze3A_875 : f32 to vector<16xf32>
      %mul3A_892 = arith.mulf %get3A_890, %mul3A_891 : vector<16xf32>
      %add3A_893 = arith.addf %broadcast_in_dim3A_873, %mul3A_892 : vector<16xf32>
      %slice3A_894 = vector.extract_strided_slice %get3A_691 {offsets = [9], sizes = [1], strides = [1]} : vector<16xf32> to vector<1xf32>
      %squeeze3A_895 = vector.extract %slice3A_894[0] : f32 from vector<1xf32>
      %mul3A_896 = arith.constant 8 : i32
      %mul3A_897 = arith.muli %add3A_869, %mul3A_896 : i32
      %add3A_898 = arith.constant 1 : i32
      %add3A_899 = arith.addi %mul3A_897, %add3A_898 : i32
      %get3A_900 = arith.index_cast %add3A_899 : i32 to index
      %get3A_901 = arith.constant 0 : index
      %get3A_902 = tpu.vector_load %arg8[%get3A_900, %get3A_901] {strides = array<i32>} : memref<1024x32xf32, #tpu.memory_space<vmem>>, vector<1x16xf32>,
      %get3A_903 = vector.shape_cast %get3A_902 : vector<1x16xf32> to vector<16xf32>
      %mul3A_904 = vector.broadcast %squeeze3A_895 : f32 to vector<16xf32>
      %mul3A_905 = arith.mulf %get3A_903, %mul3A_904 : vector<16xf32>
      %add3A_906 = arith.addf %add3A_886, %mul3A_905 : vector<16xf32>
      %get3A_907 = arith.index_cast %add3A_899 : i32 to index
      %get3A_908 = arith.constant 16 : index
      %get3A_909 = tpu.vector_load %arg8[%get3A_907, %get3A_908] {strides = array<i32>} : memref<1024x32xf32, #tpu.memory_space<vmem>>, vector<1x16xf32>,
      %get3A_910 = vector.shape_cast %get3A_909 : vector<1x16xf32> to vector<16xf32>
      %mul3A_911 = vector.broadcast %squeeze3A_895 : f32 to vector<16xf32>
      %mul3A_912 = arith.mulf %get3A_910, %mul3A_911 : vector<16xf32>
      %add3A_913 = arith.addf %add3A_893, %mul3A_912 : vector<16xf32>
      %slice3A_914 = vector.extract_strided_slice %get3A_691 {offsets = [10], sizes = [1], strides = [1]} : vector<16xf32> to vector<1xf32>
      %squeeze3A_915 = vector.extract %slice3A_914[0] : f32 from vector<1xf32>
      %mul3A_916 = arith.constant 8 : i32
      %mul3A_917 = arith.muli %add3A_869, %mul3A_916 : i32
      %add3A_918 = arith.constant 2 : i32
      %add3A_919 = arith.addi %mul3A_917, %add3A_918 : i32
      %get3A_920 = arith.index_cast %add3A_919 : i32 to index
      %get3A_921 = arith.constant 0 : index
      %get3A_922 = tpu.vector_load %arg8[%get3A_920, %get3A_921] {strides = array<i32>} : memref<1024x32xf32, #tpu.memory_space<vmem>>, vector<1x16xf32>,
      %get3A_923 = vector.shape_cast %get3A_922 : vector<1x16xf32> to vector<16xf32>
      %mul3A_924 = vector.broadcast %squeeze3A_915 : f32 to vector<16xf32>
      %mul3A_925 = arith.mulf %get3A_923, %mul3A_924 : vector<16xf32>
      %add3A_926 = arith.addf %add3A_906, %mul3A_925 : vector<16xf32>
      %get3A_927 = arith.index_cast %add3A_919 : i32 to index
      %get3A_928 = arith.constant 16 : index
      %get3A_929 = tpu.vector_load %arg8[%get3A_927, %get3A_928] {strides = array<i32>} : memref<1024x32xf32, #tpu.memory_space<vmem>>, vector<1x16xf32>,
      %get3A_930 = vector.shape_cast %get3A_929 : vector<1x16xf32> to vector<16xf32>
      %mul3A_931 = vector.broadcast %squeeze3A_915 : f32 to vector<16xf32>
      %mul3A_932 = arith.mulf %get3A_930, %mul3A_931 : vector<16xf32>
      %add3A_933 = arith.addf %add3A_913, %mul3A_932 : vector<16xf32>
      %slice3A_934 = vector.extract_strided_slice %get3A_691 {offsets = [11], sizes = [1], strides = [1]} : vector<16xf32> to vector<1xf32>
      %squeeze3A_935 = vector.extract %slice3A_934[0] : f32 from vector<1xf32>
      %mul3A_936 = arith.constant 8 : i32
      %mul3A_937 = arith.muli %add3A_869, %mul3A_936 : i32
      %add3A_938 = arith.constant 3 : i32
      %add3A_939 = arith.addi %mul3A_937, %add3A_938 : i32
      %get3A_940 = arith.index_cast %add3A_939 : i32 to index
      %get3A_941 = arith.constant 0 : index
      %get3A_942 = tpu.vector_load %arg8[%get3A_940, %get3A_941] {strides = array<i32>} : memref<1024x32xf32, #tpu.memory_space<vmem>>, vector<1x16xf32>,
      %get3A_943 = vector.shape_cast %get3A_942 : vector<1x16xf32> to vector<16xf32>
      %mul3A_944 = vector.broadcast %squeeze3A_935 : f32 to vector<16xf32>
      %mul3A_945 = arith.mulf %get3A_943, %mul3A_944 : vector<16xf32>
      %add3A_946 = arith.addf %add3A_926, %mul3A_945 : vector<16xf32>
      %get3A_947 = arith.index_cast %add3A_939 : i32 to index
      %get3A_948 = arith.constant 16 : index
      %get3A_949 = tpu.vector_load %arg8[%get3A_947, %get3A_948] {strides = array<i32>} : memref<1024x32xf32, #tpu.memory_space<vmem>>, vector<1x16xf32>,
      %get3A_950 = vector.shape_cast %get3A_949 : vector<1x16xf32> to vector<16xf32>
      %mul3A_951 = vector.broadcast %squeeze3A_935 : f32 to vector<16xf32>
      %mul3A_952 = arith.mulf %get3A_950, %mul3A_951 : vector<16xf32>
      %add3A_953 = arith.addf %add3A_933, %mul3A_952 : vector<16xf32>
      %slice3A_954 = vector.extract_strided_slice %get3A_691 {offsets = [12], sizes = [1], strides = [1]} : vector<16xf32> to vector<1xf32>
      %squeeze3A_955 = vector.extract %slice3A_954[0] : f32 from vector<1xf32>
      %mul3A_956 = arith.constant 8 : i32
      %mul3A_957 = arith.muli %add3A_869, %mul3A_956 : i32
      %add3A_958 = arith.constant 4 : i32
      %add3A_959 = arith.addi %mul3A_957, %add3A_958 : i32
      %get3A_960 = arith.index_cast %add3A_959 : i32 to index
      %get3A_961 = arith.constant 0 : index
      %get3A_962 = tpu.vector_load %arg8[%get3A_960, %get3A_961] {strides = array<i32>} : memref<1024x32xf32, #tpu.memory_space<vmem>>, vector<1x16xf32>,
      %get3A_963 = vector.shape_cast %get3A_962 : vector<1x16xf32> to vector<16xf32>
      %mul3A_964 = vector.broadcast %squeeze3A_955 : f32 to vector<16xf32>
      %mul3A_965 = arith.mulf %get3A_963, %mul3A_964 : vector<16xf32>
      %add3A_966 = arith.addf %add3A_946, %mul3A_965 : vector<16xf32>
      %get3A_967 = arith.index_cast %add3A_959 : i32 to index
      %get3A_968 = arith.constant 16 : index
      %get3A_969 = tpu.vector_load %arg8[%get3A_967, %get3A_968] {strides = array<i32>} : memref<1024x32xf32, #tpu.memory_space<vmem>>, vector<1x16xf32>,
      %get3A_970 = vector.shape_cast %get3A_969 : vector<1x16xf32> to vector<16xf32>
      %mul3A_971 = vector.broadcast %squeeze3A_955 : f32 to vector<16xf32>
      %mul3A_972 = arith.mulf %get3A_970, %mul3A_971 : vector<16xf32>
      %add3A_973 = arith.addf %add3A_953, %mul3A_972 : vector<16xf32>
      %slice3A_974 = vector.extract_strided_slice %get3A_691 {offsets = [13], sizes = [1], strides = [1]} : vector<16xf32> to vector<1xf32>
      %squeeze3A_975 = vector.extract %slice3A_974[0] : f32 from vector<1xf32>
      %mul3A_976 = arith.constant 8 : i32
      %mul3A_977 = arith.muli %add3A_869, %mul3A_976 : i32
      %add3A_978 = arith.constant 5 : i32
      %add3A_979 = arith.addi %mul3A_977, %add3A_978 : i32
      %get3A_980 = arith.index_cast %add3A_979 : i32 to index
      %get3A_981 = arith.constant 0 : index
      %get3A_982 = tpu.vector_load %arg8[%get3A_980, %get3A_981] {strides = array<i32>} : memref<1024x32xf32, #tpu.memory_space<vmem>>, vector<1x16xf32>,
      %get3A_983 = vector.shape_cast %get3A_982 : vector<1x16xf32> to vector<16xf32>
      %mul3A_984 = vector.broadcast %squeeze3A_975 : f32 to vector<16xf32>
      %mul3A_985 = arith.mulf %get3A_983, %mul3A_984 : vector<16xf32>
      %add3A_986 = arith.addf %add3A_966, %mul3A_985 : vector<16xf32>
      %get3A_987 = arith.index_cast %add3A_979 : i32 to index
      %get3A_988 = arith.constant 16 : index
      %get3A_989 = tpu.vector_load %arg8[%get3A_987, %get3A_988] {strides = array<i32>} : memref<1024x32xf32, #tpu.memory_space<vmem>>, vector<1x16xf32>,
      %get3A_990 = vector.shape_cast %get3A_989 : vector<1x16xf32> to vector<16xf32>
      %mul3A_991 = vector.broadcast %squeeze3A_975 : f32 to vector<16xf32>
      %mul3A_992 = arith.mulf %get3A_990, %mul3A_991 : vector<16xf32>
      %add3A_993 = arith.addf %add3A_973, %mul3A_992 : vector<16xf32>
      %slice3A_994 = vector.extract_strided_slice %get3A_691 {offsets = [14], sizes = [1], strides = [1]} : vector<16xf32> to vector<1xf32>
      %squeeze3A_995 = vector.extract %slice3A_994[0] : f32 from vector<1xf32>
      %mul3A_996 = arith.constant 8 : i32
      %mul3A_997 = arith.muli %add3A_869, %mul3A_996 : i32
      %add3A_998 = arith.constant 6 : i32
      %add3A_999 = arith.addi %mul3A_997, %add3A_998 : i32
      %get3A_1000 = arith.index_cast %add3A_999 : i32 to index
      %get3A_1001 = arith.constant 0 : index
      %get3A_1002 = tpu.vector_load %arg8[%get3A_1000, %get3A_1001] {strides = array<i32>} : memref<1024x32xf32, #tpu.memory_space<vmem>>, vector<1x16xf32>,
      %get3A_1003 = vector.shape_cast %get3A_1002 : vector<1x16xf32> to vector<16xf32>
      %mul3A_1004 = vector.broadcast %squeeze3A_995 : f32 to vector<16xf32>
      %mul3A_1005 = arith.mulf %get3A_1003, %mul3A_1004 : vector<16xf32>
      %add3A_1006 = arith.addf %add3A_986, %mul3A_1005 : vector<16xf32>
      %get3A_1007 = arith.index_cast %add3A_999 : i32 to index
      %get3A_1008 = arith.constant 16 : index
      %get3A_1009 = tpu.vector_load %arg8[%get3A_1007, %get3A_1008] {strides = array<i32>} : memref<1024x32xf32, #tpu.memory_space<vmem>>, vector<1x16xf32>,
      %get3A_1010 = vector.shape_cast %get3A_1009 : vector<1x16xf32> to vector<16xf32>
      %mul3A_1011 = vector.broadcast %squeeze3A_995 : f32 to vector<16xf32>
      %mul3A_1012 = arith.mulf %get3A_1010, %mul3A_1011 : vector<16xf32>
      %add3A_1013 = arith.addf %add3A_993, %mul3A_1012 : vector<16xf32>
      %slice3A_1014 = vector.extract_strided_slice %get3A_691 {offsets = [15], sizes = [1], strides = [1]} : vector<16xf32> to vector<1xf32>
      %squeeze3A_1015 = vector.extract %slice3A_1014[0] : f32 from vector<1xf32>
      %mul3A_1016 = arith.constant 8 : i32
      %mul3A_1017 = arith.muli %add3A_869, %mul3A_1016 : i32
      %add3A_1018 = arith.constant 7 : i32
      %add3A_1019 = arith.addi %mul3A_1017, %add3A_1018 : i32
      %get3A_1020 = arith.index_cast %add3A_1019 : i32 to index
      %get3A_1021 = arith.constant 0 : index
      %get3A_1022 = tpu.vector_load %arg8[%get3A_1020, %get3A_1021] {strides = array<i32>} : memref<1024x32xf32, #tpu.memory_space<vmem>>, vector<1x16xf32>,
      %get3A_1023 = vector.shape_cast %get3A_1022 : vector<1x16xf32> to vector<16xf32>
      %mul3A_1024 = vector.broadcast %squeeze3A_1015 : f32 to vector<16xf32>
      %mul3A_1025 = arith.mulf %get3A_1023, %mul3A_1024 : vector<16xf32>
      %add3A_1026 = arith.addf %add3A_1006, %mul3A_1025 : vector<16xf32>
      %get3A_1027 = arith.index_cast %add3A_1019 : i32 to index
      %get3A_1028 = arith.constant 16 : index
      %get3A_1029 = tpu.vector_load %arg8[%get3A_1027, %get3A_1028] {strides = array<i32>} : memref<1024x32xf32, #tpu.memory_space<vmem>>, vector<1x16xf32>,
      %get3A_1030 = vector.shape_cast %get3A_1029 : vector<1x16xf32> to vector<16xf32>
      %mul3A_1031 = vector.broadcast %squeeze3A_1015 : f32 to vector<16xf32>
      %mul3A_1032 = arith.mulf %get3A_1030, %mul3A_1031 : vector<16xf32>
      %add3A_1033 = arith.addf %add3A_1013, %mul3A_1032 : vector<16xf32>
      %swap3A_1034 = arith.index_cast %add3A_869 : i32 to index
      %swap3A_1035 = arith.constant 0 : index
      %swap3A_1036 = tpu.vector_load %arg9[%swap3A_1034, %swap3A_1035] {strides = array<i32>} : memref<128x32xf32, #tpu.memory_space<vmem>>, vector<1x16xf32>,
      %swap3A_1037 = vector.shape_cast %swap3A_1036 : vector<1x16xf32> to vector<16xf32>
      %swap3A_1038 = vector.shape_cast %add3A_1026 : vector<16xf32> to vector<1x16xf32>
      tpu.vector_store %arg9[%swap3A_1034, %swap3A_1035], %swap3A_1038 {strides = array<i32>} : memref<128x32xf32, #tpu.memory_space<vmem>>, vector<1x16xf32>,
      %swap3A_1039 = arith.index_cast %add3A_869 : i32 to index
      %swap3A_1040 = arith.constant 16 : index
      %swap3A_1041 = tpu.vector_load %arg9[%swap3A_1039, %swap3A_1040] {strides = array<i32>} : memref<128x32xf32, #tpu.memory_space<vmem>>, vector<1x16xf32>,
      %swap3A_1042 = vector.shape_cast %swap3A_1041 : vector<1x16xf32> to vector<16xf32>
      %swap3A_1043 = vector.shape_cast %add3A_1033 : vector<16xf32> to vector<1x16xf32>
      tpu.vector_store %arg9[%swap3A_1039, %swap3A_1040], %swap3A_1043 {strides = array<i32>} : memref<128x32xf32, #tpu.memory_space<vmem>>, vector<1x16xf32>,
      %scan3A_1044 = arith.constant 0 : i32
      scf.yield %scan3A_1044 : i32
    }
    %scan3A_506 = arith.constant 64 : i32
    %mul3A_507 = arith.constant 512 : i32
    %mul3A_508 = arith.muli %add3A, %mul3A_507 : i32
    %add3A_509 = arith.constant 256 : i32
    %add3A_510 = arith.addi %mul3A_508, %add3A_509 : i32
    "tpu.region"() ({
      %run_scoped3A = tpu.sem_alloc : memref<!tpu.dma_semaphore, #tpu.memory_space<semaphore_mem>>
      %dma_start3A_682 = arith.constant 0 : i32
      %dma_start3A_683 = tpu.memref_slice %arg5[%add3A_510, %dma_start3A_682] : memref<16384x32xf32, #tpu.memory_space<hbm>> -> memref<128x32xf32, #tpu.memory_space<hbm>>
      %dma_start3A_684 = arith.constant 0 : i32
      %dma_start3A_685 = tpu.memref_slice %arg5[%add3A_510, %dma_start3A_684] : memref<16384x32xf32, #tpu.memory_space<hbm>> -> memref<128x32xf32, #tpu.memory_space<hbm>>
      tpu.enqueue_dma source(%arg9 : memref<128x32xf32, #tpu.memory_space<vmem>>) target(%dma_start3A_685 : memref<128x32xf32, #tpu.memory_space<hbm>>) target_semaphore(%run_scoped3A : memref<!tpu.dma_semaphore, #tpu.memory_space<semaphore_mem>>)
      %dma_wait3A_686 = arith.constant 0 : i32
      %dma_wait3A_687 = tpu.memref_slice %arg5[%add3A_510, %dma_wait3A_686] : memref<16384x32xf32, #tpu.memory_space<hbm>> -> memref<128x32xf32, #tpu.memory_space<hbm>>
      %dma_wait3A_688 = arith.constant 0 : i32
      %dma_wait3A_689 = tpu.memref_slice %arg5[%add3A_510, %dma_wait3A_688] : memref<16384x32xf32, #tpu.memory_space<hbm>> -> memref<128x32xf32, #tpu.memory_space<hbm>>
      tpu.wait_dma2 semaphore(%run_scoped3A : memref<!tpu.dma_semaphore, #tpu.memory_space<semaphore_mem>>) src(%arg9 : memref<128x32xf32, #tpu.memory_space<vmem>>) dst(%dma_wait3A_689 : memref<128x32xf32, #tpu.memory_space<hbm>>)
      tpu.yield
    }) : () -> ()
    %dma_start3A_511 = arith.constant 24 : i32
    %dma_start3A_512 = arith.constant 0 : i32
    %dma_start3A_513 = arith.constant 0 : i32
    %dma_start3A_514 = tpu.memref_slice %arg8[%dma_start3A_512, %dma_start3A_513] : memref<1024x32xf32, #tpu.memory_space<vmem>> -> memref<128x32xf32, #tpu.memory_space<vmem>>
    %dma_start3A_515 = arith.constant 0 : i32
    %dma_start3A_516 = tpu.memref_slice %arg6[%dma_start3A_511, %dma_start3A_515] : memref<32x128xi32, #tpu.memory_space<vmem>> -> memref<1x128xi32, #tpu.memory_space<vmem>>
    %dma_start3A_517 = tpu.memref_squeeze %dma_start3A_516 : memref<1x128xi32, #tpu.memory_space<vmem>> -> memref<128xi32, #tpu.memory_space<vmem>>
    %dma_start3A_518 = arith.constant 0 : i32
    %dma_start3A_519 = arith.constant 0 : i32
    %dma_start3A_520 = tpu.memref_slice %arg4[%dma_start3A_518, %dma_start3A_519] : memref<16384x32xf32, #tpu.memory_space<hbm>> -> memref<16384x32xf32, #tpu.memory_space<hbm>>
    tpu.enqueue_indirect_dma source(%dma_start3A_520 : memref<16384x32xf32, #tpu.memory_space<hbm>>) target(%dma_start3A_514 : memref<128x32xf32, #tpu.memory_space<vmem>>) offsets(%dma_start3A_517 : memref<128xi32, #tpu.memory_space<vmem>>) semaphore(%arg10 : memref<!tpu.dma_semaphore, #tpu.memory_space<semaphore_mem>>)
    %dma_start3A_521 = arith.constant 25 : i32
    %dma_start3A_522 = arith.constant 128 : i32
    %dma_start3A_523 = arith.constant 0 : i32
    %dma_start3A_524 = tpu.memref_slice %arg8[%dma_start3A_522, %dma_start3A_523] : memref<1024x32xf32, #tpu.memory_space<vmem>> -> memref<128x32xf32, #tpu.memory_space<vmem>>
    %dma_start3A_525 = arith.constant 0 : i32
    %dma_start3A_526 = tpu.memref_slice %arg6[%dma_start3A_521, %dma_start3A_525] : memref<32x128xi32, #tpu.memory_space<vmem>> -> memref<1x128xi32, #tpu.memory_space<vmem>>
    %dma_start3A_527 = tpu.memref_squeeze %dma_start3A_526 : memref<1x128xi32, #tpu.memory_space<vmem>> -> memref<128xi32, #tpu.memory_space<vmem>>
    %dma_start3A_528 = arith.constant 0 : i32
    %dma_start3A_529 = arith.constant 0 : i32
    %dma_start3A_530 = tpu.memref_slice %arg4[%dma_start3A_528, %dma_start3A_529] : memref<16384x32xf32, #tpu.memory_space<hbm>> -> memref<16384x32xf32, #tpu.memory_space<hbm>>
    tpu.enqueue_indirect_dma source(%dma_start3A_530 : memref<16384x32xf32, #tpu.memory_space<hbm>>) target(%dma_start3A_524 : memref<128x32xf32, #tpu.memory_space<vmem>>) offsets(%dma_start3A_527 : memref<128xi32, #tpu.memory_space<vmem>>) semaphore(%arg10 : memref<!tpu.dma_semaphore, #tpu.memory_space<semaphore_mem>>)
    %dma_start3A_531 = arith.constant 26 : i32
    %dma_start3A_532 = arith.constant 256 : i32
    %dma_start3A_533 = arith.constant 0 : i32
    %dma_start3A_534 = tpu.memref_slice %arg8[%dma_start3A_532, %dma_start3A_533] : memref<1024x32xf32, #tpu.memory_space<vmem>> -> memref<128x32xf32, #tpu.memory_space<vmem>>
    %dma_start3A_535 = arith.constant 0 : i32
    %dma_start3A_536 = tpu.memref_slice %arg6[%dma_start3A_531, %dma_start3A_535] : memref<32x128xi32, #tpu.memory_space<vmem>> -> memref<1x128xi32, #tpu.memory_space<vmem>>
    %dma_start3A_537 = tpu.memref_squeeze %dma_start3A_536 : memref<1x128xi32, #tpu.memory_space<vmem>> -> memref<128xi32, #tpu.memory_space<vmem>>
    %dma_start3A_538 = arith.constant 0 : i32
    %dma_start3A_539 = arith.constant 0 : i32
    %dma_start3A_540 = tpu.memref_slice %arg4[%dma_start3A_538, %dma_start3A_539] : memref<16384x32xf32, #tpu.memory_space<hbm>> -> memref<16384x32xf32, #tpu.memory_space<hbm>>
    tpu.enqueue_indirect_dma source(%dma_start3A_540 : memref<16384x32xf32, #tpu.memory_space<hbm>>) target(%dma_start3A_534 : memref<128x32xf32, #tpu.memory_space<vmem>>) offsets(%dma_start3A_537 : memref<128xi32, #tpu.memory_space<vmem>>) semaphore(%arg10 : memref<!tpu.dma_semaphore, #tpu.memory_space<semaphore_mem>>)
    %dma_start3A_541 = arith.constant 27 : i32
    %dma_start3A_542 = arith.constant 384 : i32
    %dma_start3A_543 = arith.constant 0 : i32
    %dma_start3A_544 = tpu.memref_slice %arg8[%dma_start3A_542, %dma_start3A_543] : memref<1024x32xf32, #tpu.memory_space<vmem>> -> memref<128x32xf32, #tpu.memory_space<vmem>>
    %dma_start3A_545 = arith.constant 0 : i32
    %dma_start3A_546 = tpu.memref_slice %arg6[%dma_start3A_541, %dma_start3A_545] : memref<32x128xi32, #tpu.memory_space<vmem>> -> memref<1x128xi32, #tpu.memory_space<vmem>>
    %dma_start3A_547 = tpu.memref_squeeze %dma_start3A_546 : memref<1x128xi32, #tpu.memory_space<vmem>> -> memref<128xi32, #tpu.memory_space<vmem>>
    %dma_start3A_548 = arith.constant 0 : i32
    %dma_start3A_549 = arith.constant 0 : i32
    %dma_start3A_550 = tpu.memref_slice %arg4[%dma_start3A_548, %dma_start3A_549] : memref<16384x32xf32, #tpu.memory_space<hbm>> -> memref<16384x32xf32, #tpu.memory_space<hbm>>
    tpu.enqueue_indirect_dma source(%dma_start3A_550 : memref<16384x32xf32, #tpu.memory_space<hbm>>) target(%dma_start3A_544 : memref<128x32xf32, #tpu.memory_space<vmem>>) offsets(%dma_start3A_547 : memref<128xi32, #tpu.memory_space<vmem>>) semaphore(%arg10 : memref<!tpu.dma_semaphore, #tpu.memory_space<semaphore_mem>>)
    %dma_start3A_551 = arith.constant 28 : i32
    %dma_start3A_552 = arith.constant 512 : i32
    %dma_start3A_553 = arith.constant 0 : i32
    %dma_start3A_554 = tpu.memref_slice %arg8[%dma_start3A_552, %dma_start3A_553] : memref<1024x32xf32, #tpu.memory_space<vmem>> -> memref<128x32xf32, #tpu.memory_space<vmem>>
    %dma_start3A_555 = arith.constant 0 : i32
    %dma_start3A_556 = tpu.memref_slice %arg6[%dma_start3A_551, %dma_start3A_555] : memref<32x128xi32, #tpu.memory_space<vmem>> -> memref<1x128xi32, #tpu.memory_space<vmem>>
    %dma_start3A_557 = tpu.memref_squeeze %dma_start3A_556 : memref<1x128xi32, #tpu.memory_space<vmem>> -> memref<128xi32, #tpu.memory_space<vmem>>
    %dma_start3A_558 = arith.constant 0 : i32
    %dma_start3A_559 = arith.constant 0 : i32
    %dma_start3A_560 = tpu.memref_slice %arg4[%dma_start3A_558, %dma_start3A_559] : memref<16384x32xf32, #tpu.memory_space<hbm>> -> memref<16384x32xf32, #tpu.memory_space<hbm>>
    tpu.enqueue_indirect_dma source(%dma_start3A_560 : memref<16384x32xf32, #tpu.memory_space<hbm>>) target(%dma_start3A_554 : memref<128x32xf32, #tpu.memory_space<vmem>>) offsets(%dma_start3A_557 : memref<128xi32, #tpu.memory_space<vmem>>) semaphore(%arg10 : memref<!tpu.dma_semaphore, #tpu.memory_space<semaphore_mem>>)
    %dma_start3A_561 = arith.constant 29 : i32
    %dma_start3A_562 = arith.constant 640 : i32
    %dma_start3A_563 = arith.constant 0 : i32
    %dma_start3A_564 = tpu.memref_slice %arg8[%dma_start3A_562, %dma_start3A_563] : memref<1024x32xf32, #tpu.memory_space<vmem>> -> memref<128x32xf32, #tpu.memory_space<vmem>>
    %dma_start3A_565 = arith.constant 0 : i32
    %dma_start3A_566 = tpu.memref_slice %arg6[%dma_start3A_561, %dma_start3A_565] : memref<32x128xi32, #tpu.memory_space<vmem>> -> memref<1x128xi32, #tpu.memory_space<vmem>>
    %dma_start3A_567 = tpu.memref_squeeze %dma_start3A_566 : memref<1x128xi32, #tpu.memory_space<vmem>> -> memref<128xi32, #tpu.memory_space<vmem>>
    %dma_start3A_568 = arith.constant 0 : i32
    %dma_start3A_569 = arith.constant 0 : i32
    %dma_start3A_570 = tpu.memref_slice %arg4[%dma_start3A_568, %dma_start3A_569] : memref<16384x32xf32, #tpu.memory_space<hbm>> -> memref<16384x32xf32, #tpu.memory_space<hbm>>
    tpu.enqueue_indirect_dma source(%dma_start3A_570 : memref<16384x32xf32, #tpu.memory_space<hbm>>) target(%dma_start3A_564 : memref<128x32xf32, #tpu.memory_space<vmem>>) offsets(%dma_start3A_567 : memref<128xi32, #tpu.memory_space<vmem>>) semaphore(%arg10 : memref<!tpu.dma_semaphore, #tpu.memory_space<semaphore_mem>>)
    %dma_start3A_571 = arith.constant 30 : i32
    %dma_start3A_572 = arith.constant 768 : i32
    %dma_start3A_573 = arith.constant 0 : i32
    %dma_start3A_574 = tpu.memref_slice %arg8[%dma_start3A_572, %dma_start3A_573] : memref<1024x32xf32, #tpu.memory_space<vmem>> -> memref<128x32xf32, #tpu.memory_space<vmem>>
    %dma_start3A_575 = arith.constant 0 : i32
    %dma_start3A_576 = tpu.memref_slice %arg6[%dma_start3A_571, %dma_start3A_575] : memref<32x128xi32, #tpu.memory_space<vmem>> -> memref<1x128xi32, #tpu.memory_space<vmem>>
    %dma_start3A_577 = tpu.memref_squeeze %dma_start3A_576 : memref<1x128xi32, #tpu.memory_space<vmem>> -> memref<128xi32, #tpu.memory_space<vmem>>
    %dma_start3A_578 = arith.constant 0 : i32
    %dma_start3A_579 = arith.constant 0 : i32
    %dma_start3A_580 = tpu.memref_slice %arg4[%dma_start3A_578, %dma_start3A_579] : memref<16384x32xf32, #tpu.memory_space<hbm>> -> memref<16384x32xf32, #tpu.memory_space<hbm>>
    tpu.enqueue_indirect_dma source(%dma_start3A_580 : memref<16384x32xf32, #tpu.memory_space<hbm>>) target(%dma_start3A_574 : memref<128x32xf32, #tpu.memory_space<vmem>>) offsets(%dma_start3A_577 : memref<128xi32, #tpu.memory_space<vmem>>) semaphore(%arg10 : memref<!tpu.dma_semaphore, #tpu.memory_space<semaphore_mem>>)
    %dma_start3A_581 = arith.constant 31 : i32
    %dma_start3A_582 = arith.constant 896 : i32
    %dma_start3A_583 = arith.constant 0 : i32
    %dma_start3A_584 = tpu.memref_slice %arg8[%dma_start3A_582, %dma_start3A_583] : memref<1024x32xf32, #tpu.memory_space<vmem>> -> memref<128x32xf32, #tpu.memory_space<vmem>>
    %dma_start3A_585 = arith.constant 0 : i32
    %dma_start3A_586 = tpu.memref_slice %arg6[%dma_start3A_581, %dma_start3A_585] : memref<32x128xi32, #tpu.memory_space<vmem>> -> memref<1x128xi32, #tpu.memory_space<vmem>>
    %dma_start3A_587 = tpu.memref_squeeze %dma_start3A_586 : memref<1x128xi32, #tpu.memory_space<vmem>> -> memref<128xi32, #tpu.memory_space<vmem>>
    %dma_start3A_588 = arith.constant 0 : i32
    %dma_start3A_589 = arith.constant 0 : i32
    %dma_start3A_590 = tpu.memref_slice %arg4[%dma_start3A_588, %dma_start3A_589] : memref<16384x32xf32, #tpu.memory_space<hbm>> -> memref<16384x32xf32, #tpu.memory_space<hbm>>
    tpu.enqueue_indirect_dma source(%dma_start3A_590 : memref<16384x32xf32, #tpu.memory_space<hbm>>) target(%dma_start3A_584 : memref<128x32xf32, #tpu.memory_space<vmem>>) offsets(%dma_start3A_587 : memref<128xi32, #tpu.memory_space<vmem>>) semaphore(%arg10 : memref<!tpu.dma_semaphore, #tpu.memory_space<semaphore_mem>>)
    %dma_wait3A_591 = arith.constant 24 : i32
    %dma_wait3A_592 = arith.constant 0 : i32
    %dma_wait3A_593 = arith.constant 0 : i32
    %dma_wait3A_594 = tpu.memref_slice %arg8[%dma_wait3A_592, %dma_wait3A_593] : memref<1024x32xf32, #tpu.memory_space<vmem>> -> memref<128x32xf32, #tpu.memory_space<vmem>>
    %dma_wait3A_595 = arith.constant 0 : i32
    %dma_wait3A_596 = tpu.memref_slice %arg6[%dma_wait3A_591, %dma_wait3A_595] : memref<32x128xi32, #tpu.memory_space<vmem>> -> memref<1x128xi32, #tpu.memory_space<vmem>>
    %dma_wait3A_597 = tpu.memref_squeeze %dma_wait3A_596 : memref<1x128xi32, #tpu.memory_space<vmem>> -> memref<128xi32, #tpu.memory_space<vmem>>
    %dma_wait3A_598 = arith.constant 0 : i32
    %dma_wait3A_599 = arith.constant 0 : i32
    %dma_wait3A_600 = tpu.memref_slice %arg4[%dma_wait3A_598, %dma_wait3A_599] : memref<16384x32xf32, #tpu.memory_space<hbm>> -> memref<16384x32xf32, #tpu.memory_space<hbm>>
    tpu.wait_indirect_dma semaphore(%arg10 : memref<!tpu.dma_semaphore, #tpu.memory_space<semaphore_mem>>) src(%dma_wait3A_600 : memref<16384x32xf32, #tpu.memory_space<hbm>>) dst(%dma_wait3A_594 : memref<128x32xf32, #tpu.memory_space<vmem>>)
    %dma_wait3A_601 = arith.constant 25 : i32
    %dma_wait3A_602 = arith.constant 128 : i32
    %dma_wait3A_603 = arith.constant 0 : i32
    %dma_wait3A_604 = tpu.memref_slice %arg8[%dma_wait3A_602, %dma_wait3A_603] : memref<1024x32xf32, #tpu.memory_space<vmem>> -> memref<128x32xf32, #tpu.memory_space<vmem>>
    %dma_wait3A_605 = arith.constant 0 : i32
    %dma_wait3A_606 = tpu.memref_slice %arg6[%dma_wait3A_601, %dma_wait3A_605] : memref<32x128xi32, #tpu.memory_space<vmem>> -> memref<1x128xi32, #tpu.memory_space<vmem>>
    %dma_wait3A_607 = tpu.memref_squeeze %dma_wait3A_606 : memref<1x128xi32, #tpu.memory_space<vmem>> -> memref<128xi32, #tpu.memory_space<vmem>>
    %dma_wait3A_608 = arith.constant 0 : i32
    %dma_wait3A_609 = arith.constant 0 : i32
    %dma_wait3A_610 = tpu.memref_slice %arg4[%dma_wait3A_608, %dma_wait3A_609] : memref<16384x32xf32, #tpu.memory_space<hbm>> -> memref<16384x32xf32, #tpu.memory_space<hbm>>
    tpu.wait_indirect_dma semaphore(%arg10 : memref<!tpu.dma_semaphore, #tpu.memory_space<semaphore_mem>>) src(%dma_wait3A_610 : memref<16384x32xf32, #tpu.memory_space<hbm>>) dst(%dma_wait3A_604 : memref<128x32xf32, #tpu.memory_space<vmem>>)
    %dma_wait3A_611 = arith.constant 26 : i32
    %dma_wait3A_612 = arith.constant 256 : i32
    %dma_wait3A_613 = arith.constant 0 : i32
    %dma_wait3A_614 = tpu.memref_slice %arg8[%dma_wait3A_612, %dma_wait3A_613] : memref<1024x32xf32, #tpu.memory_space<vmem>> -> memref<128x32xf32, #tpu.memory_space<vmem>>
    %dma_wait3A_615 = arith.constant 0 : i32
    %dma_wait3A_616 = tpu.memref_slice %arg6[%dma_wait3A_611, %dma_wait3A_615] : memref<32x128xi32, #tpu.memory_space<vmem>> -> memref<1x128xi32, #tpu.memory_space<vmem>>
    %dma_wait3A_617 = tpu.memref_squeeze %dma_wait3A_616 : memref<1x128xi32, #tpu.memory_space<vmem>> -> memref<128xi32, #tpu.memory_space<vmem>>
    %dma_wait3A_618 = arith.constant 0 : i32
    %dma_wait3A_619 = arith.constant 0 : i32
    %dma_wait3A_620 = tpu.memref_slice %arg4[%dma_wait3A_618, %dma_wait3A_619] : memref<16384x32xf32, #tpu.memory_space<hbm>> -> memref<16384x32xf32, #tpu.memory_space<hbm>>
    tpu.wait_indirect_dma semaphore(%arg10 : memref<!tpu.dma_semaphore, #tpu.memory_space<semaphore_mem>>) src(%dma_wait3A_620 : memref<16384x32xf32, #tpu.memory_space<hbm>>) dst(%dma_wait3A_614 : memref<128x32xf32, #tpu.memory_space<vmem>>)
    %dma_wait3A_621 = arith.constant 27 : i32
    %dma_wait3A_622 = arith.constant 384 : i32
    %dma_wait3A_623 = arith.constant 0 : i32
    %dma_wait3A_624 = tpu.memref_slice %arg8[%dma_wait3A_622, %dma_wait3A_623] : memref<1024x32xf32, #tpu.memory_space<vmem>> -> memref<128x32xf32, #tpu.memory_space<vmem>>
    %dma_wait3A_625 = arith.constant 0 : i32
    %dma_wait3A_626 = tpu.memref_slice %arg6[%dma_wait3A_621, %dma_wait3A_625] : memref<32x128xi32, #tpu.memory_space<vmem>> -> memref<1x128xi32, #tpu.memory_space<vmem>>
    %dma_wait3A_627 = tpu.memref_squeeze %dma_wait3A_626 : memref<1x128xi32, #tpu.memory_space<vmem>> -> memref<128xi32, #tpu.memory_space<vmem>>
    %dma_wait3A_628 = arith.constant 0 : i32
    %dma_wait3A_629 = arith.constant 0 : i32
    %dma_wait3A_630 = tpu.memref_slice %arg4[%dma_wait3A_628, %dma_wait3A_629] : memref<16384x32xf32, #tpu.memory_space<hbm>> -> memref<16384x32xf32, #tpu.memory_space<hbm>>
    tpu.wait_indirect_dma semaphore(%arg10 : memref<!tpu.dma_semaphore, #tpu.memory_space<semaphore_mem>>) src(%dma_wait3A_630 : memref<16384x32xf32, #tpu.memory_space<hbm>>) dst(%dma_wait3A_624 : memref<128x32xf32, #tpu.memory_space<vmem>>)
    %dma_wait3A_631 = arith.constant 28 : i32
    %dma_wait3A_632 = arith.constant 512 : i32
    %dma_wait3A_633 = arith.constant 0 : i32
    %dma_wait3A_634 = tpu.memref_slice %arg8[%dma_wait3A_632, %dma_wait3A_633] : memref<1024x32xf32, #tpu.memory_space<vmem>> -> memref<128x32xf32, #tpu.memory_space<vmem>>
    %dma_wait3A_635 = arith.constant 0 : i32
    %dma_wait3A_636 = tpu.memref_slice %arg6[%dma_wait3A_631, %dma_wait3A_635] : memref<32x128xi32, #tpu.memory_space<vmem>> -> memref<1x128xi32, #tpu.memory_space<vmem>>
    %dma_wait3A_637 = tpu.memref_squeeze %dma_wait3A_636 : memref<1x128xi32, #tpu.memory_space<vmem>> -> memref<128xi32, #tpu.memory_space<vmem>>
    %dma_wait3A_638 = arith.constant 0 : i32
    %dma_wait3A_639 = arith.constant 0 : i32
    %dma_wait3A_640 = tpu.memref_slice %arg4[%dma_wait3A_638, %dma_wait3A_639] : memref<16384x32xf32, #tpu.memory_space<hbm>> -> memref<16384x32xf32, #tpu.memory_space<hbm>>
    tpu.wait_indirect_dma semaphore(%arg10 : memref<!tpu.dma_semaphore, #tpu.memory_space<semaphore_mem>>) src(%dma_wait3A_640 : memref<16384x32xf32, #tpu.memory_space<hbm>>) dst(%dma_wait3A_634 : memref<128x32xf32, #tpu.memory_space<vmem>>)
    %dma_wait3A_641 = arith.constant 29 : i32
    %dma_wait3A_642 = arith.constant 640 : i32
    %dma_wait3A_643 = arith.constant 0 : i32
    %dma_wait3A_644 = tpu.memref_slice %arg8[%dma_wait3A_642, %dma_wait3A_643] : memref<1024x32xf32, #tpu.memory_space<vmem>> -> memref<128x32xf32, #tpu.memory_space<vmem>>
    %dma_wait3A_645 = arith.constant 0 : i32
    %dma_wait3A_646 = tpu.memref_slice %arg6[%dma_wait3A_641, %dma_wait3A_645] : memref<32x128xi32, #tpu.memory_space<vmem>> -> memref<1x128xi32, #tpu.memory_space<vmem>>
    %dma_wait3A_647 = tpu.memref_squeeze %dma_wait3A_646 : memref<1x128xi32, #tpu.memory_space<vmem>> -> memref<128xi32, #tpu.memory_space<vmem>>
    %dma_wait3A_648 = arith.constant 0 : i32
    %dma_wait3A_649 = arith.constant 0 : i32
    %dma_wait3A_650 = tpu.memref_slice %arg4[%dma_wait3A_648, %dma_wait3A_649] : memref<16384x32xf32, #tpu.memory_space<hbm>> -> memref<16384x32xf32, #tpu.memory_space<hbm>>
    tpu.wait_indirect_dma semaphore(%arg10 : memref<!tpu.dma_semaphore, #tpu.memory_space<semaphore_mem>>) src(%dma_wait3A_650 : memref<16384x32xf32, #tpu.memory_space<hbm>>) dst(%dma_wait3A_644 : memref<128x32xf32, #tpu.memory_space<vmem>>)
    %dma_wait3A_651 = arith.constant 30 : i32
    %dma_wait3A_652 = arith.constant 768 : i32
    %dma_wait3A_653 = arith.constant 0 : i32
    %dma_wait3A_654 = tpu.memref_slice %arg8[%dma_wait3A_652, %dma_wait3A_653] : memref<1024x32xf32, #tpu.memory_space<vmem>> -> memref<128x32xf32, #tpu.memory_space<vmem>>
    %dma_wait3A_655 = arith.constant 0 : i32
    %dma_wait3A_656 = tpu.memref_slice %arg6[%dma_wait3A_651, %dma_wait3A_655] : memref<32x128xi32, #tpu.memory_space<vmem>> -> memref<1x128xi32, #tpu.memory_space<vmem>>
    %dma_wait3A_657 = tpu.memref_squeeze %dma_wait3A_656 : memref<1x128xi32, #tpu.memory_space<vmem>> -> memref<128xi32, #tpu.memory_space<vmem>>
    %dma_wait3A_658 = arith.constant 0 : i32
    %dma_wait3A_659 = arith.constant 0 : i32
    %dma_wait3A_660 = tpu.memref_slice %arg4[%dma_wait3A_658, %dma_wait3A_659] : memref<16384x32xf32, #tpu.memory_space<hbm>> -> memref<16384x32xf32, #tpu.memory_space<hbm>>
    tpu.wait_indirect_dma semaphore(%arg10 : memref<!tpu.dma_semaphore, #tpu.memory_space<semaphore_mem>>) src(%dma_wait3A_660 : memref<16384x32xf32, #tpu.memory_space<hbm>>) dst(%dma_wait3A_654 : memref<128x32xf32, #tpu.memory_space<vmem>>)
    %dma_wait3A_661 = arith.constant 31 : i32
    %dma_wait3A_662 = arith.constant 896 : i32
    %dma_wait3A_663 = arith.constant 0 : i32
    %dma_wait3A_664 = tpu.memref_slice %arg8[%dma_wait3A_662, %dma_wait3A_663] : memref<1024x32xf32, #tpu.memory_space<vmem>> -> memref<128x32xf32, #tpu.memory_space<vmem>>
    %dma_wait3A_665 = arith.constant 0 : i32
    %dma_wait3A_666 = tpu.memref_slice %arg6[%dma_wait3A_661, %dma_wait3A_665] : memref<32x128xi32, #tpu.memory_space<vmem>> -> memref<1x128xi32, #tpu.memory_space<vmem>>
    %dma_wait3A_667 = tpu.memref_squeeze %dma_wait3A_666 : memref<1x128xi32, #tpu.memory_space<vmem>> -> memref<128xi32, #tpu.memory_space<vmem>>
    %dma_wait3A_668 = arith.constant 0 : i32
    %dma_wait3A_669 = arith.constant 0 : i32
    %dma_wait3A_670 = tpu.memref_slice %arg4[%dma_wait3A_668, %dma_wait3A_669] : memref<16384x32xf32, #tpu.memory_space<hbm>> -> memref<16384x32xf32, #tpu.memory_space<hbm>>
    tpu.wait_indirect_dma semaphore(%arg10 : memref<!tpu.dma_semaphore, #tpu.memory_space<semaphore_mem>>) src(%dma_wait3A_670 : memref<16384x32xf32, #tpu.memory_space<hbm>>) dst(%dma_wait3A_664 : memref<128x32xf32, #tpu.memory_space<vmem>>)
    %scan3A_671 = arith.constant 0 : i32
    %scan3A_672 = arith.constant 0 : i32
    %scan3A_673 = arith.constant 64 : i32
    %scan3A_674 = arith.addi %scan3A_672, %scan3A_673 : i32
    %scan3A_675 = arith.constant 1 : i32
    %scan3A_676 = scf.for %scan3A_682 = %scan3A_672 to %scan3A_674 step %scan3A_675 iter_args(%scan3A_683 = %scan3A_671) -> (i32)  : i32 {
      %mul3A_684 = arith.constant 2 : i32
      %mul3A_685 = arith.muli %mul3A_684, %scan3A_682 : i32
      %add3A_686 = arith.constant 384 : i32
      %add3A_687 = arith.addi %add3A_686, %mul3A_685 : i32
      %mul3A_688 = arith.constant 8 : i32
      %mul3A_689 = arith.muli %add3A_687, %mul3A_688 : i32
      %get3A = arith.index_cast %mul3A_689 : i32 to index
      %get3A_690 = tpu.vector_load %arg7[%get3A] {strides = array<i32>} : memref<4096xf32, #tpu.memory_space<vmem>>, vector<16xf32>,
      %get3A_691 = vector.shape_cast %get3A_690 : vector<16xf32> to vector<16xf32>
      %mul3A_692 = arith.constant 2 : i32
      %mul3A_693 = arith.muli %mul3A_692, %scan3A_682 : i32
      %add3A_694 = arith.constant 0 : i32
      %add3A_695 = arith.addi %mul3A_693, %add3A_694 : i32
      %broadcast_in_dim3A = arith.constant 0.000000e+00 : f32
      %broadcast_in_dim3A_696 = vector.broadcast %broadcast_in_dim3A : f32 to vector<16xf32>
      %broadcast_in_dim3A_697 = arith.constant 0.000000e+00 : f32
      %broadcast_in_dim3A_698 = vector.broadcast %broadcast_in_dim3A_697 : f32 to vector<16xf32>
      %slice3A = vector.extract_strided_slice %get3A_691 {offsets = [0], sizes = [1], strides = [1]} : vector<16xf32> to vector<1xf32>
      %squeeze3A = vector.extract %slice3A[0] : f32 from vector<1xf32>
      %mul3A_699 = arith.constant 8 : i32
      %mul3A_700 = arith.muli %add3A_695, %mul3A_699 : i32
      %add3A_701 = arith.constant 0 : i32
      %add3A_702 = arith.addi %mul3A_700, %add3A_701 : i32
      %get3A_703 = arith.index_cast %add3A_702 : i32 to index
      %get3A_704 = arith.constant 0 : index
      %get3A_705 = tpu.vector_load %arg8[%get3A_703, %get3A_704] {strides = array<i32>} : memref<1024x32xf32, #tpu.memory_space<vmem>>, vector<1x16xf32>,
      %get3A_706 = vector.shape_cast %get3A_705 : vector<1x16xf32> to vector<16xf32>
      %mul3A_707 = vector.broadcast %squeeze3A : f32 to vector<16xf32>
      %mul3A_708 = arith.mulf %get3A_706, %mul3A_707 : vector<16xf32>
      %add3A_709 = arith.addf %broadcast_in_dim3A_696, %mul3A_708 : vector<16xf32>
      %get3A_710 = arith.index_cast %add3A_702 : i32 to index
      %get3A_711 = arith.constant 16 : index
      %get3A_712 = tpu.vector_load %arg8[%get3A_710, %get3A_711] {strides = array<i32>} : memref<1024x32xf32, #tpu.memory_space<vmem>>, vector<1x16xf32>,
      %get3A_713 = vector.shape_cast %get3A_712 : vector<1x16xf32> to vector<16xf32>
      %mul3A_714 = vector.broadcast %squeeze3A : f32 to vector<16xf32>
      %mul3A_715 = arith.mulf %get3A_713, %mul3A_714 : vector<16xf32>
      %add3A_716 = arith.addf %broadcast_in_dim3A_698, %mul3A_715 : vector<16xf32>
      %slice3A_717 = vector.extract_strided_slice %get3A_691 {offsets = [1], sizes = [1], strides = [1]} : vector<16xf32> to vector<1xf32>
      %squeeze3A_718 = vector.extract %slice3A_717[0] : f32 from vector<1xf32>
      %mul3A_719 = arith.constant 8 : i32
      %mul3A_720 = arith.muli %add3A_695, %mul3A_719 : i32
      %add3A_721 = arith.constant 1 : i32
      %add3A_722 = arith.addi %mul3A_720, %add3A_721 : i32
      %get3A_723 = arith.index_cast %add3A_722 : i32 to index
      %get3A_724 = arith.constant 0 : index
      %get3A_725 = tpu.vector_load %arg8[%get3A_723, %get3A_724] {strides = array<i32>} : memref<1024x32xf32, #tpu.memory_space<vmem>>, vector<1x16xf32>,
      %get3A_726 = vector.shape_cast %get3A_725 : vector<1x16xf32> to vector<16xf32>
      %mul3A_727 = vector.broadcast %squeeze3A_718 : f32 to vector<16xf32>
      %mul3A_728 = arith.mulf %get3A_726, %mul3A_727 : vector<16xf32>
      %add3A_729 = arith.addf %add3A_709, %mul3A_728 : vector<16xf32>
      %get3A_730 = arith.index_cast %add3A_722 : i32 to index
      %get3A_731 = arith.constant 16 : index
      %get3A_732 = tpu.vector_load %arg8[%get3A_730, %get3A_731] {strides = array<i32>} : memref<1024x32xf32, #tpu.memory_space<vmem>>, vector<1x16xf32>,
      %get3A_733 = vector.shape_cast %get3A_732 : vector<1x16xf32> to vector<16xf32>
      %mul3A_734 = vector.broadcast %squeeze3A_718 : f32 to vector<16xf32>
      %mul3A_735 = arith.mulf %get3A_733, %mul3A_734 : vector<16xf32>
      %add3A_736 = arith.addf %add3A_716, %mul3A_735 : vector<16xf32>
      %slice3A_737 = vector.extract_strided_slice %get3A_691 {offsets = [2], sizes = [1], strides = [1]} : vector<16xf32> to vector<1xf32>
      %squeeze3A_738 = vector.extract %slice3A_737[0] : f32 from vector<1xf32>
      %mul3A_739 = arith.constant 8 : i32
      %mul3A_740 = arith.muli %add3A_695, %mul3A_739 : i32
      %add3A_741 = arith.constant 2 : i32
      %add3A_742 = arith.addi %mul3A_740, %add3A_741 : i32
      %get3A_743 = arith.index_cast %add3A_742 : i32 to index
      %get3A_744 = arith.constant 0 : index
      %get3A_745 = tpu.vector_load %arg8[%get3A_743, %get3A_744] {strides = array<i32>} : memref<1024x32xf32, #tpu.memory_space<vmem>>, vector<1x16xf32>,
      %get3A_746 = vector.shape_cast %get3A_745 : vector<1x16xf32> to vector<16xf32>
      %mul3A_747 = vector.broadcast %squeeze3A_738 : f32 to vector<16xf32>
      %mul3A_748 = arith.mulf %get3A_746, %mul3A_747 : vector<16xf32>
      %add3A_749 = arith.addf %add3A_729, %mul3A_748 : vector<16xf32>
      %get3A_750 = arith.index_cast %add3A_742 : i32 to index
      %get3A_751 = arith.constant 16 : index
      %get3A_752 = tpu.vector_load %arg8[%get3A_750, %get3A_751] {strides = array<i32>} : memref<1024x32xf32, #tpu.memory_space<vmem>>, vector<1x16xf32>,
      %get3A_753 = vector.shape_cast %get3A_752 : vector<1x16xf32> to vector<16xf32>
      %mul3A_754 = vector.broadcast %squeeze3A_738 : f32 to vector<16xf32>
      %mul3A_755 = arith.mulf %get3A_753, %mul3A_754 : vector<16xf32>
      %add3A_756 = arith.addf %add3A_736, %mul3A_755 : vector<16xf32>
      %slice3A_757 = vector.extract_strided_slice %get3A_691 {offsets = [3], sizes = [1], strides = [1]} : vector<16xf32> to vector<1xf32>
      %squeeze3A_758 = vector.extract %slice3A_757[0] : f32 from vector<1xf32>
      %mul3A_759 = arith.constant 8 : i32
      %mul3A_760 = arith.muli %add3A_695, %mul3A_759 : i32
      %add3A_761 = arith.constant 3 : i32
      %add3A_762 = arith.addi %mul3A_760, %add3A_761 : i32
      %get3A_763 = arith.index_cast %add3A_762 : i32 to index
      %get3A_764 = arith.constant 0 : index
      %get3A_765 = tpu.vector_load %arg8[%get3A_763, %get3A_764] {strides = array<i32>} : memref<1024x32xf32, #tpu.memory_space<vmem>>, vector<1x16xf32>,
      %get3A_766 = vector.shape_cast %get3A_765 : vector<1x16xf32> to vector<16xf32>
      %mul3A_767 = vector.broadcast %squeeze3A_758 : f32 to vector<16xf32>
      %mul3A_768 = arith.mulf %get3A_766, %mul3A_767 : vector<16xf32>
      %add3A_769 = arith.addf %add3A_749, %mul3A_768 : vector<16xf32>
      %get3A_770 = arith.index_cast %add3A_762 : i32 to index
      %get3A_771 = arith.constant 16 : index
      %get3A_772 = tpu.vector_load %arg8[%get3A_770, %get3A_771] {strides = array<i32>} : memref<1024x32xf32, #tpu.memory_space<vmem>>, vector<1x16xf32>,
      %get3A_773 = vector.shape_cast %get3A_772 : vector<1x16xf32> to vector<16xf32>
      %mul3A_774 = vector.broadcast %squeeze3A_758 : f32 to vector<16xf32>
      %mul3A_775 = arith.mulf %get3A_773, %mul3A_774 : vector<16xf32>
      %add3A_776 = arith.addf %add3A_756, %mul3A_775 : vector<16xf32>
      %slice3A_777 = vector.extract_strided_slice %get3A_691 {offsets = [4], sizes = [1], strides = [1]} : vector<16xf32> to vector<1xf32>
      %squeeze3A_778 = vector.extract %slice3A_777[0] : f32 from vector<1xf32>
      %mul3A_779 = arith.constant 8 : i32
      %mul3A_780 = arith.muli %add3A_695, %mul3A_779 : i32
      %add3A_781 = arith.constant 4 : i32
      %add3A_782 = arith.addi %mul3A_780, %add3A_781 : i32
      %get3A_783 = arith.index_cast %add3A_782 : i32 to index
      %get3A_784 = arith.constant 0 : index
      %get3A_785 = tpu.vector_load %arg8[%get3A_783, %get3A_784] {strides = array<i32>} : memref<1024x32xf32, #tpu.memory_space<vmem>>, vector<1x16xf32>,
      %get3A_786 = vector.shape_cast %get3A_785 : vector<1x16xf32> to vector<16xf32>
      %mul3A_787 = vector.broadcast %squeeze3A_778 : f32 to vector<16xf32>
      %mul3A_788 = arith.mulf %get3A_786, %mul3A_787 : vector<16xf32>
      %add3A_789 = arith.addf %add3A_769, %mul3A_788 : vector<16xf32>
      %get3A_790 = arith.index_cast %add3A_782 : i32 to index
      %get3A_791 = arith.constant 16 : index
      %get3A_792 = tpu.vector_load %arg8[%get3A_790, %get3A_791] {strides = array<i32>} : memref<1024x32xf32, #tpu.memory_space<vmem>>, vector<1x16xf32>,
      %get3A_793 = vector.shape_cast %get3A_792 : vector<1x16xf32> to vector<16xf32>
      %mul3A_794 = vector.broadcast %squeeze3A_778 : f32 to vector<16xf32>
      %mul3A_795 = arith.mulf %get3A_793, %mul3A_794 : vector<16xf32>
      %add3A_796 = arith.addf %add3A_776, %mul3A_795 : vector<16xf32>
      %slice3A_797 = vector.extract_strided_slice %get3A_691 {offsets = [5], sizes = [1], strides = [1]} : vector<16xf32> to vector<1xf32>
      %squeeze3A_798 = vector.extract %slice3A_797[0] : f32 from vector<1xf32>
      %mul3A_799 = arith.constant 8 : i32
      %mul3A_800 = arith.muli %add3A_695, %mul3A_799 : i32
      %add3A_801 = arith.constant 5 : i32
      %add3A_802 = arith.addi %mul3A_800, %add3A_801 : i32
      %get3A_803 = arith.index_cast %add3A_802 : i32 to index
      %get3A_804 = arith.constant 0 : index
      %get3A_805 = tpu.vector_load %arg8[%get3A_803, %get3A_804] {strides = array<i32>} : memref<1024x32xf32, #tpu.memory_space<vmem>>, vector<1x16xf32>,
      %get3A_806 = vector.shape_cast %get3A_805 : vector<1x16xf32> to vector<16xf32>
      %mul3A_807 = vector.broadcast %squeeze3A_798 : f32 to vector<16xf32>
      %mul3A_808 = arith.mulf %get3A_806, %mul3A_807 : vector<16xf32>
      %add3A_809 = arith.addf %add3A_789, %mul3A_808 : vector<16xf32>
      %get3A_810 = arith.index_cast %add3A_802 : i32 to index
      %get3A_811 = arith.constant 16 : index
      %get3A_812 = tpu.vector_load %arg8[%get3A_810, %get3A_811] {strides = array<i32>} : memref<1024x32xf32, #tpu.memory_space<vmem>>, vector<1x16xf32>,
      %get3A_813 = vector.shape_cast %get3A_812 : vector<1x16xf32> to vector<16xf32>
      %mul3A_814 = vector.broadcast %squeeze3A_798 : f32 to vector<16xf32>
      %mul3A_815 = arith.mulf %get3A_813, %mul3A_814 : vector<16xf32>
      %add3A_816 = arith.addf %add3A_796, %mul3A_815 : vector<16xf32>
      %slice3A_817 = vector.extract_strided_slice %get3A_691 {offsets = [6], sizes = [1], strides = [1]} : vector<16xf32> to vector<1xf32>
      %squeeze3A_818 = vector.extract %slice3A_817[0] : f32 from vector<1xf32>
      %mul3A_819 = arith.constant 8 : i32
      %mul3A_820 = arith.muli %add3A_695, %mul3A_819 : i32
      %add3A_821 = arith.constant 6 : i32
      %add3A_822 = arith.addi %mul3A_820, %add3A_821 : i32
      %get3A_823 = arith.index_cast %add3A_822 : i32 to index
      %get3A_824 = arith.constant 0 : index
      %get3A_825 = tpu.vector_load %arg8[%get3A_823, %get3A_824] {strides = array<i32>} : memref<1024x32xf32, #tpu.memory_space<vmem>>, vector<1x16xf32>,
      %get3A_826 = vector.shape_cast %get3A_825 : vector<1x16xf32> to vector<16xf32>
      %mul3A_827 = vector.broadcast %squeeze3A_818 : f32 to vector<16xf32>
      %mul3A_828 = arith.mulf %get3A_826, %mul3A_827 : vector<16xf32>
      %add3A_829 = arith.addf %add3A_809, %mul3A_828 : vector<16xf32>
      %get3A_830 = arith.index_cast %add3A_822 : i32 to index
      %get3A_831 = arith.constant 16 : index
      %get3A_832 = tpu.vector_load %arg8[%get3A_830, %get3A_831] {strides = array<i32>} : memref<1024x32xf32, #tpu.memory_space<vmem>>, vector<1x16xf32>,
      %get3A_833 = vector.shape_cast %get3A_832 : vector<1x16xf32> to vector<16xf32>
      %mul3A_834 = vector.broadcast %squeeze3A_818 : f32 to vector<16xf32>
      %mul3A_835 = arith.mulf %get3A_833, %mul3A_834 : vector<16xf32>
      %add3A_836 = arith.addf %add3A_816, %mul3A_835 : vector<16xf32>
      %slice3A_837 = vector.extract_strided_slice %get3A_691 {offsets = [7], sizes = [1], strides = [1]} : vector<16xf32> to vector<1xf32>
      %squeeze3A_838 = vector.extract %slice3A_837[0] : f32 from vector<1xf32>
      %mul3A_839 = arith.constant 8 : i32
      %mul3A_840 = arith.muli %add3A_695, %mul3A_839 : i32
      %add3A_841 = arith.constant 7 : i32
      %add3A_842 = arith.addi %mul3A_840, %add3A_841 : i32
      %get3A_843 = arith.index_cast %add3A_842 : i32 to index
      %get3A_844 = arith.constant 0 : index
      %get3A_845 = tpu.vector_load %arg8[%get3A_843, %get3A_844] {strides = array<i32>} : memref<1024x32xf32, #tpu.memory_space<vmem>>, vector<1x16xf32>,
      %get3A_846 = vector.shape_cast %get3A_845 : vector<1x16xf32> to vector<16xf32>
      %mul3A_847 = vector.broadcast %squeeze3A_838 : f32 to vector<16xf32>
      %mul3A_848 = arith.mulf %get3A_846, %mul3A_847 : vector<16xf32>
      %add3A_849 = arith.addf %add3A_829, %mul3A_848 : vector<16xf32>
      %get3A_850 = arith.index_cast %add3A_842 : i32 to index
      %get3A_851 = arith.constant 16 : index
      %get3A_852 = tpu.vector_load %arg8[%get3A_850, %get3A_851] {strides = array<i32>} : memref<1024x32xf32, #tpu.memory_space<vmem>>, vector<1x16xf32>,
      %get3A_853 = vector.shape_cast %get3A_852 : vector<1x16xf32> to vector<16xf32>
      %mul3A_854 = vector.broadcast %squeeze3A_838 : f32 to vector<16xf32>
      %mul3A_855 = arith.mulf %get3A_853, %mul3A_854 : vector<16xf32>
      %add3A_856 = arith.addf %add3A_836, %mul3A_855 : vector<16xf32>
      %swap3A = arith.index_cast %add3A_695 : i32 to index
      %swap3A_857 = arith.constant 0 : index
      %swap3A_858 = tpu.vector_load %arg9[%swap3A, %swap3A_857] {strides = array<i32>} : memref<128x32xf32, #tpu.memory_space<vmem>>, vector<1x16xf32>,
      %swap3A_859 = vector.shape_cast %swap3A_858 : vector<1x16xf32> to vector<16xf32>
      %swap3A_860 = vector.shape_cast %add3A_849 : vector<16xf32> to vector<1x16xf32>
      tpu.vector_store %arg9[%swap3A, %swap3A_857], %swap3A_860 {strides = array<i32>} : memref<128x32xf32, #tpu.memory_space<vmem>>, vector<1x16xf32>,
      %swap3A_861 = arith.index_cast %add3A_695 : i32 to index
      %swap3A_862 = arith.constant 16 : index
      %swap3A_863 = tpu.vector_load %arg9[%swap3A_861, %swap3A_862] {strides = array<i32>} : memref<128x32xf32, #tpu.memory_space<vmem>>, vector<1x16xf32>,
      %swap3A_864 = vector.shape_cast %swap3A_863 : vector<1x16xf32> to vector<16xf32>
      %swap3A_865 = vector.shape_cast %add3A_856 : vector<16xf32> to vector<1x16xf32>
      tpu.vector_store %arg9[%swap3A_861, %swap3A_862], %swap3A_865 {strides = array<i32>} : memref<128x32xf32, #tpu.memory_space<vmem>>, vector<1x16xf32>,
      %mul3A_866 = arith.constant 2 : i32
      %mul3A_867 = arith.muli %mul3A_866, %scan3A_682 : i32
      %add3A_868 = arith.constant 1 : i32
      %add3A_869 = arith.addi %mul3A_867, %add3A_868 : i32
      %broadcast_in_dim3A_870 = arith.constant 0.000000e+00 : f32
      %broadcast_in_dim3A_871 = vector.broadcast %broadcast_in_dim3A_870 : f32 to vector<16xf32>
      %broadcast_in_dim3A_872 = arith.constant 0.000000e+00 : f32
      %broadcast_in_dim3A_873 = vector.broadcast %broadcast_in_dim3A_872 : f32 to vector<16xf32>
      %slice3A_874 = vector.extract_strided_slice %get3A_691 {offsets = [8], sizes = [1], strides = [1]} : vector<16xf32> to vector<1xf32>
      %squeeze3A_875 = vector.extract %slice3A_874[0] : f32 from vector<1xf32>
      %mul3A_876 = arith.constant 8 : i32
      %mul3A_877 = arith.muli %add3A_869, %mul3A_876 : i32
      %add3A_878 = arith.constant 0 : i32
      %add3A_879 = arith.addi %mul3A_877, %add3A_878 : i32
      %get3A_880 = arith.index_cast %add3A_879 : i32 to index
      %get3A_881 = arith.constant 0 : index
      %get3A_882 = tpu.vector_load %arg8[%get3A_880, %get3A_881] {strides = array<i32>} : memref<1024x32xf32, #tpu.memory_space<vmem>>, vector<1x16xf32>,
      %get3A_883 = vector.shape_cast %get3A_882 : vector<1x16xf32> to vector<16xf32>
      %mul3A_884 = vector.broadcast %squeeze3A_875 : f32 to vector<16xf32>
      %mul3A_885 = arith.mulf %get3A_883, %mul3A_884 : vector<16xf32>
      %add3A_886 = arith.addf %broadcast_in_dim3A_871, %mul3A_885 : vector<16xf32>
      %get3A_887 = arith.index_cast %add3A_879 : i32 to index
      %get3A_888 = arith.constant 16 : index
      %get3A_889 = tpu.vector_load %arg8[%get3A_887, %get3A_888] {strides = array<i32>} : memref<1024x32xf32, #tpu.memory_space<vmem>>, vector<1x16xf32>,
      %get3A_890 = vector.shape_cast %get3A_889 : vector<1x16xf32> to vector<16xf32>
      %mul3A_891 = vector.broadcast %squeeze3A_875 : f32 to vector<16xf32>
      %mul3A_892 = arith.mulf %get3A_890, %mul3A_891 : vector<16xf32>
      %add3A_893 = arith.addf %broadcast_in_dim3A_873, %mul3A_892 : vector<16xf32>
      %slice3A_894 = vector.extract_strided_slice %get3A_691 {offsets = [9], sizes = [1], strides = [1]} : vector<16xf32> to vector<1xf32>
      %squeeze3A_895 = vector.extract %slice3A_894[0] : f32 from vector<1xf32>
      %mul3A_896 = arith.constant 8 : i32
      %mul3A_897 = arith.muli %add3A_869, %mul3A_896 : i32
      %add3A_898 = arith.constant 1 : i32
      %add3A_899 = arith.addi %mul3A_897, %add3A_898 : i32
      %get3A_900 = arith.index_cast %add3A_899 : i32 to index
      %get3A_901 = arith.constant 0 : index
      %get3A_902 = tpu.vector_load %arg8[%get3A_900, %get3A_901] {strides = array<i32>} : memref<1024x32xf32, #tpu.memory_space<vmem>>, vector<1x16xf32>,
      %get3A_903 = vector.shape_cast %get3A_902 : vector<1x16xf32> to vector<16xf32>
      %mul3A_904 = vector.broadcast %squeeze3A_895 : f32 to vector<16xf32>
      %mul3A_905 = arith.mulf %get3A_903, %mul3A_904 : vector<16xf32>
      %add3A_906 = arith.addf %add3A_886, %mul3A_905 : vector<16xf32>
      %get3A_907 = arith.index_cast %add3A_899 : i32 to index
      %get3A_908 = arith.constant 16 : index
      %get3A_909 = tpu.vector_load %arg8[%get3A_907, %get3A_908] {strides = array<i32>} : memref<1024x32xf32, #tpu.memory_space<vmem>>, vector<1x16xf32>,
      %get3A_910 = vector.shape_cast %get3A_909 : vector<1x16xf32> to vector<16xf32>
      %mul3A_911 = vector.broadcast %squeeze3A_895 : f32 to vector<16xf32>
      %mul3A_912 = arith.mulf %get3A_910, %mul3A_911 : vector<16xf32>
      %add3A_913 = arith.addf %add3A_893, %mul3A_912 : vector<16xf32>
      %slice3A_914 = vector.extract_strided_slice %get3A_691 {offsets = [10], sizes = [1], strides = [1]} : vector<16xf32> to vector<1xf32>
      %squeeze3A_915 = vector.extract %slice3A_914[0] : f32 from vector<1xf32>
      %mul3A_916 = arith.constant 8 : i32
      %mul3A_917 = arith.muli %add3A_869, %mul3A_916 : i32
      %add3A_918 = arith.constant 2 : i32
      %add3A_919 = arith.addi %mul3A_917, %add3A_918 : i32
      %get3A_920 = arith.index_cast %add3A_919 : i32 to index
      %get3A_921 = arith.constant 0 : index
      %get3A_922 = tpu.vector_load %arg8[%get3A_920, %get3A_921] {strides = array<i32>} : memref<1024x32xf32, #tpu.memory_space<vmem>>, vector<1x16xf32>,
      %get3A_923 = vector.shape_cast %get3A_922 : vector<1x16xf32> to vector<16xf32>
      %mul3A_924 = vector.broadcast %squeeze3A_915 : f32 to vector<16xf32>
      %mul3A_925 = arith.mulf %get3A_923, %mul3A_924 : vector<16xf32>
      %add3A_926 = arith.addf %add3A_906, %mul3A_925 : vector<16xf32>
      %get3A_927 = arith.index_cast %add3A_919 : i32 to index
      %get3A_928 = arith.constant 16 : index
      %get3A_929 = tpu.vector_load %arg8[%get3A_927, %get3A_928] {strides = array<i32>} : memref<1024x32xf32, #tpu.memory_space<vmem>>, vector<1x16xf32>,
      %get3A_930 = vector.shape_cast %get3A_929 : vector<1x16xf32> to vector<16xf32>
      %mul3A_931 = vector.broadcast %squeeze3A_915 : f32 to vector<16xf32>
      %mul3A_932 = arith.mulf %get3A_930, %mul3A_931 : vector<16xf32>
      %add3A_933 = arith.addf %add3A_913, %mul3A_932 : vector<16xf32>
      %slice3A_934 = vector.extract_strided_slice %get3A_691 {offsets = [11], sizes = [1], strides = [1]} : vector<16xf32> to vector<1xf32>
      %squeeze3A_935 = vector.extract %slice3A_934[0] : f32 from vector<1xf32>
      %mul3A_936 = arith.constant 8 : i32
      %mul3A_937 = arith.muli %add3A_869, %mul3A_936 : i32
      %add3A_938 = arith.constant 3 : i32
      %add3A_939 = arith.addi %mul3A_937, %add3A_938 : i32
      %get3A_940 = arith.index_cast %add3A_939 : i32 to index
      %get3A_941 = arith.constant 0 : index
      %get3A_942 = tpu.vector_load %arg8[%get3A_940, %get3A_941] {strides = array<i32>} : memref<1024x32xf32, #tpu.memory_space<vmem>>, vector<1x16xf32>,
      %get3A_943 = vector.shape_cast %get3A_942 : vector<1x16xf32> to vector<16xf32>
      %mul3A_944 = vector.broadcast %squeeze3A_935 : f32 to vector<16xf32>
      %mul3A_945 = arith.mulf %get3A_943, %mul3A_944 : vector<16xf32>
      %add3A_946 = arith.addf %add3A_926, %mul3A_945 : vector<16xf32>
      %get3A_947 = arith.index_cast %add3A_939 : i32 to index
      %get3A_948 = arith.constant 16 : index
      %get3A_949 = tpu.vector_load %arg8[%get3A_947, %get3A_948] {strides = array<i32>} : memref<1024x32xf32, #tpu.memory_space<vmem>>, vector<1x16xf32>,
      %get3A_950 = vector.shape_cast %get3A_949 : vector<1x16xf32> to vector<16xf32>
      %mul3A_951 = vector.broadcast %squeeze3A_935 : f32 to vector<16xf32>
      %mul3A_952 = arith.mulf %get3A_950, %mul3A_951 : vector<16xf32>
      %add3A_953 = arith.addf %add3A_933, %mul3A_952 : vector<16xf32>
      %slice3A_954 = vector.extract_strided_slice %get3A_691 {offsets = [12], sizes = [1], strides = [1]} : vector<16xf32> to vector<1xf32>
      %squeeze3A_955 = vector.extract %slice3A_954[0] : f32 from vector<1xf32>
      %mul3A_956 = arith.constant 8 : i32
      %mul3A_957 = arith.muli %add3A_869, %mul3A_956 : i32
      %add3A_958 = arith.constant 4 : i32
      %add3A_959 = arith.addi %mul3A_957, %add3A_958 : i32
      %get3A_960 = arith.index_cast %add3A_959 : i32 to index
      %get3A_961 = arith.constant 0 : index
      %get3A_962 = tpu.vector_load %arg8[%get3A_960, %get3A_961] {strides = array<i32>} : memref<1024x32xf32, #tpu.memory_space<vmem>>, vector<1x16xf32>,
      %get3A_963 = vector.shape_cast %get3A_962 : vector<1x16xf32> to vector<16xf32>
      %mul3A_964 = vector.broadcast %squeeze3A_955 : f32 to vector<16xf32>
      %mul3A_965 = arith.mulf %get3A_963, %mul3A_964 : vector<16xf32>
      %add3A_966 = arith.addf %add3A_946, %mul3A_965 : vector<16xf32>
      %get3A_967 = arith.index_cast %add3A_959 : i32 to index
      %get3A_968 = arith.constant 16 : index
      %get3A_969 = tpu.vector_load %arg8[%get3A_967, %get3A_968] {strides = array<i32>} : memref<1024x32xf32, #tpu.memory_space<vmem>>, vector<1x16xf32>,
      %get3A_970 = vector.shape_cast %get3A_969 : vector<1x16xf32> to vector<16xf32>
      %mul3A_971 = vector.broadcast %squeeze3A_955 : f32 to vector<16xf32>
      %mul3A_972 = arith.mulf %get3A_970, %mul3A_971 : vector<16xf32>
      %add3A_973 = arith.addf %add3A_953, %mul3A_972 : vector<16xf32>
      %slice3A_974 = vector.extract_strided_slice %get3A_691 {offsets = [13], sizes = [1], strides = [1]} : vector<16xf32> to vector<1xf32>
      %squeeze3A_975 = vector.extract %slice3A_974[0] : f32 from vector<1xf32>
      %mul3A_976 = arith.constant 8 : i32
      %mul3A_977 = arith.muli %add3A_869, %mul3A_976 : i32
      %add3A_978 = arith.constant 5 : i32
      %add3A_979 = arith.addi %mul3A_977, %add3A_978 : i32
      %get3A_980 = arith.index_cast %add3A_979 : i32 to index
      %get3A_981 = arith.constant 0 : index
      %get3A_982 = tpu.vector_load %arg8[%get3A_980, %get3A_981] {strides = array<i32>} : memref<1024x32xf32, #tpu.memory_space<vmem>>, vector<1x16xf32>,
      %get3A_983 = vector.shape_cast %get3A_982 : vector<1x16xf32> to vector<16xf32>
      %mul3A_984 = vector.broadcast %squeeze3A_975 : f32 to vector<16xf32>
      %mul3A_985 = arith.mulf %get3A_983, %mul3A_984 : vector<16xf32>
      %add3A_986 = arith.addf %add3A_966, %mul3A_985 : vector<16xf32>
      %get3A_987 = arith.index_cast %add3A_979 : i32 to index
      %get3A_988 = arith.constant 16 : index
      %get3A_989 = tpu.vector_load %arg8[%get3A_987, %get3A_988] {strides = array<i32>} : memref<1024x32xf32, #tpu.memory_space<vmem>>, vector<1x16xf32>,
      %get3A_990 = vector.shape_cast %get3A_989 : vector<1x16xf32> to vector<16xf32>
      %mul3A_991 = vector.broadcast %squeeze3A_975 : f32 to vector<16xf32>
      %mul3A_992 = arith.mulf %get3A_990, %mul3A_991 : vector<16xf32>
      %add3A_993 = arith.addf %add3A_973, %mul3A_992 : vector<16xf32>
      %slice3A_994 = vector.extract_strided_slice %get3A_691 {offsets = [14], sizes = [1], strides = [1]} : vector<16xf32> to vector<1xf32>
      %squeeze3A_995 = vector.extract %slice3A_994[0] : f32 from vector<1xf32>
      %mul3A_996 = arith.constant 8 : i32
      %mul3A_997 = arith.muli %add3A_869, %mul3A_996 : i32
      %add3A_998 = arith.constant 6 : i32
      %add3A_999 = arith.addi %mul3A_997, %add3A_998 : i32
      %get3A_1000 = arith.index_cast %add3A_999 : i32 to index
      %get3A_1001 = arith.constant 0 : index
      %get3A_1002 = tpu.vector_load %arg8[%get3A_1000, %get3A_1001] {strides = array<i32>} : memref<1024x32xf32, #tpu.memory_space<vmem>>, vector<1x16xf32>,
      %get3A_1003 = vector.shape_cast %get3A_1002 : vector<1x16xf32> to vector<16xf32>
      %mul3A_1004 = vector.broadcast %squeeze3A_995 : f32 to vector<16xf32>
      %mul3A_1005 = arith.mulf %get3A_1003, %mul3A_1004 : vector<16xf32>
      %add3A_1006 = arith.addf %add3A_986, %mul3A_1005 : vector<16xf32>
      %get3A_1007 = arith.index_cast %add3A_999 : i32 to index
      %get3A_1008 = arith.constant 16 : index
      %get3A_1009 = tpu.vector_load %arg8[%get3A_1007, %get3A_1008] {strides = array<i32>} : memref<1024x32xf32, #tpu.memory_space<vmem>>, vector<1x16xf32>,
      %get3A_1010 = vector.shape_cast %get3A_1009 : vector<1x16xf32> to vector<16xf32>
      %mul3A_1011 = vector.broadcast %squeeze3A_995 : f32 to vector<16xf32>
      %mul3A_1012 = arith.mulf %get3A_1010, %mul3A_1011 : vector<16xf32>
      %add3A_1013 = arith.addf %add3A_993, %mul3A_1012 : vector<16xf32>
      %slice3A_1014 = vector.extract_strided_slice %get3A_691 {offsets = [15], sizes = [1], strides = [1]} : vector<16xf32> to vector<1xf32>
      %squeeze3A_1015 = vector.extract %slice3A_1014[0] : f32 from vector<1xf32>
      %mul3A_1016 = arith.constant 8 : i32
      %mul3A_1017 = arith.muli %add3A_869, %mul3A_1016 : i32
      %add3A_1018 = arith.constant 7 : i32
      %add3A_1019 = arith.addi %mul3A_1017, %add3A_1018 : i32
      %get3A_1020 = arith.index_cast %add3A_1019 : i32 to index
      %get3A_1021 = arith.constant 0 : index
      %get3A_1022 = tpu.vector_load %arg8[%get3A_1020, %get3A_1021] {strides = array<i32>} : memref<1024x32xf32, #tpu.memory_space<vmem>>, vector<1x16xf32>,
      %get3A_1023 = vector.shape_cast %get3A_1022 : vector<1x16xf32> to vector<16xf32>
      %mul3A_1024 = vector.broadcast %squeeze3A_1015 : f32 to vector<16xf32>
      %mul3A_1025 = arith.mulf %get3A_1023, %mul3A_1024 : vector<16xf32>
      %add3A_1026 = arith.addf %add3A_1006, %mul3A_1025 : vector<16xf32>
      %get3A_1027 = arith.index_cast %add3A_1019 : i32 to index
      %get3A_1028 = arith.constant 16 : index
      %get3A_1029 = tpu.vector_load %arg8[%get3A_1027, %get3A_1028] {strides = array<i32>} : memref<1024x32xf32, #tpu.memory_space<vmem>>, vector<1x16xf32>,
      %get3A_1030 = vector.shape_cast %get3A_1029 : vector<1x16xf32> to vector<16xf32>
      %mul3A_1031 = vector.broadcast %squeeze3A_1015 : f32 to vector<16xf32>
      %mul3A_1032 = arith.mulf %get3A_1030, %mul3A_1031 : vector<16xf32>
      %add3A_1033 = arith.addf %add3A_1013, %mul3A_1032 : vector<16xf32>
      %swap3A_1034 = arith.index_cast %add3A_869 : i32 to index
      %swap3A_1035 = arith.constant 0 : index
      %swap3A_1036 = tpu.vector_load %arg9[%swap3A_1034, %swap3A_1035] {strides = array<i32>} : memref<128x32xf32, #tpu.memory_space<vmem>>, vector<1x16xf32>,
      %swap3A_1037 = vector.shape_cast %swap3A_1036 : vector<1x16xf32> to vector<16xf32>
      %swap3A_1038 = vector.shape_cast %add3A_1026 : vector<16xf32> to vector<1x16xf32>
      tpu.vector_store %arg9[%swap3A_1034, %swap3A_1035], %swap3A_1038 {strides = array<i32>} : memref<128x32xf32, #tpu.memory_space<vmem>>, vector<1x16xf32>,
      %swap3A_1039 = arith.index_cast %add3A_869 : i32 to index
      %swap3A_1040 = arith.constant 16 : index
      %swap3A_1041 = tpu.vector_load %arg9[%swap3A_1039, %swap3A_1040] {strides = array<i32>} : memref<128x32xf32, #tpu.memory_space<vmem>>, vector<1x16xf32>,
      %swap3A_1042 = vector.shape_cast %swap3A_1041 : vector<1x16xf32> to vector<16xf32>
      %swap3A_1043 = vector.shape_cast %add3A_1033 : vector<16xf32> to vector<1x16xf32>
      tpu.vector_store %arg9[%swap3A_1039, %swap3A_1040], %swap3A_1043 {strides = array<i32>} : memref<128x32xf32, #tpu.memory_space<vmem>>, vector<1x16xf32>,
      %scan3A_1044 = arith.constant 0 : i32
      scf.yield %scan3A_1044 : i32
    }
    %scan3A_677 = arith.constant 64 : i32
    %mul3A_678 = arith.constant 512 : i32
    %mul3A_679 = arith.muli %add3A, %mul3A_678 : i32
    %add3A_680 = arith.constant 384 : i32
    %add3A_681 = arith.addi %mul3A_679, %add3A_680 : i32
    "tpu.region"() ({
      %run_scoped3A = tpu.sem_alloc : memref<!tpu.dma_semaphore, #tpu.memory_space<semaphore_mem>>
      %dma_start3A_682 = arith.constant 0 : i32
      %dma_start3A_683 = tpu.memref_slice %arg5[%add3A_681, %dma_start3A_682] : memref<16384x32xf32, #tpu.memory_space<hbm>> -> memref<128x32xf32, #tpu.memory_space<hbm>>
      %dma_start3A_684 = arith.constant 0 : i32
      %dma_start3A_685 = tpu.memref_slice %arg5[%add3A_681, %dma_start3A_684] : memref<16384x32xf32, #tpu.memory_space<hbm>> -> memref<128x32xf32, #tpu.memory_space<hbm>>
      tpu.enqueue_dma source(%arg9 : memref<128x32xf32, #tpu.memory_space<vmem>>) target(%dma_start3A_685 : memref<128x32xf32, #tpu.memory_space<hbm>>) target_semaphore(%run_scoped3A : memref<!tpu.dma_semaphore, #tpu.memory_space<semaphore_mem>>)
      %dma_wait3A_686 = arith.constant 0 : i32
      %dma_wait3A_687 = tpu.memref_slice %arg5[%add3A_681, %dma_wait3A_686] : memref<16384x32xf32, #tpu.memory_space<hbm>> -> memref<128x32xf32, #tpu.memory_space<hbm>>
      %dma_wait3A_688 = arith.constant 0 : i32
      %dma_wait3A_689 = tpu.memref_slice %arg5[%add3A_681, %dma_wait3A_688] : memref<16384x32xf32, #tpu.memory_space<hbm>> -> memref<128x32xf32, #tpu.memory_space<hbm>>
      tpu.wait_dma2 semaphore(%run_scoped3A : memref<!tpu.dma_semaphore, #tpu.memory_space<semaphore_mem>>) src(%arg9 : memref<128x32xf32, #tpu.memory_space<vmem>>) dst(%dma_wait3A_689 : memref<128x32xf32, #tpu.memory_space<hbm>>)
      tpu.yield
    }) : () -> ()
    return
  }
}

module attributes {stable_mosaic.version = 14 : i64} {
  func.func @_topk_body(%arg0: i32, %arg1: memref<128x8xf32, #tpu.memory_space<vmem>>, %arg2: memref<128x1xi32, #tpu.memory_space<vmem>>, %arg3: memref<8x16384xf32, #tpu.memory_space<vmem>>, %arg4: memref<1x16384xi32, #tpu.memory_space<vmem>>, %arg5: memref<128x8xi32, #tpu.memory_space<vmem>>, %arg6: memref<128x8xf32, #tpu.memory_space<vmem>>) attributes {dimension_semantics = [#tpu.dimension_semantics<arbitrary>], iteration_bounds = array<i64: 128>, scalar_prefetch = 0 : i64, scratch_operands = 0 : i64, tpu.core_type = #tpu.core_type<tc>, window_params = [{transform_indices = @transform_0, window_bounds = array<i64: 128, 8>}, {transform_indices = @transform_1, window_bounds = array<i64: 128, 1>}, {pipeline_mode = #tpu.pipeline_mode<synchronous>, transform_indices = @transform_2, window_bounds = array<i64: 8, 16384>}, {pipeline_mode = #tpu.pipeline_mode<synchronous>, transform_indices = @transform_3, window_bounds = array<i64: 1, 16384>}, {transform_indices = @transform_4, window_bounds = array<i64: 128, 8>}, {transform_indices = @transform_5, window_bounds = array<i64: 128, 8>}]} {
    %get3A = arith.constant 0 : index
    %get3A_0 = arith.constant 0 : index
    %get3A_1 = vector.load %arg1[%get3A, %get3A_0] : memref<128x8xf32, #tpu.memory_space<vmem>>, vector<128x8xf32>
    %get3A_2 = arith.constant 0 : index
    %get3A_3 = arith.constant 0 : index
    %get3A_4 = vector.load %arg2[%get3A_2, %get3A_3] : memref<128x1xi32, #tpu.memory_space<vmem>>, vector<128x1xi32>
    %mul3A = arith.mulf %get3A_1, %get3A_1 : vector<128x8xf32>
    %reduce_sum3A = arith.constant dense<0.000000e+00> : vector<128xf32>
    %reduce_sum3A_5 = vector.multi_reduction <add>, %mul3A, %reduce_sum3A [1] : vector<128x8xf32> to vector<128xf32>
    %broadcast_in_dim3A = vector.shape_cast %reduce_sum3A_5 : vector<128xf32> to vector<128x1xf32>
    %iota3A = tpu.iota {dimensions = array<i32: 1>} : vector<128x2048xi32>
    %slice3A = vector.extract_strided_slice %get3A_4 {offsets = [0, 0], sizes = [1, 1], strides = [1, 1]} : vector<128x1xi32> to vector<1x1xi32>
    %squeeze3A = vector.extract %slice3A[0, 0] : i32 from vector<1x1xi32>
    %slice3A_6 = vector.extract_strided_slice %get3A_4 {offsets = [127, 0], sizes = [1, 1], strides = [1, 1]} : vector<128x1xi32> to vector<1x1xi32>
    %squeeze3A_7 = vector.extract %slice3A_6[0, 0] : i32 from vector<1x1xi32>
    %get3A_8 = arith.constant 0 : index
    %get3A_9 = arith.constant 0 : index
    %get3A_10 = vector.load %arg4[%get3A_8, %get3A_9] : memref<1x16384xi32, #tpu.memory_space<vmem>>, vector<1x16384xi32>
    %lt3A = vector.broadcast %squeeze3A : i32 to vector<1x16384xi32>
    %lt3A_11 = arith.cmpi slt, %get3A_10, %lt3A : vector<1x16384xi32>
    %convert_element_type3A = arith.extui %lt3A_11 : vector<1x16384xi1> to vector<1x16384xi32>
    %reduce_sum3A_12 = vector.shape_cast %convert_element_type3A : vector<1x16384xi32> to vector<1x1x16384xi32>
    %reduce_sum3A_13 = arith.constant dense<0> : vector<1xi32>
    %reduce_sum3A_14 = vector.multi_reduction <add>, %reduce_sum3A_12, %reduce_sum3A_13 [1, 2] : vector<1x1x16384xi32> to vector<1xi32>
    %reduce_sum3A_15 = vector.shape_cast %reduce_sum3A_14 : vector<1xi32> to vector<1x1x1xi32>
    %reduce_sum3A_16 = vector.extract %reduce_sum3A_15[0, 0, 0] : i32 from vector<1x1x1xi32>
    %le3A = vector.broadcast %squeeze3A_7 : i32 to vector<1x16384xi32>
    %le3A_17 = arith.cmpi sle, %get3A_10, %le3A : vector<1x16384xi32>
    %convert_element_type3A_18 = arith.extui %le3A_17 : vector<1x16384xi1> to vector<1x16384xi32>
    %reduce_sum3A_19 = vector.shape_cast %convert_element_type3A_18 : vector<1x16384xi32> to vector<1x1x16384xi32>
    %reduce_sum3A_20 = arith.constant dense<0> : vector<1xi32>
    %reduce_sum3A_21 = vector.multi_reduction <add>, %reduce_sum3A_19, %reduce_sum3A_20 [1, 2] : vector<1x1x16384xi32> to vector<1xi32>
    %reduce_sum3A_22 = vector.shape_cast %reduce_sum3A_21 : vector<1xi32> to vector<1x1x1xi32>
    %reduce_sum3A_23 = vector.extract %reduce_sum3A_22[0, 0, 0] : i32 from vector<1x1x1xi32>
    %jit3A = arith.constant 2048 : i32
    %div3A = arith.divsi %reduce_sum3A_16, %jit3A : i32
    %sign3A = arith.constant 0 : i32
    %sign3A_24 = arith.cmpi sgt, %reduce_sum3A_16, %sign3A : i32
    %sign3A_25 = arith.extui %sign3A_24 : i1 to i32
    %sign3A_26 = arith.constant 0 : i32
    %sign3A_27 = arith.cmpi slt, %reduce_sum3A_16, %sign3A_26 : i32
    %sign3A_28 = arith.extui %sign3A_27 : i1 to i32
    %sign3A_29 = arith.subi %sign3A_25, %sign3A_28 : i32
    %sign3A_30 = arith.constant 0 : i32
    %sign3A_31 = arith.cmpi sgt, %jit3A, %sign3A_30 : i32
    %sign3A_32 = arith.extui %sign3A_31 : i1 to i32
    %sign3A_33 = arith.constant 0 : i32
    %sign3A_34 = arith.cmpi slt, %jit3A, %sign3A_33 : i32
    %sign3A_35 = arith.extui %sign3A_34 : i1 to i32
    %sign3A_36 = arith.subi %sign3A_32, %sign3A_35 : i32
    %ne3A = arith.cmpi ne, %sign3A_29, %sign3A_36 : i32
    %rem3A = arith.remsi %reduce_sum3A_16, %jit3A : i32
    %ne3A_37 = arith.constant 0 : i32
    %ne3A_38 = arith.cmpi ne, %rem3A, %ne3A_37 : i32
    %and3A = arith.andi %ne3A, %ne3A_38 : i1
    %sub3A = arith.constant 1 : i32
    %sub3A_39 = arith.subi %div3A, %sub3A : i32
    %select_n3A = arith.select %and3A, %sub3A_39, %div3A : i32
    %add3A = arith.constant 2048 : i32
    %add3A_40 = arith.addi %reduce_sum3A_23, %add3A : i32
    %sub3A_41 = arith.constant 1 : i32
    %sub3A_42 = arith.subi %add3A_40, %sub3A_41 : i32
    %jit3A_43 = arith.constant 2048 : i32
    %div3A_44 = arith.divsi %sub3A_42, %jit3A_43 : i32
    %sign3A_45 = arith.constant 0 : i32
    %sign3A_46 = arith.cmpi sgt, %sub3A_42, %sign3A_45 : i32
    %sign3A_47 = arith.extui %sign3A_46 : i1 to i32
    %sign3A_48 = arith.constant 0 : i32
    %sign3A_49 = arith.cmpi slt, %sub3A_42, %sign3A_48 : i32
    %sign3A_50 = arith.extui %sign3A_49 : i1 to i32
    %sign3A_51 = arith.subi %sign3A_47, %sign3A_50 : i32
    %sign3A_52 = arith.constant 0 : i32
    %sign3A_53 = arith.cmpi sgt, %jit3A_43, %sign3A_52 : i32
    %sign3A_54 = arith.extui %sign3A_53 : i1 to i32
    %sign3A_55 = arith.constant 0 : i32
    %sign3A_56 = arith.cmpi slt, %jit3A_43, %sign3A_55 : i32
    %sign3A_57 = arith.extui %sign3A_56 : i1 to i32
    %sign3A_58 = arith.subi %sign3A_54, %sign3A_57 : i32
    %ne3A_59 = arith.cmpi ne, %sign3A_51, %sign3A_58 : i32
    %rem3A_60 = arith.remsi %sub3A_42, %jit3A_43 : i32
    %ne3A_61 = arith.constant 0 : i32
    %ne3A_62 = arith.cmpi ne, %rem3A_60, %ne3A_61 : i32
    %and3A_63 = arith.andi %ne3A_59, %ne3A_62 : i1
    %sub3A_64 = arith.constant 1 : i32
    %sub3A_65 = arith.subi %div3A_44, %sub3A_64 : i32
    %select_n3A_66 = arith.select %and3A_63, %sub3A_65, %div3A_44 : i32
    %broadcast_in_dim3A_67 = arith.constant 2147483647 : i32
    %broadcast_in_dim3A_68 = vector.broadcast %broadcast_in_dim3A_67 : i32 to vector<128x8xi32>
    %while3A = arith.subi %select_n3A_66, %select_n3A : i32
    %while3A_69 = arith.addi %select_n3A, %while3A : i32
    %while3A_70 = arith.constant 1 : i32
    %while3A_71 = arith.divsi %while3A, %while3A_70 : i32
    %while3A_72 = arith.muli %while3A_71, %while3A_70 : i32
    %while3A_73 = arith.addi %select_n3A, %while3A_72 : i32
    %while3A_74 = arith.constant 1 : i32
    %while3A_75 = scf.for %while3A_97 = %select_n3A to %while3A_73 step %while3A_74 iter_args(%while3A_98 = %broadcast_in_dim3A_68) -> (vector<128x8xi32>)  : i32 {
      %mul3A_99 = arith.constant 2048 : i32
      %mul3A_100 = arith.muli %while3A_97, %mul3A_99 : i32
      %get3A_101 = arith.constant 0 : index
      %get3A_102 = arith.index_cast %mul3A_100 : i32 to index
      %get3A_103 = vector.load %arg3[%get3A_101, %get3A_102] : memref<8x16384xf32, #tpu.memory_space<vmem>>, vector<8x2048xf32>
      %get3A_104 = arith.constant 0 : index
      %get3A_105 = arith.index_cast %mul3A_100 : i32 to index
      %get3A_106 = vector.load %arg4[%get3A_104, %get3A_105] : memref<1x16384xi32, #tpu.memory_space<vmem>>, vector<1x2048xi32>
      %dot_general3A = arith.constant dense<0.000000e+00> : vector<128x2048xf32>
      %dot_general3A_107 = tpu.matmul %get3A_1, %get3A_103, %dot_general3A {dimension_numbers = #tpu.dot_dimension_numbers<[1], [0], [0], [1], [0, 0, 1, 1], [], []>, precision = #tpu.contract_precision<fp32>, transpose_lhs_hint = false} : vector<128x8xf32>, vector<8x2048xf32>, vector<128x2048xf32> -> vector<128x2048xf32>
      %mul3A_108 = arith.mulf %get3A_103, %get3A_103 : vector<8x2048xf32>
      %reduce_sum3A_109 = arith.constant dense<0.000000e+00> : vector<2048xf32>
      %reduce_sum3A_110 = vector.multi_reduction <add>, %mul3A_108, %reduce_sum3A_109 [0] : vector<8x2048xf32> to vector<2048xf32>
      %broadcast_in_dim3A_111 = vector.shape_cast %reduce_sum3A_110 : vector<2048xf32> to vector<1x2048xf32>
      %add3A_112 = vector.broadcast %broadcast_in_dim3A : vector<128x1xf32> to vector<128x2048xf32>
      %add3A_113 = vector.broadcast %broadcast_in_dim3A_111 : vector<1x2048xf32> to vector<128x2048xf32>
      %add3A_114 = arith.addf %add3A_112, %add3A_113 : vector<128x2048xf32>
      %mul3A_115 = arith.constant 2.000000e+00 : f32
      %mul3A_116 = vector.broadcast %mul3A_115 : f32 to vector<128x2048xf32>
      %mul3A_117 = arith.mulf %mul3A_116, %dot_general3A_107 : vector<128x2048xf32>
      %sub3A_118 = arith.subf %add3A_114, %mul3A_117 : vector<128x2048xf32>
      %convert_element_type3A_119 = arith.fptosi %sub3A_118 : vector<128x2048xf32> to vector<128x2048xi32>
      %shift_left3A = arith.constant 14 : i32
      %shift_left3A_120 = vector.broadcast %shift_left3A : i32 to vector<128x2048xi32>
      %shift_left3A_121 = arith.shli %convert_element_type3A_119, %shift_left3A_120 : vector<128x2048xi32>
      %add3A_122 = vector.broadcast %mul3A_100 : i32 to vector<128x2048xi32>
      %add3A_123 = arith.addi %iota3A, %add3A_122 : vector<128x2048xi32>
      %or3A = arith.ori %shift_left3A_121, %add3A_123 : vector<128x2048xi32>
      %eq3A = vector.broadcast %get3A_4 : vector<128x1xi32> to vector<128x2048xi32>
      %eq3A_124 = vector.broadcast %get3A_106 : vector<1x2048xi32> to vector<128x2048xi32>
      %eq3A_125 = arith.cmpi eq, %eq3A, %eq3A_124 : vector<128x2048xi32>
      %jit3A_126 = arith.constant 2147483647 : i32
      %broadcast_in_dim3A_127 = vector.broadcast %jit3A_126 : i32 to vector<128x2048xi32>
      %select_n3A_128 = arith.select %eq3A_125, %or3A, %broadcast_in_dim3A_127 : vector<128x2048xi1>, vector<128x2048xi32>
      %reduce_min3A = arith.constant dense<2147483647> : vector<128xi32>
      %reduce_min3A_129 = vector.multi_reduction <minsi>, %select_n3A_128, %reduce_min3A [1] : vector<128x2048xi32> to vector<128xi32>
      %broadcast_in_dim3A_130 = vector.shape_cast %reduce_min3A_129 : vector<128xi32> to vector<128x1xi32>
      %eq3A_131 = vector.broadcast %broadcast_in_dim3A_130 : vector<128x1xi32> to vector<128x2048xi32>
      %eq3A_132 = arith.cmpi eq, %select_n3A_128, %eq3A_131 : vector<128x2048xi32>
      %jit3A_133 = arith.constant 2147483647 : i32
      %broadcast_in_dim3A_134 = vector.broadcast %jit3A_133 : i32 to vector<128x2048xi32>
      %select_n3A_135 = arith.select %eq3A_132, %broadcast_in_dim3A_134, %select_n3A_128 : vector<128x2048xi1>, vector<128x2048xi32>
      %reduce_min3A_136 = arith.constant dense<2147483647> : vector<128xi32>
      %reduce_min3A_137 = vector.multi_reduction <minsi>, %select_n3A_135, %reduce_min3A_136 [1] : vector<128x2048xi32> to vector<128xi32>
      %broadcast_in_dim3A_138 = vector.shape_cast %reduce_min3A_137 : vector<128xi32> to vector<128x1xi32>
      %eq3A_139 = vector.broadcast %broadcast_in_dim3A_138 : vector<128x1xi32> to vector<128x2048xi32>
      %eq3A_140 = arith.cmpi eq, %select_n3A_135, %eq3A_139 : vector<128x2048xi32>
      %jit3A_141 = arith.constant 2147483647 : i32
      %broadcast_in_dim3A_142 = vector.broadcast %jit3A_141 : i32 to vector<128x2048xi32>
      %select_n3A_143 = arith.select %eq3A_140, %broadcast_in_dim3A_142, %select_n3A_135 : vector<128x2048xi1>, vector<128x2048xi32>
      %reduce_min3A_144 = arith.constant dense<2147483647> : vector<128xi32>
      %reduce_min3A_145 = vector.multi_reduction <minsi>, %select_n3A_143, %reduce_min3A_144 [1] : vector<128x2048xi32> to vector<128xi32>
      %broadcast_in_dim3A_146 = vector.shape_cast %reduce_min3A_145 : vector<128xi32> to vector<128x1xi32>
      %eq3A_147 = vector.broadcast %broadcast_in_dim3A_146 : vector<128x1xi32> to vector<128x2048xi32>
      %eq3A_148 = arith.cmpi eq, %select_n3A_143, %eq3A_147 : vector<128x2048xi32>
      %jit3A_149 = arith.constant 2147483647 : i32
      %broadcast_in_dim3A_150 = vector.broadcast %jit3A_149 : i32 to vector<128x2048xi32>
      %select_n3A_151 = arith.select %eq3A_148, %broadcast_in_dim3A_150, %select_n3A_143 : vector<128x2048xi1>, vector<128x2048xi32>
      %reduce_min3A_152 = arith.constant dense<2147483647> : vector<128xi32>
      %reduce_min3A_153 = vector.multi_reduction <minsi>, %select_n3A_151, %reduce_min3A_152 [1] : vector<128x2048xi32> to vector<128xi32>
      %broadcast_in_dim3A_154 = vector.shape_cast %reduce_min3A_153 : vector<128xi32> to vector<128x1xi32>
      %eq3A_155 = vector.broadcast %broadcast_in_dim3A_154 : vector<128x1xi32> to vector<128x2048xi32>
      %eq3A_156 = arith.cmpi eq, %select_n3A_151, %eq3A_155 : vector<128x2048xi32>
      %jit3A_157 = arith.constant 2147483647 : i32
      %broadcast_in_dim3A_158 = vector.broadcast %jit3A_157 : i32 to vector<128x2048xi32>
      %select_n3A_159 = arith.select %eq3A_156, %broadcast_in_dim3A_158, %select_n3A_151 : vector<128x2048xi1>, vector<128x2048xi32>
      %reduce_min3A_160 = arith.constant dense<2147483647> : vector<128xi32>
      %reduce_min3A_161 = vector.multi_reduction <minsi>, %select_n3A_159, %reduce_min3A_160 [1] : vector<128x2048xi32> to vector<128xi32>
      %broadcast_in_dim3A_162 = vector.shape_cast %reduce_min3A_161 : vector<128xi32> to vector<128x1xi32>
      %eq3A_163 = vector.broadcast %broadcast_in_dim3A_162 : vector<128x1xi32> to vector<128x2048xi32>
      %eq3A_164 = arith.cmpi eq, %select_n3A_159, %eq3A_163 : vector<128x2048xi32>
      %jit3A_165 = arith.constant 2147483647 : i32
      %broadcast_in_dim3A_166 = vector.broadcast %jit3A_165 : i32 to vector<128x2048xi32>
      %select_n3A_167 = arith.select %eq3A_164, %broadcast_in_dim3A_166, %select_n3A_159 : vector<128x2048xi1>, vector<128x2048xi32>
      %reduce_min3A_168 = arith.constant dense<2147483647> : vector<128xi32>
      %reduce_min3A_169 = vector.multi_reduction <minsi>, %select_n3A_167, %reduce_min3A_168 [1] : vector<128x2048xi32> to vector<128xi32>
      %broadcast_in_dim3A_170 = vector.shape_cast %reduce_min3A_169 : vector<128xi32> to vector<128x1xi32>
      %eq3A_171 = vector.broadcast %broadcast_in_dim3A_170 : vector<128x1xi32> to vector<128x2048xi32>
      %eq3A_172 = arith.cmpi eq, %select_n3A_167, %eq3A_171 : vector<128x2048xi32>
      %jit3A_173 = arith.constant 2147483647 : i32
      %broadcast_in_dim3A_174 = vector.broadcast %jit3A_173 : i32 to vector<128x2048xi32>
      %select_n3A_175 = arith.select %eq3A_172, %broadcast_in_dim3A_174, %select_n3A_167 : vector<128x2048xi1>, vector<128x2048xi32>
      %reduce_min3A_176 = arith.constant dense<2147483647> : vector<128xi32>
      %reduce_min3A_177 = vector.multi_reduction <minsi>, %select_n3A_175, %reduce_min3A_176 [1] : vector<128x2048xi32> to vector<128xi32>
      %broadcast_in_dim3A_178 = vector.shape_cast %reduce_min3A_177 : vector<128xi32> to vector<128x1xi32>
      %eq3A_179 = vector.broadcast %broadcast_in_dim3A_178 : vector<128x1xi32> to vector<128x2048xi32>
      %eq3A_180 = arith.cmpi eq, %select_n3A_175, %eq3A_179 : vector<128x2048xi32>
      %jit3A_181 = arith.constant 2147483647 : i32
      %broadcast_in_dim3A_182 = vector.broadcast %jit3A_181 : i32 to vector<128x2048xi32>
      %select_n3A_183 = arith.select %eq3A_180, %broadcast_in_dim3A_182, %select_n3A_175 : vector<128x2048xi1>, vector<128x2048xi32>
      %reduce_min3A_184 = arith.constant dense<2147483647> : vector<128xi32>
      %reduce_min3A_185 = vector.multi_reduction <minsi>, %select_n3A_183, %reduce_min3A_184 [1] : vector<128x2048xi32> to vector<128xi32>
      %broadcast_in_dim3A_186 = vector.shape_cast %reduce_min3A_185 : vector<128xi32> to vector<128x1xi32>
      %eq3A_187 = vector.broadcast %broadcast_in_dim3A_186 : vector<128x1xi32> to vector<128x2048xi32>
      %eq3A_188 = arith.cmpi eq, %select_n3A_183, %eq3A_187 : vector<128x2048xi32>
      %jit3A_189 = arith.constant 2147483647 : i32
      %broadcast_in_dim3A_190 = vector.broadcast %jit3A_189 : i32 to vector<128x2048xi32>
      %select_n3A_191 = arith.select %eq3A_188, %broadcast_in_dim3A_190, %select_n3A_183 : vector<128x2048xi1>, vector<128x2048xi32>
      %concatenate3A = tpu.concatenate %while3A_98, %broadcast_in_dim3A_130, %broadcast_in_dim3A_138, %broadcast_in_dim3A_146, %broadcast_in_dim3A_154, %broadcast_in_dim3A_162, %broadcast_in_dim3A_170, %broadcast_in_dim3A_178, %broadcast_in_dim3A_186 in 1 : vector<128x8xi32>, vector<128x1xi32>, vector<128x1xi32>, vector<128x1xi32>, vector<128x1xi32>, vector<128x1xi32>, vector<128x1xi32>, vector<128x1xi32>, vector<128x1xi32> -> vector<128x16xi32>
      %reduce_min3A_192 = arith.constant dense<2147483647> : vector<128xi32>
      %reduce_min3A_193 = vector.multi_reduction <minsi>, %concatenate3A, %reduce_min3A_192 [1] : vector<128x16xi32> to vector<128xi32>
      %broadcast_in_dim3A_194 = vector.shape_cast %reduce_min3A_193 : vector<128xi32> to vector<128x1xi32>
      %eq3A_195 = vector.broadcast %broadcast_in_dim3A_194 : vector<128x1xi32> to vector<128x16xi32>
      %eq3A_196 = arith.cmpi eq, %concatenate3A, %eq3A_195 : vector<128x16xi32>
      %jit3A_197 = arith.constant 2147483647 : i32
      %broadcast_in_dim3A_198 = vector.broadcast %jit3A_197 : i32 to vector<128x16xi32>
      %select_n3A_199 = arith.select %eq3A_196, %broadcast_in_dim3A_198, %concatenate3A : vector<128x16xi1>, vector<128x16xi32>
      %reduce_min3A_200 = arith.constant dense<2147483647> : vector<128xi32>
      %reduce_min3A_201 = vector.multi_reduction <minsi>, %select_n3A_199, %reduce_min3A_200 [1] : vector<128x16xi32> to vector<128xi32>
      %broadcast_in_dim3A_202 = vector.shape_cast %reduce_min3A_201 : vector<128xi32> to vector<128x1xi32>
      %eq3A_203 = vector.broadcast %broadcast_in_dim3A_202 : vector<128x1xi32> to vector<128x16xi32>
      %eq3A_204 = arith.cmpi eq, %select_n3A_199, %eq3A_203 : vector<128x16xi32>
      %jit3A_205 = arith.constant 2147483647 : i32
      %broadcast_in_dim3A_206 = vector.broadcast %jit3A_205 : i32 to vector<128x16xi32>
      %select_n3A_207 = arith.select %eq3A_204, %broadcast_in_dim3A_206, %select_n3A_199 : vector<128x16xi1>, vector<128x16xi32>
      %reduce_min3A_208 = arith.constant dense<2147483647> : vector<128xi32>
      %reduce_min3A_209 = vector.multi_reduction <minsi>, %select_n3A_207, %reduce_min3A_208 [1] : vector<128x16xi32> to vector<128xi32>
      %broadcast_in_dim3A_210 = vector.shape_cast %reduce_min3A_209 : vector<128xi32> to vector<128x1xi32>
      %eq3A_211 = vector.broadcast %broadcast_in_dim3A_210 : vector<128x1xi32> to vector<128x16xi32>
      %eq3A_212 = arith.cmpi eq, %select_n3A_207, %eq3A_211 : vector<128x16xi32>
      %jit3A_213 = arith.constant 2147483647 : i32
      %broadcast_in_dim3A_214 = vector.broadcast %jit3A_213 : i32 to vector<128x16xi32>
      %select_n3A_215 = arith.select %eq3A_212, %broadcast_in_dim3A_214, %select_n3A_207 : vector<128x16xi1>, vector<128x16xi32>
      %reduce_min3A_216 = arith.constant dense<2147483647> : vector<128xi32>
      %reduce_min3A_217 = vector.multi_reduction <minsi>, %select_n3A_215, %reduce_min3A_216 [1] : vector<128x16xi32> to vector<128xi32>
      %broadcast_in_dim3A_218 = vector.shape_cast %reduce_min3A_217 : vector<128xi32> to vector<128x1xi32>
      %eq3A_219 = vector.broadcast %broadcast_in_dim3A_218 : vector<128x1xi32> to vector<128x16xi32>
      %eq3A_220 = arith.cmpi eq, %select_n3A_215, %eq3A_219 : vector<128x16xi32>
      %jit3A_221 = arith.constant 2147483647 : i32
      %broadcast_in_dim3A_222 = vector.broadcast %jit3A_221 : i32 to vector<128x16xi32>
      %select_n3A_223 = arith.select %eq3A_220, %broadcast_in_dim3A_222, %select_n3A_215 : vector<128x16xi1>, vector<128x16xi32>
      %reduce_min3A_224 = arith.constant dense<2147483647> : vector<128xi32>
      %reduce_min3A_225 = vector.multi_reduction <minsi>, %select_n3A_223, %reduce_min3A_224 [1] : vector<128x16xi32> to vector<128xi32>
      %broadcast_in_dim3A_226 = vector.shape_cast %reduce_min3A_225 : vector<128xi32> to vector<128x1xi32>
      %eq3A_227 = vector.broadcast %broadcast_in_dim3A_226 : vector<128x1xi32> to vector<128x16xi32>
      %eq3A_228 = arith.cmpi eq, %select_n3A_223, %eq3A_227 : vector<128x16xi32>
      %jit3A_229 = arith.constant 2147483647 : i32
      %broadcast_in_dim3A_230 = vector.broadcast %jit3A_229 : i32 to vector<128x16xi32>
      %select_n3A_231 = arith.select %eq3A_228, %broadcast_in_dim3A_230, %select_n3A_223 : vector<128x16xi1>, vector<128x16xi32>
      %reduce_min3A_232 = arith.constant dense<2147483647> : vector<128xi32>
      %reduce_min3A_233 = vector.multi_reduction <minsi>, %select_n3A_231, %reduce_min3A_232 [1] : vector<128x16xi32> to vector<128xi32>
      %broadcast_in_dim3A_234 = vector.shape_cast %reduce_min3A_233 : vector<128xi32> to vector<128x1xi32>
      %eq3A_235 = vector.broadcast %broadcast_in_dim3A_234 : vector<128x1xi32> to vector<128x16xi32>
      %eq3A_236 = arith.cmpi eq, %select_n3A_231, %eq3A_235 : vector<128x16xi32>
      %jit3A_237 = arith.constant 2147483647 : i32
      %broadcast_in_dim3A_238 = vector.broadcast %jit3A_237 : i32 to vector<128x16xi32>
      %select_n3A_239 = arith.select %eq3A_236, %broadcast_in_dim3A_238, %select_n3A_231 : vector<128x16xi1>, vector<128x16xi32>
      %reduce_min3A_240 = arith.constant dense<2147483647> : vector<128xi32>
      %reduce_min3A_241 = vector.multi_reduction <minsi>, %select_n3A_239, %reduce_min3A_240 [1] : vector<128x16xi32> to vector<128xi32>
      %broadcast_in_dim3A_242 = vector.shape_cast %reduce_min3A_241 : vector<128xi32> to vector<128x1xi32>
      %eq3A_243 = vector.broadcast %broadcast_in_dim3A_242 : vector<128x1xi32> to vector<128x16xi32>
      %eq3A_244 = arith.cmpi eq, %select_n3A_239, %eq3A_243 : vector<128x16xi32>
      %jit3A_245 = arith.constant 2147483647 : i32
      %broadcast_in_dim3A_246 = vector.broadcast %jit3A_245 : i32 to vector<128x16xi32>
      %select_n3A_247 = arith.select %eq3A_244, %broadcast_in_dim3A_246, %select_n3A_239 : vector<128x16xi1>, vector<128x16xi32>
      %reduce_min3A_248 = arith.constant dense<2147483647> : vector<128xi32>
      %reduce_min3A_249 = vector.multi_reduction <minsi>, %select_n3A_247, %reduce_min3A_248 [1] : vector<128x16xi32> to vector<128xi32>
      %broadcast_in_dim3A_250 = vector.shape_cast %reduce_min3A_249 : vector<128xi32> to vector<128x1xi32>
      %eq3A_251 = vector.broadcast %broadcast_in_dim3A_250 : vector<128x1xi32> to vector<128x16xi32>
      %eq3A_252 = arith.cmpi eq, %select_n3A_247, %eq3A_251 : vector<128x16xi32>
      %jit3A_253 = arith.constant 2147483647 : i32
      %broadcast_in_dim3A_254 = vector.broadcast %jit3A_253 : i32 to vector<128x16xi32>
      %select_n3A_255 = arith.select %eq3A_252, %broadcast_in_dim3A_254, %select_n3A_247 : vector<128x16xi1>, vector<128x16xi32>
      %concatenate3A_256 = tpu.concatenate %broadcast_in_dim3A_194, %broadcast_in_dim3A_202, %broadcast_in_dim3A_210, %broadcast_in_dim3A_218, %broadcast_in_dim3A_226, %broadcast_in_dim3A_234, %broadcast_in_dim3A_242, %broadcast_in_dim3A_250 in 1 : vector<128x1xi32>, vector<128x1xi32>, vector<128x1xi32>, vector<128x1xi32>, vector<128x1xi32>, vector<128x1xi32>, vector<128x1xi32>, vector<128x1xi32> -> vector<128x8xi32>
      scf.yield %concatenate3A_256 : vector<128x8xi32>
    }
    %while3A_76 = arith.constant 1 : i32
    %while3A_77 = scf.for %while3A_97 = %while3A_73 to %while3A_69 step %while3A_76 iter_args(%while3A_98 = %while3A_75) -> (vector<128x8xi32>)  : i32 {
      %mul3A_99 = arith.constant 2048 : i32
      %mul3A_100 = arith.muli %while3A_97, %mul3A_99 : i32
      %get3A_101 = arith.constant 0 : index
      %get3A_102 = arith.index_cast %mul3A_100 : i32 to index
      %get3A_103 = vector.load %arg3[%get3A_101, %get3A_102] : memref<8x16384xf32, #tpu.memory_space<vmem>>, vector<8x2048xf32>
      %get3A_104 = arith.constant 0 : index
      %get3A_105 = arith.index_cast %mul3A_100 : i32 to index
      %get3A_106 = vector.load %arg4[%get3A_104, %get3A_105] : memref<1x16384xi32, #tpu.memory_space<vmem>>, vector<1x2048xi32>
      %dot_general3A = arith.constant dense<0.000000e+00> : vector<128x2048xf32>
      %dot_general3A_107 = tpu.matmul %get3A_1, %get3A_103, %dot_general3A {dimension_numbers = #tpu.dot_dimension_numbers<[1], [0], [0], [1], [0, 0, 1, 1], [], []>, precision = #tpu.contract_precision<fp32>, transpose_lhs_hint = false} : vector<128x8xf32>, vector<8x2048xf32>, vector<128x2048xf32> -> vector<128x2048xf32>
      %mul3A_108 = arith.mulf %get3A_103, %get3A_103 : vector<8x2048xf32>
      %reduce_sum3A_109 = arith.constant dense<0.000000e+00> : vector<2048xf32>
      %reduce_sum3A_110 = vector.multi_reduction <add>, %mul3A_108, %reduce_sum3A_109 [0] : vector<8x2048xf32> to vector<2048xf32>
      %broadcast_in_dim3A_111 = vector.shape_cast %reduce_sum3A_110 : vector<2048xf32> to vector<1x2048xf32>
      %add3A_112 = vector.broadcast %broadcast_in_dim3A : vector<128x1xf32> to vector<128x2048xf32>
      %add3A_113 = vector.broadcast %broadcast_in_dim3A_111 : vector<1x2048xf32> to vector<128x2048xf32>
      %add3A_114 = arith.addf %add3A_112, %add3A_113 : vector<128x2048xf32>
      %mul3A_115 = arith.constant 2.000000e+00 : f32
      %mul3A_116 = vector.broadcast %mul3A_115 : f32 to vector<128x2048xf32>
      %mul3A_117 = arith.mulf %mul3A_116, %dot_general3A_107 : vector<128x2048xf32>
      %sub3A_118 = arith.subf %add3A_114, %mul3A_117 : vector<128x2048xf32>
      %convert_element_type3A_119 = arith.fptosi %sub3A_118 : vector<128x2048xf32> to vector<128x2048xi32>
      %shift_left3A = arith.constant 14 : i32
      %shift_left3A_120 = vector.broadcast %shift_left3A : i32 to vector<128x2048xi32>
      %shift_left3A_121 = arith.shli %convert_element_type3A_119, %shift_left3A_120 : vector<128x2048xi32>
      %add3A_122 = vector.broadcast %mul3A_100 : i32 to vector<128x2048xi32>
      %add3A_123 = arith.addi %iota3A, %add3A_122 : vector<128x2048xi32>
      %or3A = arith.ori %shift_left3A_121, %add3A_123 : vector<128x2048xi32>
      %eq3A = vector.broadcast %get3A_4 : vector<128x1xi32> to vector<128x2048xi32>
      %eq3A_124 = vector.broadcast %get3A_106 : vector<1x2048xi32> to vector<128x2048xi32>
      %eq3A_125 = arith.cmpi eq, %eq3A, %eq3A_124 : vector<128x2048xi32>
      %jit3A_126 = arith.constant 2147483647 : i32
      %broadcast_in_dim3A_127 = vector.broadcast %jit3A_126 : i32 to vector<128x2048xi32>
      %select_n3A_128 = arith.select %eq3A_125, %or3A, %broadcast_in_dim3A_127 : vector<128x2048xi1>, vector<128x2048xi32>
      %reduce_min3A = arith.constant dense<2147483647> : vector<128xi32>
      %reduce_min3A_129 = vector.multi_reduction <minsi>, %select_n3A_128, %reduce_min3A [1] : vector<128x2048xi32> to vector<128xi32>
      %broadcast_in_dim3A_130 = vector.shape_cast %reduce_min3A_129 : vector<128xi32> to vector<128x1xi32>
      %eq3A_131 = vector.broadcast %broadcast_in_dim3A_130 : vector<128x1xi32> to vector<128x2048xi32>
      %eq3A_132 = arith.cmpi eq, %select_n3A_128, %eq3A_131 : vector<128x2048xi32>
      %jit3A_133 = arith.constant 2147483647 : i32
      %broadcast_in_dim3A_134 = vector.broadcast %jit3A_133 : i32 to vector<128x2048xi32>
      %select_n3A_135 = arith.select %eq3A_132, %broadcast_in_dim3A_134, %select_n3A_128 : vector<128x2048xi1>, vector<128x2048xi32>
      %reduce_min3A_136 = arith.constant dense<2147483647> : vector<128xi32>
      %reduce_min3A_137 = vector.multi_reduction <minsi>, %select_n3A_135, %reduce_min3A_136 [1] : vector<128x2048xi32> to vector<128xi32>
      %broadcast_in_dim3A_138 = vector.shape_cast %reduce_min3A_137 : vector<128xi32> to vector<128x1xi32>
      %eq3A_139 = vector.broadcast %broadcast_in_dim3A_138 : vector<128x1xi32> to vector<128x2048xi32>
      %eq3A_140 = arith.cmpi eq, %select_n3A_135, %eq3A_139 : vector<128x2048xi32>
      %jit3A_141 = arith.constant 2147483647 : i32
      %broadcast_in_dim3A_142 = vector.broadcast %jit3A_141 : i32 to vector<128x2048xi32>
      %select_n3A_143 = arith.select %eq3A_140, %broadcast_in_dim3A_142, %select_n3A_135 : vector<128x2048xi1>, vector<128x2048xi32>
      %reduce_min3A_144 = arith.constant dense<2147483647> : vector<128xi32>
      %reduce_min3A_145 = vector.multi_reduction <minsi>, %select_n3A_143, %reduce_min3A_144 [1] : vector<128x2048xi32> to vector<128xi32>
      %broadcast_in_dim3A_146 = vector.shape_cast %reduce_min3A_145 : vector<128xi32> to vector<128x1xi32>
      %eq3A_147 = vector.broadcast %broadcast_in_dim3A_146 : vector<128x1xi32> to vector<128x2048xi32>
      %eq3A_148 = arith.cmpi eq, %select_n3A_143, %eq3A_147 : vector<128x2048xi32>
      %jit3A_149 = arith.constant 2147483647 : i32
      %broadcast_in_dim3A_150 = vector.broadcast %jit3A_149 : i32 to vector<128x2048xi32>
      %select_n3A_151 = arith.select %eq3A_148, %broadcast_in_dim3A_150, %select_n3A_143 : vector<128x2048xi1>, vector<128x2048xi32>
      %reduce_min3A_152 = arith.constant dense<2147483647> : vector<128xi32>
      %reduce_min3A_153 = vector.multi_reduction <minsi>, %select_n3A_151, %reduce_min3A_152 [1] : vector<128x2048xi32> to vector<128xi32>
      %broadcast_in_dim3A_154 = vector.shape_cast %reduce_min3A_153 : vector<128xi32> to vector<128x1xi32>
      %eq3A_155 = vector.broadcast %broadcast_in_dim3A_154 : vector<128x1xi32> to vector<128x2048xi32>
      %eq3A_156 = arith.cmpi eq, %select_n3A_151, %eq3A_155 : vector<128x2048xi32>
      %jit3A_157 = arith.constant 2147483647 : i32
      %broadcast_in_dim3A_158 = vector.broadcast %jit3A_157 : i32 to vector<128x2048xi32>
      %select_n3A_159 = arith.select %eq3A_156, %broadcast_in_dim3A_158, %select_n3A_151 : vector<128x2048xi1>, vector<128x2048xi32>
      %reduce_min3A_160 = arith.constant dense<2147483647> : vector<128xi32>
      %reduce_min3A_161 = vector.multi_reduction <minsi>, %select_n3A_159, %reduce_min3A_160 [1] : vector<128x2048xi32> to vector<128xi32>
      %broadcast_in_dim3A_162 = vector.shape_cast %reduce_min3A_161 : vector<128xi32> to vector<128x1xi32>
      %eq3A_163 = vector.broadcast %broadcast_in_dim3A_162 : vector<128x1xi32> to vector<128x2048xi32>
      %eq3A_164 = arith.cmpi eq, %select_n3A_159, %eq3A_163 : vector<128x2048xi32>
      %jit3A_165 = arith.constant 2147483647 : i32
      %broadcast_in_dim3A_166 = vector.broadcast %jit3A_165 : i32 to vector<128x2048xi32>
      %select_n3A_167 = arith.select %eq3A_164, %broadcast_in_dim3A_166, %select_n3A_159 : vector<128x2048xi1>, vector<128x2048xi32>
      %reduce_min3A_168 = arith.constant dense<2147483647> : vector<128xi32>
      %reduce_min3A_169 = vector.multi_reduction <minsi>, %select_n3A_167, %reduce_min3A_168 [1] : vector<128x2048xi32> to vector<128xi32>
      %broadcast_in_dim3A_170 = vector.shape_cast %reduce_min3A_169 : vector<128xi32> to vector<128x1xi32>
      %eq3A_171 = vector.broadcast %broadcast_in_dim3A_170 : vector<128x1xi32> to vector<128x2048xi32>
      %eq3A_172 = arith.cmpi eq, %select_n3A_167, %eq3A_171 : vector<128x2048xi32>
      %jit3A_173 = arith.constant 2147483647 : i32
      %broadcast_in_dim3A_174 = vector.broadcast %jit3A_173 : i32 to vector<128x2048xi32>
      %select_n3A_175 = arith.select %eq3A_172, %broadcast_in_dim3A_174, %select_n3A_167 : vector<128x2048xi1>, vector<128x2048xi32>
      %reduce_min3A_176 = arith.constant dense<2147483647> : vector<128xi32>
      %reduce_min3A_177 = vector.multi_reduction <minsi>, %select_n3A_175, %reduce_min3A_176 [1] : vector<128x2048xi32> to vector<128xi32>
      %broadcast_in_dim3A_178 = vector.shape_cast %reduce_min3A_177 : vector<128xi32> to vector<128x1xi32>
      %eq3A_179 = vector.broadcast %broadcast_in_dim3A_178 : vector<128x1xi32> to vector<128x2048xi32>
      %eq3A_180 = arith.cmpi eq, %select_n3A_175, %eq3A_179 : vector<128x2048xi32>
      %jit3A_181 = arith.constant 2147483647 : i32
      %broadcast_in_dim3A_182 = vector.broadcast %jit3A_181 : i32 to vector<128x2048xi32>
      %select_n3A_183 = arith.select %eq3A_180, %broadcast_in_dim3A_182, %select_n3A_175 : vector<128x2048xi1>, vector<128x2048xi32>
      %reduce_min3A_184 = arith.constant dense<2147483647> : vector<128xi32>
      %reduce_min3A_185 = vector.multi_reduction <minsi>, %select_n3A_183, %reduce_min3A_184 [1] : vector<128x2048xi32> to vector<128xi32>
      %broadcast_in_dim3A_186 = vector.shape_cast %reduce_min3A_185 : vector<128xi32> to vector<128x1xi32>
      %eq3A_187 = vector.broadcast %broadcast_in_dim3A_186 : vector<128x1xi32> to vector<128x2048xi32>
      %eq3A_188 = arith.cmpi eq, %select_n3A_183, %eq3A_187 : vector<128x2048xi32>
      %jit3A_189 = arith.constant 2147483647 : i32
      %broadcast_in_dim3A_190 = vector.broadcast %jit3A_189 : i32 to vector<128x2048xi32>
      %select_n3A_191 = arith.select %eq3A_188, %broadcast_in_dim3A_190, %select_n3A_183 : vector<128x2048xi1>, vector<128x2048xi32>
      %concatenate3A = tpu.concatenate %while3A_98, %broadcast_in_dim3A_130, %broadcast_in_dim3A_138, %broadcast_in_dim3A_146, %broadcast_in_dim3A_154, %broadcast_in_dim3A_162, %broadcast_in_dim3A_170, %broadcast_in_dim3A_178, %broadcast_in_dim3A_186 in 1 : vector<128x8xi32>, vector<128x1xi32>, vector<128x1xi32>, vector<128x1xi32>, vector<128x1xi32>, vector<128x1xi32>, vector<128x1xi32>, vector<128x1xi32>, vector<128x1xi32> -> vector<128x16xi32>
      %reduce_min3A_192 = arith.constant dense<2147483647> : vector<128xi32>
      %reduce_min3A_193 = vector.multi_reduction <minsi>, %concatenate3A, %reduce_min3A_192 [1] : vector<128x16xi32> to vector<128xi32>
      %broadcast_in_dim3A_194 = vector.shape_cast %reduce_min3A_193 : vector<128xi32> to vector<128x1xi32>
      %eq3A_195 = vector.broadcast %broadcast_in_dim3A_194 : vector<128x1xi32> to vector<128x16xi32>
      %eq3A_196 = arith.cmpi eq, %concatenate3A, %eq3A_195 : vector<128x16xi32>
      %jit3A_197 = arith.constant 2147483647 : i32
      %broadcast_in_dim3A_198 = vector.broadcast %jit3A_197 : i32 to vector<128x16xi32>
      %select_n3A_199 = arith.select %eq3A_196, %broadcast_in_dim3A_198, %concatenate3A : vector<128x16xi1>, vector<128x16xi32>
      %reduce_min3A_200 = arith.constant dense<2147483647> : vector<128xi32>
      %reduce_min3A_201 = vector.multi_reduction <minsi>, %select_n3A_199, %reduce_min3A_200 [1] : vector<128x16xi32> to vector<128xi32>
      %broadcast_in_dim3A_202 = vector.shape_cast %reduce_min3A_201 : vector<128xi32> to vector<128x1xi32>
      %eq3A_203 = vector.broadcast %broadcast_in_dim3A_202 : vector<128x1xi32> to vector<128x16xi32>
      %eq3A_204 = arith.cmpi eq, %select_n3A_199, %eq3A_203 : vector<128x16xi32>
      %jit3A_205 = arith.constant 2147483647 : i32
      %broadcast_in_dim3A_206 = vector.broadcast %jit3A_205 : i32 to vector<128x16xi32>
      %select_n3A_207 = arith.select %eq3A_204, %broadcast_in_dim3A_206, %select_n3A_199 : vector<128x16xi1>, vector<128x16xi32>
      %reduce_min3A_208 = arith.constant dense<2147483647> : vector<128xi32>
      %reduce_min3A_209 = vector.multi_reduction <minsi>, %select_n3A_207, %reduce_min3A_208 [1] : vector<128x16xi32> to vector<128xi32>
      %broadcast_in_dim3A_210 = vector.shape_cast %reduce_min3A_209 : vector<128xi32> to vector<128x1xi32>
      %eq3A_211 = vector.broadcast %broadcast_in_dim3A_210 : vector<128x1xi32> to vector<128x16xi32>
      %eq3A_212 = arith.cmpi eq, %select_n3A_207, %eq3A_211 : vector<128x16xi32>
      %jit3A_213 = arith.constant 2147483647 : i32
      %broadcast_in_dim3A_214 = vector.broadcast %jit3A_213 : i32 to vector<128x16xi32>
      %select_n3A_215 = arith.select %eq3A_212, %broadcast_in_dim3A_214, %select_n3A_207 : vector<128x16xi1>, vector<128x16xi32>
      %reduce_min3A_216 = arith.constant dense<2147483647> : vector<128xi32>
      %reduce_min3A_217 = vector.multi_reduction <minsi>, %select_n3A_215, %reduce_min3A_216 [1] : vector<128x16xi32> to vector<128xi32>
      %broadcast_in_dim3A_218 = vector.shape_cast %reduce_min3A_217 : vector<128xi32> to vector<128x1xi32>
      %eq3A_219 = vector.broadcast %broadcast_in_dim3A_218 : vector<128x1xi32> to vector<128x16xi32>
      %eq3A_220 = arith.cmpi eq, %select_n3A_215, %eq3A_219 : vector<128x16xi32>
      %jit3A_221 = arith.constant 2147483647 : i32
      %broadcast_in_dim3A_222 = vector.broadcast %jit3A_221 : i32 to vector<128x16xi32>
      %select_n3A_223 = arith.select %eq3A_220, %broadcast_in_dim3A_222, %select_n3A_215 : vector<128x16xi1>, vector<128x16xi32>
      %reduce_min3A_224 = arith.constant dense<2147483647> : vector<128xi32>
      %reduce_min3A_225 = vector.multi_reduction <minsi>, %select_n3A_223, %reduce_min3A_224 [1] : vector<128x16xi32> to vector<128xi32>
      %broadcast_in_dim3A_226 = vector.shape_cast %reduce_min3A_225 : vector<128xi32> to vector<128x1xi32>
      %eq3A_227 = vector.broadcast %broadcast_in_dim3A_226 : vector<128x1xi32> to vector<128x16xi32>
      %eq3A_228 = arith.cmpi eq, %select_n3A_223, %eq3A_227 : vector<128x16xi32>
      %jit3A_229 = arith.constant 2147483647 : i32
      %broadcast_in_dim3A_230 = vector.broadcast %jit3A_229 : i32 to vector<128x16xi32>
      %select_n3A_231 = arith.select %eq3A_228, %broadcast_in_dim3A_230, %select_n3A_223 : vector<128x16xi1>, vector<128x16xi32>
      %reduce_min3A_232 = arith.constant dense<2147483647> : vector<128xi32>
      %reduce_min3A_233 = vector.multi_reduction <minsi>, %select_n3A_231, %reduce_min3A_232 [1] : vector<128x16xi32> to vector<128xi32>
      %broadcast_in_dim3A_234 = vector.shape_cast %reduce_min3A_233 : vector<128xi32> to vector<128x1xi32>
      %eq3A_235 = vector.broadcast %broadcast_in_dim3A_234 : vector<128x1xi32> to vector<128x16xi32>
      %eq3A_236 = arith.cmpi eq, %select_n3A_231, %eq3A_235 : vector<128x16xi32>
      %jit3A_237 = arith.constant 2147483647 : i32
      %broadcast_in_dim3A_238 = vector.broadcast %jit3A_237 : i32 to vector<128x16xi32>
      %select_n3A_239 = arith.select %eq3A_236, %broadcast_in_dim3A_238, %select_n3A_231 : vector<128x16xi1>, vector<128x16xi32>
      %reduce_min3A_240 = arith.constant dense<2147483647> : vector<128xi32>
      %reduce_min3A_241 = vector.multi_reduction <minsi>, %select_n3A_239, %reduce_min3A_240 [1] : vector<128x16xi32> to vector<128xi32>
      %broadcast_in_dim3A_242 = vector.shape_cast %reduce_min3A_241 : vector<128xi32> to vector<128x1xi32>
      %eq3A_243 = vector.broadcast %broadcast_in_dim3A_242 : vector<128x1xi32> to vector<128x16xi32>
      %eq3A_244 = arith.cmpi eq, %select_n3A_239, %eq3A_243 : vector<128x16xi32>
      %jit3A_245 = arith.constant 2147483647 : i32
      %broadcast_in_dim3A_246 = vector.broadcast %jit3A_245 : i32 to vector<128x16xi32>
      %select_n3A_247 = arith.select %eq3A_244, %broadcast_in_dim3A_246, %select_n3A_239 : vector<128x16xi1>, vector<128x16xi32>
      %reduce_min3A_248 = arith.constant dense<2147483647> : vector<128xi32>
      %reduce_min3A_249 = vector.multi_reduction <minsi>, %select_n3A_247, %reduce_min3A_248 [1] : vector<128x16xi32> to vector<128xi32>
      %broadcast_in_dim3A_250 = vector.shape_cast %reduce_min3A_249 : vector<128xi32> to vector<128x1xi32>
      %eq3A_251 = vector.broadcast %broadcast_in_dim3A_250 : vector<128x1xi32> to vector<128x16xi32>
      %eq3A_252 = arith.cmpi eq, %select_n3A_247, %eq3A_251 : vector<128x16xi32>
      %jit3A_253 = arith.constant 2147483647 : i32
      %broadcast_in_dim3A_254 = vector.broadcast %jit3A_253 : i32 to vector<128x16xi32>
      %select_n3A_255 = arith.select %eq3A_252, %broadcast_in_dim3A_254, %select_n3A_247 : vector<128x16xi1>, vector<128x16xi32>
      %concatenate3A_256 = tpu.concatenate %broadcast_in_dim3A_194, %broadcast_in_dim3A_202, %broadcast_in_dim3A_210, %broadcast_in_dim3A_218, %broadcast_in_dim3A_226, %broadcast_in_dim3A_234, %broadcast_in_dim3A_242, %broadcast_in_dim3A_250 in 1 : vector<128x1xi32>, vector<128x1xi32>, vector<128x1xi32>, vector<128x1xi32>, vector<128x1xi32>, vector<128x1xi32>, vector<128x1xi32>, vector<128x1xi32> -> vector<128x8xi32>
      scf.yield %concatenate3A_256 : vector<128x8xi32>
    }
    %and3A_78 = arith.constant 16383 : i32
    %and3A_79 = vector.broadcast %and3A_78 : i32 to vector<128x8xi32>
    %and3A_80 = arith.andi %while3A_77, %and3A_79 : vector<128x8xi32>
    %swap3A = arith.constant 0 : index
    %swap3A_81 = arith.constant 0 : index
    %swap3A_82 = vector.load %arg5[%swap3A, %swap3A_81] : memref<128x8xi32, #tpu.memory_space<vmem>>, vector<128x8xi32>
    tpu.vector_store %arg5[%swap3A, %swap3A_81], %and3A_80 {strides = array<i32>} : memref<128x8xi32, #tpu.memory_space<vmem>>, vector<128x8xi32>,
    %shift_right_arithmetic3A = arith.constant 14 : i32
    %shift_right_arithmetic3A_83 = vector.broadcast %shift_right_arithmetic3A : i32 to vector<128x8xi32>
    %shift_right_arithmetic3A_84 = arith.shrsi %while3A_77, %shift_right_arithmetic3A_83 : vector<128x8xi32>
    %convert_element_type3A_85 = arith.sitofp %shift_right_arithmetic3A_84 : vector<128x8xi32> to vector<128x8xf32>
    %sqrt3A = math.sqrt %convert_element_type3A_85 : vector<128x8xf32>
    %div3A_86 = arith.constant 3.200000e+01 : f32
    %div3A_87 = vector.broadcast %div3A_86 : f32 to vector<128x8xf32>
    %div3A_88 = arith.divf %sqrt3A, %div3A_87 : vector<128x8xf32>
    %sub3A_89 = arith.constant 5.000000e-01 : f32
    %sub3A_90 = vector.broadcast %sub3A_89 : f32 to vector<128x8xf32>
    %sub3A_91 = arith.subf %sub3A_90, %div3A_88 : vector<128x8xf32>
    %max3A = arith.constant 0.000000e+00 : f32
    %max3A_92 = vector.broadcast %max3A : f32 to vector<128x8xf32>
    %max3A_93 = arith.maximumf %sub3A_91, %max3A_92 : vector<128x8xf32>
    %swap3A_94 = arith.constant 0 : index
    %swap3A_95 = arith.constant 0 : index
    %swap3A_96 = vector.load %arg6[%swap3A_94, %swap3A_95] : memref<128x8xf32, #tpu.memory_space<vmem>>, vector<128x8xf32>
    tpu.vector_store %arg6[%swap3A_94, %swap3A_95], %max3A_93 {strides = array<i32>} : memref<128x8xf32, #tpu.memory_space<vmem>>, vector<128x8xf32>,
    return
  }
  func.func @transform_0(%arg0: i32) -> (i32, i32) {
    %c0_i32 = arith.constant 0 : i32
    %c0_i32_0 = arith.constant 0 : i32
    return %arg0, %c0_i32 : i32, i32
  }
  func.func @transform_1(%arg0: i32) -> (i32, i32) {
    %c0_i32 = arith.constant 0 : i32
    %c0_i32_0 = arith.constant 0 : i32
    return %arg0, %c0_i32 : i32, i32
  }
  func.func @transform_2(%arg0: i32) -> (i32, i32) {
    %c0_i32 = arith.constant 0 : i32
    %c0_i32_0 = arith.constant 0 : i32
    %c0_i32_1 = arith.constant 0 : i32
    return %c0_i32, %c0_i32_0 : i32, i32
  }
  func.func @transform_3(%arg0: i32) -> (i32, i32) {
    %c0_i32 = arith.constant 0 : i32
    %c0_i32_0 = arith.constant 0 : i32
    %c0_i32_1 = arith.constant 0 : i32
    return %c0_i32, %c0_i32_0 : i32, i32
  }
  func.func @transform_4(%arg0: i32) -> (i32, i32) {
    %c0_i32 = arith.constant 0 : i32
    %c0_i32_0 = arith.constant 0 : i32
    return %arg0, %c0_i32 : i32, i32
  }
  func.func @transform_5(%arg0: i32) -> (i32, i32) {
    %c0_i32 = arith.constant 0 : i32
    %c0_i32_0 = arith.constant 0 : i32
    return %arg0, %c0_i32 : i32, i32
  }
}

</mosaic_0001>

<sc_bundles>
// kernel: kernel.4.cloned.1.call-start
scs
__scs_entry_jumppad:
0x0: {  	(pc) =	sbr.rel $0x88, $3  }
0x1: {  	(tag) =	ssettag $0x0;
	lr =	simm.s32 $0x1  }
0x2: {  	[smem:$0x3F9B] =	sst lr;
	_ =	strace $0xD0000000  }
0x3: {  	_ = 	snop  }
0x4: {  	_ = 	snop  }
0x5: {  	_ = 	snop  }
0x6: {  	_ = 	snop  }
0x7: {  	_ = 	snop  }
__scs_overlays_trampoline_lowered:
0x8: {  	[smem:$0x3FAA] =	sst s0  }
0x9: {  	[smem:$0x3FAB] =	sst s1  }
0xa: {  	[smem:$0x3FAC] =	sst s2  }
0xb: {  	[smem:$0x3FAD] =	sst s3  }
0xc: {  	[smem:$0x3FAE] =	sst s4  }
0xd: {  	[smem:$0x3FAF] =	sst s5  }
0xe: {  	[smem:$0x3FB0] =	sst s6  }
0xf: {  	[smem:$0x3FB1] =	sst s7  }
0x10: {  	[smem:$0x3FB2] =	sst s8  }
0x11: {  	[smem:$0x3FB3] =	sst s9;
	s0 =	simm.s32 @!p0 $0x0  }
0x12: {  	s1 =	sld [smem:$0x3F99];
	s0 =	simm.s32 @p0 $0x1  }
0x13: {  	[smem:$0x3FB4] =	sst s0;
	s0 =	simm.s32 @!p1 $0x0  }
0x14: {  	s2 =	sld [smem:$0x3F98];
	s0 =	simm.s32 @p1 $0x1  }
0x15: {  	[smem:$0x3FB5] =	sst s0;
	s0 =	simm.s32 @!p2 $0x0  }
0x16: {  	s3 =	sld [smem:$0x3FDB];
	s0 =	simm.s32 @p2 $0x1  }
0x17: {  	s4 =	simm.s32 $0x1BF5;
	[smem:$0x3FB7] =	sst s0  }
0x18: {  	s0 =	sld [smem:$0x3F9A];
	_ =	swait.ge [sflag:s4], $0x0  }
0x19: {  	s7 =	sld [smem:$0x3F9B]  }
0x1a: {  	s8 =	sadd.s32 $0xFFFFE003, lr  }
0x1b: {  	s9 =	sadd.s32 $0xFFFFFEF7, lr;
	s5 =	simm.s32 $0xFFFFFFFF;
	p2 =	slt.u32 s8, $0xFFFFF086  }
0x1c: {  	p1 =	slt.u32 s9, $0xF7A;
	s5 =	simm.s32 @!p2 $0x0  }
0x1d: {  	s5 =	simm.s32 @p1 $0x1;
	p0 =	seq.s32 s7, s2  }
0x1e: {  	s7 =	smul.u32 @!p0 $0xF7A, s2;
	p2 =	seq.s32 @!p0 s5, $0x0  }
0x1f: {  	s9 =	smul.u32 $0xF7A, s1;
	s8 =	simm.s32 @!p0 $0x1BF5;
	p2 =	por !p2, p0  }
0x20: {  	[sflag:s8] =	ssyncset.s32 @!p0 $0xFFFFF086;
	s6 =	sadd.s32 @!p0 s3, s7;
	s7 =	simm.s32 @!p0 $0x108  }
0x21: {  	s3 =	sadd.s32 s3, s9;
	s6 =	sadd.s32 @!p0 $0x88, s6;
	s7 =	simm.s32 @p2 $0x1082  }
0x22: {  	[simem:s7], [sflag:s8] =	dma.local @!p0 [hbm:s6], $0xF7A  }
0x23: {  	s9 =	sor.u32 $0xD0000000, s2;
	s6 =	simm.s32 $0x108;
	_ =	swait.ge @!p0 [sflag:s8], $0x0  }
0x24: {  	s3 =	sadd.s32 $0x88, s3;
	s6 =	simm.s32 @!p1 $0x1082;
	[sflag:s4] =	ssyncset.s32 $0xFFFFF086  }
0x25: {  	[simem:s6], [sflag:s4] =	dma.local [hbm:s3], $0xF7A  }
0x26: {  	[smem:$0x3F9B] =	sst s1;
	(tag) =	ssettag s2;
	_ =	strace s9  }
0x27: {  	s1 =	sld [smem:$0x3FAB]  }
0x28: {  	s2 =	sld [smem:$0x3FAC]  }
0x29: {  	s4 =	sld [smem:$0x3FAE]  }
0x2a: {  	p0 =	seq.s32 s5, $0x0;
	s5 =	sld [smem:$0x3FAF]  }
0x2b: {  	s6 =	sld [smem:$0x3FB0]  }
0x2c: {  	s7 =	sld [smem:$0x3FB1]  }
0x2d: {  	s3 =	simm.s32 $0x108;
	s8 =	sld [smem:$0x3FB2]  }
0x2e: {  	s3 =	simm.s32 @!p0 $0x1082;
	s9 =	sld [smem:$0x3FB3]  }
0x2f: {  	lr =	sadd.s32 s0, s3;
	s0 =	sld [smem:$0x3FAA]  }
0x30: {  	s3 =	sld [smem:$0x3FAD]  }
0x31: {  	[smem:$0x3FB6] =	sst s10  }
0x32: {  	s10 =	sld [smem:$0x3FB4];
	_ =	sdelay $0x3  }
0x33: {  	p0 =	seq.s32 s10, $0x1;
	s10 =	sld [smem:$0x3FB6];
	_ =	sdelay $0x3  }
0x34: {  	[smem:$0x3FB6] =	sst s10  }
0x35: {  	s10 =	sld [smem:$0x3FB5];
	_ =	sdelay $0x3  }
0x36: {  	p1 =	seq.s32 s10, $0x1;
	s10 =	sld [smem:$0x3FB6];
	_ =	sdelay $0x3  }
0x37: {  	[smem:$0x3FB6] =	sst s10  }
0x38: {  	s10 =	sld [smem:$0x3FB7]  }
0x39: {  	_ = 	snop;
	(pc) =	sbr.ind lr, $3  }
0x3a: {  	_ = 	snop  }
0x3b: {  	_ = 	snop  }
0x3c: {  	p2 =	seq.s32 s10, $0x1;
	s10 =	sld [smem:$0x3FB6]  }
0x3d: {  	_ =	shalt  }
0x3e: {  	_ =	shalt  }
0x3f: {  	_ =	shalt  }
0x40: {  	_ =	shalt  }
0x41: {  	_ =	shalt  }
0x42: {  	_ =	shalt  }
0x43: {  	_ =	shalt  }
0x44: {  	_ =	shalt  }
0x45: {  	_ =	shalt  }
0x46: {  	_ =	shalt  }
0x47: {  	_ =	shalt  }
0x48: {  	_ =	shalt  }
0x49: {  	_ =	shalt  }
0x4a: {  	_ =	shalt  }
0x4b: {  	_ =	shalt  }
0x4c: {  	_ =	shalt  }
0x4d: {  	_ =	shalt  }
0x4e: {  	_ =	shalt  }
0x4f: {  	_ =	shalt  }
0x50: {  	_ =	shalt  }
0x51: {  	_ =	shalt  }
0x52: {  	_ =	shalt  }
0x53: {  	_ =	shalt  }
0x54: {  	_ =	shalt  }
0x55: {  	_ =	shalt  }
0x56: {  	_ =	shalt  }
0x57: {  	_ =	shalt  }
0x58: {  	_ =	shalt  }
0x59: {  	_ =	shalt  }
0x5a: {  	_ =	shalt  }
0x5b: {  	_ =	shalt  }
0x5c: {  	_ =	shalt  }
0x5d: {  	_ =	shalt  }
0x5e: {  	_ =	shalt  }
0x5f: {  	_ =	shalt  }
0x60: {  	_ =	shalt  }
0x61: {  	_ =	shalt  }
0x62: {  	_ =	shalt  }
0x63: {  	_ =	shalt  }
0x64: {  	_ =	shalt  }
0x65: {  	_ =	shalt  }
0x66: {  	_ =	shalt  }
0x67: {  	_ =	shalt  }
0x68: {  	_ =	shalt  }
0x69: {  	_ =	shalt  }
0x6a: {  	_ =	shalt  }
0x6b: {  	_ =	shalt  }
0x6c: {  	_ =	shalt  }
0x6d: {  	_ =	shalt  }
0x6e: {  	_ =	shalt  }
0x6f: {  	_ =	shalt  }
0x70: {  	_ =	shalt  }
0x71: {  	_ =	shalt  }
0x72: {  	_ =	shalt  }
0x73: {  	_ =	shalt  }
0x74: {  	_ =	shalt  }
0x75: {  	_ =	shalt  }
0x76: {  	_ =	shalt  }
0x77: {  	_ =	shalt  }
0x78: {  	_ =	shalt  }
0x79: {  	_ =	shalt  }
0x7a: {  	_ =	shalt  }
0x7b: {  	_ =	shalt  }
0x7c: {  	_ =	shalt  }
0x7d: {  	_ =	shalt  }
0x7e: {  	_ =	shalt  }
0x7f: {  	_ =	shalt  }
0x80: {  	_ =	shalt  }
0x81: {  	_ =	shalt  }
0x82: {  	_ =	shalt  }
0x83: {  	_ =	shalt  }
0x84: {  	_ =	shalt  }
0x85: {  	_ =	shalt  }
0x86: {  	_ =	shalt  }
0x87: {  	_ =	shalt  }
.Lfunc_end0:
.L_simem_size_0:
called_computation_lowered:
.L_overlay_start_0:
0x88: {  	s2 =	sld [smem:$0x3FD9]  }
0x89: {  	s3 =	sld [smem:$0x3FFE];
	_ =	sdelay $0x1  }
0x8a: {  	s1 =	srdreg.scid  }
0x8b: {  	s0 =	sand.u32 $0x1, s1  }
0x8c: {  	s17 =	sshll.u32 s0, $0xA;
	s2 =	sadd.s32 s3, s2  }
0x8d: {  	s2 =	sadd.s32 s2, s17  }
0x8e: {  	[smem:$0x3FC2] =	sst s2  }
0x8f: {  	_ = 	snop  }
0x90: {  	s2 =	sld [smem:$0x3FD0];
	(tm) =	ssettm $0x1  }
0x91: {  	s18 =	sld [smem:$0x3FFB];
	_ =	sdelay $0x3  }
0x92: {  	_ =	strace s18  }
0x93: {  	s3 =	sld [smem:$0x3FFC];
	_ =	sdelay $0x3  }
0x94: {  	_ =	strace s3  }
0x95: {  	s3 =	sld [smem:$0x3FFD];
	_ =	sdelay $0x3  }
0x96: {  	_ =	strace s3  }
0x97: {  	_ =	strace $0x8FFFFFFF  }
0x98: {  	s19 =	sld [smem:$0x3FDB];
	_ =	sdelay $0x1  }
0x99: {  	s4 =	simm.s32 $_scs_section_size  }
0x9a: {  	s5 =	simm.s32 $_size__tile_overlayer_lowered;
	s6 =	simm.s32 $_tile_overlayer_lowered  }
0x9b: {  	s22 =	simm.s32 $0x1BFF;
	s21 =	sshll.u32 s6, $0x1;
	s3 =	sadd.s32 s4, s19  }
0x9c: {  	s7 =	simm.s32 $0x0;
	s20 =	sshll.u32 s5, $0x1;
	s5 =	sadd.s32 s21, s3  }
0x9d: {  	[timem:s7], [sflag:s22] =	dma.local [hbm:s5], s20  }
0x9e: {  	_ =	swait.ge [sflag:s22], s20  }
0x9f: {  	s4 =	ssub.s32 $0x0, s20;
	[sflag:s22] =	ssyncset.done $0x0  }
0xa0: {  	[sflag:s22] =	ssyncadd.s32 s4;
	_ =	sdelay $0x1  }
0xa1: {  	s23 =	simm.s32 $0x1B8B  }
0xa2: {  	_ =	swait.ge [sflag:s23], $0x1  }
0xa3: {  	[sflag:s23] =	ssyncset.done $0x0  }
0xa4: {  	s25 =	simm.s32 $0x1B8E;
	s24 =	sld [smem:$0x3FFE];
	[sflag:s23] =	ssyncadd.s32 $0xFFFFFFFF  }
0xa5: {  	s26 =	simm.s32 $execute0_lowered;
	[smem:$0x3FD2] =	sst s25  }
0xa6: {  	s5 =	sshll.u32 s26, $0x1;
	_ =	strace $0x80000046;
	[dreg:$0x1] =	wrdreg $0xFFFFFFFF  }
0xa7: {  	s28 =	simm.s32 $_size_execute0_lowered;
	s3 =	sadd.s32 s3, s5;
	[dreg:$0x0] =	wrdreg $0x0  }
0xa8: {  	s5 =	sshll.u32 s28, $0x1;
	[dreg:$0x2] =	wrdreg s3  }
0xa9: {  	[dreg:$0x3] =	wrdreg s5  }
0xaa: {  	[dreg:$0x4] =	wrdreg $0xC0  }
0xab: {  	_ =	task [dreg:s7], $0x5FFFF  }
0xac: {  	[dreg:$0x1] =	wrdreg $0xFFFFFFFF  }
0xad: {  	[dreg:$0x0] =	wrdreg $0x60  }
0xae: {  	[dreg:$0x2] =	wrdreg s24  }
0xaf: {  	[dreg:$0x3] =	wrdreg s2  }
0xb0: {  	[dreg:$0x4] =	wrdreg $0x9  }
0xb1: {  	_ =	task.clear_ibuf [dreg:s7], $0x5FFFF;
	_ =	strace $0x90000046  }
0xb2: {  	s29 =	simm.s32 $0x9;
	_ =	strace $0x80000048  }
0xb3: {  	_ =	swait.ge [sflag:s29], $0x1  }
0xb4: {  	[sflag:s29] =	ssyncadd.s32 $0xFFFFFFFF  }
0xb5: {  	_ =	strace $0x90000048  }
0xb6: {  	_ =	sfence  }
0xb7: {  	s30 =	sld [smem:$0x0];
	_ =	sdelay $0x2  }
0xb8: {  	s31 =	sshll.u32 s1, $0xD;
	s1 =	sshrl.u32 s1, $0x2  }
0xb9: {  	s3 =	sand.u32 $0x4000, s31;
	s1 =	sadd.s32 s1, s30  }
0xba: {  	s0 =	sor.u32 s3, s0;
	s1 =	sshll.u32 s1, $0x11  }
0xbb: {  	s0 =	sor.u32 s1, s0  }
0xbc: {  	s0 =	sadd.s32 $0x8F2B, s0  }
0xbd: {  	[sflag:s0] =	ssyncadd.remote.s32 $0x1  }
0xbe: {  	_ =	sfence.sel $0xFFFF  }
0xbf: {  	[dreg:$0x0] =	wrdreg $0xFFFFFFFF;
	(pc) =	sbr.abs _section_cstart, $3  }
0xc0: {  	[dreg:$0x1] =	wrdreg $0xFFFFFFFF  }
0xc1: {  	_ =	task.clear_ibuf [dreg:s7], $0x2FFFF;
	_ =	strace $0x9FFFFFFF  }
0xc2: {  	(tm) =	ssettm $0x7FFFFFFF  }
0xc3: {  	_ =	shalt  }
tec
execute0_lowered:
.L_overlay_start_1:
0x0: {  	(tag) =	ssettag $0x1  }
0x1: {  	s0 =	rddreg [dreg:$0x0]  }
0x2: {  	s2 =	rddreg [dreg:$0x1]  }
0x3: {  	s3 =	simm.s32 $0x0;
	s1 =	srdreg.scid;
	s4 =	stileid.u32  }
0x4: {  	s11 =	simm.s32 $0x2;
	s13 =	simm.s32 $0x80;
	s14 =	simm.s32 $0x2000  }
0x5: {  	s15 =	simm.s32 $0x3000;
	s17 =	simm.s32 $0x4000;
	s19 =	simm.s32 $0x5000  }
0x6: {  	s21 =	simm.s32 $0x6000;
	s23 =	simm.s32 $0x7000;
	s25 =	simm.s32 $0x8000  }
0x7: {  	s28 =	simm.s32 $0x9000;
	s29 =	simm.s32 $0x1;
	s30 =	simm.s32 $0xA000  }
0x8: {  	s31 =	simm.s32 $0xE00;
	s12 =	simm.s32 $0xF80;
	s16 =	simm.s32 $0x0  }
0x9: {  	[smem:$0x7FF] =	sst s3;
	s1 =	sand.u32 $0x1, s1;
	s4 =	sshll.u32 s4, $0x1  }
0xa: {  	_ =	strace $0x80000047;
	s4 =	sor.u32 s1, s4;
	s1 =	ssub.s32 $0x2, s1  }
0xb: {  	s5 =	sshll.u32 s4, $0x9;
	s4 =	sshll.u32 s4, $0xB;
	s6 =	sshrl.u32 s1, $0x1  }
0xc: {  	s5 =	sadd.s32 s5, s0;
	s0 =	sadd.s32 s4, s0;
	s1 =	ssub.s32 s1, s6  }
0xd: {  	s4 =	sadd.s32 $0xE00, s5;
	s5 =	sadd.s32 $0x4E00, s5;
	s6 =	sadd.s32 $0x8E00, s0  }
0xe: {  	s7 =	sadd.s32 $0x9000, s0;
	s8 =	sadd.s32 $0x9200, s0;
	s9 =	sadd.s32 $0x9400, s0  }
0xf: {  	s10 =	smax.u32 s1, $0x1;
	s0 =	simm.s32 $0xE80;
	s1 =	simm.s32 $0xF00  }
.LBB2_1:
0x10: {  	[tilespmem:s3], [sflag:$0x2] =	stream.linear.gather [hbm4b:s4+s3], $0x1000, $0x38;
	[tilespmem:$0xB000] =	vst v63  }
0x11: {  	_ =	swait.ge [sflag:s11], $0x1000  }
0x12: {  	[sflag:s11] =	ssyncset.done $0x0  }
0x13: {  	s18 =	simm.s32 $0x1000;
	[sflag:s11] =	ssyncadd.s32 $0xFFFFF000  }
0x14: {  	[tilespmem:s18], [sflag:$0x2] =	stream.linear.gather [hbm4b:s5+s3], $0x1000, $0x38;
	[tilespmem:$0xB000] =	vst v63  }
0x15: {  	_ =	swait.ge [sflag:s11], $0x1000  }
0x16: {  	[sflag:s11] =	ssyncset.done $0x0  }
0x17: {  	[sflag:s11] =	ssyncadd.s32 $0xFFFFF000  }
0x18: {  	[tilespmem:s14], [sflag:$0x1] =	stream.indirect.gather [hbm4b:s2+s13], $0x20, s3, s13, $0xb8;
	[tilespmem:$0xB000] =	vst v63  }
0x19: {  	_ = 	snop  }
0x1a: {  	[tilespmem:s15], [sflag:$0x1] =	stream.indirect.gather [hbm4b:s2+s13], $0x20, s13, s13, $0xb8;
	[tilespmem:$0xB000] =	vst v63  }
0x1b: {  	s22 =	simm.s32 $0x100  }
0x1c: {  	[tilespmem:s17], [sflag:$0x1] =	stream.indirect.gather [hbm4b:s2+s13], $0x20, s22, s13, $0xb8;
	[tilespmem:$0xB000] =	vst v63  }
0x1d: {  	s24 =	simm.s32 $0x180  }
0x1e: {  	[tilespmem:s19], [sflag:$0x1] =	stream.indirect.gather [hbm4b:s2+s13], $0x20, s24, s13, $0xb8;
	[tilespmem:$0xB000] =	vst v63  }
0x1f: {  	s26 =	simm.s32 $0x200  }
0x20: {  	[tilespmem:s21], [sflag:$0x1] =	stream.indirect.gather [hbm4b:s2+s13], $0x20, s26, s13, $0xb8;
	[tilespmem:$0xB000] =	vst v63  }
0x21: {  	s20 =	simm.s32 $0x280  }
0x22: {  	[tilespmem:s23], [sflag:$0x1] =	stream.indirect.gather [hbm4b:s2+s13], $0x20, s20, s13, $0xb8;
	[tilespmem:$0xB000] =	vst v63  }
0x23: {  	s22 =	simm.s32 $0x300  }
0x24: {  	[tilespmem:s25], [sflag:$0x1] =	stream.indirect.gather [hbm4b:s2+s13], $0x20, s22, s13, $0xb8;
	[tilespmem:$0xB000] =	vst v63  }
0x25: {  	s24 =	simm.s32 $0x380  }
0x26: {  	[tilespmem:s28], [sflag:$0x1] =	stream.indirect.gather [hbm4b:s2+s13], $0x20, s24, s13, $0xb8;
	[tilespmem:$0xB000] =	vst v63  }
0x27: {  	_ =	swait.ge [sflag:s29], $0x1000  }
0x28: {  	[sflag:s29] =	ssyncset.done $0x0  }
0x29: {  	[sflag:s29] =	ssyncadd.s32 $0xFFFFF000  }
0x2a: {  	_ =	swait.ge [sflag:s29], $0x1000  }
0x2b: {  	[sflag:s29] =	ssyncset.done $0x0  }
0x2c: {  	[sflag:s29] =	ssyncadd.s32 $0xFFFFF000  }
0x2d: {  	_ =	swait.ge [sflag:s29], $0x1000  }
0x2e: {  	[sflag:s29] =	ssyncset.done $0x0  }
0x2f: {  	[sflag:s29] =	ssyncadd.s32 $0xFFFFF000  }
0x30: {  	_ =	swait.ge [sflag:s29], $0x1000  }
0x31: {  	[sflag:s29] =	ssyncset.done $0x0  }
0x32: {  	[sflag:s29] =	ssyncadd.s32 $0xFFFFF000  }
0x33: {  	_ =	swait.ge [sflag:s29], $0x1000  }
0x34: {  	[sflag:s29] =	ssyncset.done $0x0  }
0x35: {  	[sflag:s29] =	ssyncadd.s32 $0xFFFFF000  }
0x36: {  	_ =	swait.ge [sflag:s29], $0x1000  }
0x37: {  	[sflag:s29] =	ssyncset.done $0x0  }
0x38: {  	[sflag:s29] =	ssyncadd.s32 $0xFFFFF000  }
0x39: {  	_ =	swait.ge [sflag:s29], $0x1000  }
0x3a: {  	[sflag:s29] =	ssyncset.done $0x0  }
0x3b: {  	[sflag:s29] =	ssyncadd.s32 $0xFFFFF000  }
0x3c: {  	_ =	swait.ge [sflag:s29], $0x1000  }
0x3d: {  	[sflag:s29] =	ssyncset.done $0x0  }
0x3e: {  	s26 =	simm.s32 $0x0;
	[sflag:s29] =	ssyncadd.s32 $0xFFFFF000  }
0x3f: {  	v0 =	vld [tilespmem:s26+$0x1000]  }
0x40: {  	s18 =	simm.s32 $0x2100  }
0x41: {  	v1 =	vld [tilespmem:s18+$0xFFFFFF00]  }
0x42: {  	v2 =	vld [tilespmem:s18+$0xFFFFFF10]  }
0x43: {  	v3 =	vld [tilespmem:s18+$0xFFFFFF20]  }
0x44: {  	v4 =	vld [tilespmem:s18+$0xFFFFFF30];
	v5 =	vbroadcast v0, $0x0  }
0x45: {  	v6 =	vld [tilespmem:s18+$0xFFFFFF40]  }
0x46: {  	v8 =	vld [tilespmem:s18+$0xFFFFFF50];
	v7 =	vbroadcast v0, $0x1;
	v1 =	vmul.f32 v5, v1  }
0x47: {  	v2 =	vmul.f32 v2, v5;
	v5 =	vld [tilespmem:s18+$0xFFFFFF60]  }
0x48: {  	v10 =	vld [tilespmem:s18+$0xFFFFFF70];
	v9 =	vbroadcast v0, $0x2;
	v3 =	vmul.f32 v3, v7;
	v1 =	vadd.f32 $0.0e+00, v1  }
0x49: {  	v34 =	vld [tilespmem:s18+$0xFFFFFF80];
	v4 =	vmul.f32 v4, v7;
	v2 =	vadd.f32 $0.0e+00, v2  }
0x4a: {  	v12 =	vld [tilespmem:s18+$0xFFFFFF90];
	v11 =	vbroadcast v0, $0x3;
	v1 =	vadd.f32 v3, v1;
	v3 =	vmul.f32 v6, v9  }
0x4b: {  	v35 =	vmul.f32 v8, v9;
	v2 =	vadd.f32 v4, v2;
	v4 =	vld [tilespmem:s18+$0xFFFFFFA0]  }
0x4c: {  	v37 =	vld [tilespmem:s18+$0xFFFFFFB0];
	v36 =	vbroadcast v0, $0x4;
	v1 =	vadd.f32 v3, v1;
	v3 =	vmul.f32 v5, v11  }
0x4d: {  	v38 =	vld [tilespmem:s18+$0xFFFFFFC0];
	v5 =	vmul.f32 v10, v11;
	v2 =	vadd.f32 v35, v2  }
0x4e: {  	v40 =	vld [tilespmem:s18+$0xFFFFFFD0];
	v39 =	vbroadcast v0, $0x5;
	v1 =	vadd.f32 v3, v1;
	v3 =	vmul.f32 v34, v36  }
0x4f: {  	v41 =	vmul.f32 v12, v36;
	v2 =	vadd.f32 v5, v2;
	v5 =	vld [tilespmem:s18+$0xFFFFFFE0]  }
0x50: {  	v43 =	vld [tilespmem:s18+$0xFFFFFFF0];
	v42 =	vbroadcast v0, $0x6;
	v1 =	vadd.f32 v3, v1;
	v3 =	vmul.f32 v4, v39  }
0x51: {  	v4 =	vmul.f32 v37, v39;
	v2 =	vadd.f32 v41, v2  }
0x52: {  	v44 =	vbroadcast v0, $0x7;
	v1 =	vadd.f32 v3, v1;
	v3 =	vmul.f32 v38, v42  }
0x53: {  	v45 =	vmul.f32 v40, v42;
	v2 =	vadd.f32 v4, v2  }
0x54: {  	v1 =	vadd.f32 v3, v1;
	v3 =	vmul.f32 v5, v44  }
0x55: {  	v4 =	vmul.f32 v43, v44;
	v2 =	vadd.f32 v45, v2  }
0x56: {  	v1 =	vadd.f32 v3, v1  }
0x57: {  	s20 =	simm.s32 $0xA020;
	v2 =	vadd.f32 v4, v2  }
0x58: {  	[tilespmem:s20+$0xFFFFFFE0] =	vst v1  }
0x59: {  	[tilespmem:s20+$0xFFFFFFF0] =	vst v2  }
0x5a: {  	v1 =	vld [tilespmem:s18+$0x0]  }
0x5b: {  	v2 =	vld [tilespmem:s18+$0x10]  }
0x5c: {  	v3 =	vld [tilespmem:s18+$0x20]  }
0x5d: {  	v5 =	vbroadcast v0, $0x8;
	v4 =	vld [tilespmem:s18+$0x30]  }
0x5e: {  	v46 =	vld [tilespmem:s18+$0x40]  }
0x5f: {  	v48 =	vbroadcast v0, $0x9;
	v47 =	vld [tilespmem:s18+$0x50];
	v1 =	vmul.f32 v1, v5  }
0x60: {  	v2 =	vmul.f32 v2, v5;
	v5 =	vld [tilespmem:s18+$0x60]  }
0x61: {  	v50 =	vbroadcast v0, $0xA;
	v49 =	vld [tilespmem:s18+$0x70];
	v3 =	vmul.f32 v3, v48;
	v1 =	vadd.f32 $0.0e+00, v1  }
0x62: {  	v51 =	vld [tilespmem:s18+$0x80];
	v4 =	vmul.f32 v4, v48;
	v2 =	vadd.f32 $0.0e+00, v2  }
0x63: {  	v53 =	vbroadcast v0, $0xB;
	v52 =	vld [tilespmem:s18+$0x90];
	v1 =	vadd.f32 v3, v1;
	v3 =	vmul.f32 v46, v50  }
0x64: {  	v54 =	vmul.f32 v47, v50;
	v2 =	vadd.f32 v4, v2;
	v4 =	vld [tilespmem:s18+$0xA0]  }
0x65: {  	v56 =	vbroadcast v0, $0xC;
	v55 =	vld [tilespmem:s18+$0xB0];
	v1 =	vadd.f32 v3, v1;
	v3 =	vmul.f32 v5, v53  }
0x66: {  	v57 =	vld [tilespmem:s18+$0xC0];
	v5 =	vmul.f32 v49, v53;
	v2 =	vadd.f32 v54, v2  }
0x67: {  	v59 =	vbroadcast v0, $0xD;
	v58 =	vld [tilespmem:s18+$0xD0];
	v1 =	vadd.f32 v3, v1;
	v3 =	vmul.f32 v51, v56  }
0x68: {  	v62 =	vld [tilespmem:s18+$0xE0];
	v60 =	vmul.f32 v52, v56;
	v2 =	vadd.f32 v5, v2  }
0x69: {  	v61 =	vld [tilespmem:s18+$0xF0];
	v5 =	vbroadcast v0, $0xE;
	v1 =	vadd.f32 v3, v1;
	v3 =	vmul.f32 v4, v59  }
0x6a: {  	v4 =	vmul.f32 v55, v59;
	v2 =	vadd.f32 v60, v2  }
0x6b: {  	v63 =	vbroadcast v0, $0xF;
	v1 =	vadd.f32 v3, v1;
	v3 =	vmul.f32 v57, v5  }
0x6c: {  	v5 =	vmul.f32 v58, v5;
	v4 =	vadd.f32 v4, v2  }
0x6d: {  	v2 =	vmul.f32 v62, v63;
	v0 =	vadd.f32 v3, v1  }
0x6e: {  	s22 =	simm.s32 $0x40;
	s24 =	simm.s32 $0xA020;
	v1 =	vmul.f32 v61, v63;
	v3 =	vadd.f32 v5, v4  }
.LBB2_2:
0x6f: {  	p0 =	sne.s32 s22, $0xFC0;
	v0 =	vadd.f32 v2, v0;
	s20 =	sadd.s32 $0x40, s20;
	s18 =	sadd.s32 $0x200, s18  }
0x70: {  	s26 =	smov.u32 s22;
	s22 =	sadd.s32 $0x40, s22;
	v1 =	vadd.f32 v1, v3  }
0x71: {  	[tilespmem:s24+$0x0] =	vst v0  }
0x72: {  	s26 =	sshra.s32 s26, $0x2;
	[tilespmem:s24+$0x10] =	vst v1;
	s24 =	smov.u32 s20  }
0x73: {  	v0 =	vld [tilespmem:s26+$0x1000]  }
0x74: {  	v1 =	vld [tilespmem:s18+$0xFFFFFF10]  }
0x75: {  	v2 =	vld [tilespmem:s18+$0xFFFFFF00]  }
0x76: {  	v3 =	vld [tilespmem:s18+$0xFFFFFF30]  }
0x77: {  	v4 =	vld [tilespmem:s18+$0xFFFFFF20]  }
0x78: {  	v5 =	vbroadcast v0, $0x0;
	v6 =	vbroadcast v0, $0x1;
	v7 =	vld [tilespmem:s18+$0xFFFFFF50]  }
0x79: {  	v9 =	vbroadcast v0, $0x2;
	v10 =	vbroadcast v0, $0x3;
	v8 =	vld [tilespmem:s18+$0xFFFFFF40]  }
0x7a: {  	v2 =	vmul.f32 v5, v2;
	v1 =	vmul.f32 v1, v5;
	v5 =	vld [tilespmem:s18+$0xFFFFFF70]  }
0x7b: {  	v12 =	vbroadcast v0, $0x4;
	v3 =	vmul.f32 v3, v6;
	v11 =	vld [tilespmem:s18+$0xFFFFFF60]  }
0x7c: {  	v2 =	vadd.f32 $0.0e+00, v2;
	v1 =	vadd.f32 $0.0e+00, v1;
	v4 =	vmul.f32 v4, v6;
	v6 =	vld [tilespmem:s18+$0xFFFFFF90]  }
0x7d: {  	v14 =	vbroadcast v0, $0x5;
	v7 =	vmul.f32 v7, v9;
	v13 =	vld [tilespmem:s18+$0xFFFFFF80]  }
0x7e: {  	v2 =	vadd.f32 v4, v2;
	v1 =	vadd.f32 v3, v1;
	v3 =	vmul.f32 v8, v9;
	v4 =	vld [tilespmem:s18+$0xFFFFFFB0]  }
0x7f: {  	v9 =	vbroadcast v0, $0x6;
	v5 =	vmul.f32 v5, v10;
	v8 =	vld [tilespmem:s18+$0xFFFFFFA0]  }
0x80: {  	v2 =	vadd.f32 v3, v2;
	v1 =	vadd.f32 v7, v1;
	v3 =	vmul.f32 v11, v10;
	v7 =	vld [tilespmem:s18+$0xFFFFFFD0]  }
0x81: {  	v11 =	vbroadcast v0, $0x7;
	v6 =	vmul.f32 v6, v12;
	v10 =	vld [tilespmem:s18+$0xFFFFFFC0]  }
0x82: {  	v2 =	vadd.f32 v3, v2;
	v1 =	vadd.f32 v5, v1;
	v3 =	vmul.f32 v13, v12;
	v5 =	vld [tilespmem:s18+$0xFFFFFFF0]  }
0x83: {  	v4 =	vmul.f32 v4, v14;
	v12 =	vld [tilespmem:s18+$0xFFFFFFE0]  }
0x84: {  	v2 =	vadd.f32 v3, v2;
	v1 =	vadd.f32 v6, v1;
	v3 =	vmul.f32 v8, v14  }
0x85: {  	v6 =	vmul.f32 v7, v9  }
0x86: {  	v2 =	vadd.f32 v3, v2;
	v1 =	vadd.f32 v4, v1;
	v3 =	vmul.f32 v10, v9  }
0x87: {  	v4 =	vmul.f32 v5, v11  }
0x88: {  	v2 =	vadd.f32 v3, v2;
	v1 =	vadd.f32 v6, v1;
	v3 =	vmul.f32 v12, v11;
	_ =	sdelay $0x1  }
0x89: {  	v2 =	vadd.f32 v3, v2;
	v1 =	vadd.f32 v4, v1;
	_ =	sdelay $0x1  }
0x8a: {  	[tilespmem:s20+$0xFFFFFFE0] =	vst v2  }
0x8b: {  	[tilespmem:s20+$0xFFFFFFF0] =	vst v1  }
0x8c: {  	v1 =	vld [tilespmem:s18+$0x20]  }
0x8d: {  	v2 =	vld [tilespmem:s18+$0x0]  }
0x8e: {  	v3 =	vld [tilespmem:s18+$0x10]  }
0x8f: {  	v4 =	vld [tilespmem:s18+$0x30]  }
0x90: {  	v5 =	vbroadcast v0, $0x8;
	v6 =	vld [tilespmem:s18+$0x50]  }
0x91: {  	v7 =	vld [tilespmem:s18+$0x40]  }
0x92: {  	v8 =	vbroadcast v0, $0x9;
	v2 =	vmul.f32 v2, v5;
	v9 =	vld [tilespmem:s18+$0x70]  }
0x93: {  	v3 =	vmul.f32 v3, v5;
	v5 =	vbroadcast v0, $0xA;
	v10 =	vld [tilespmem:s18+$0x60]  }
0x94: {  	v1 =	vmul.f32 v1, v8;
	v2 =	vadd.f32 $0.0e+00, v2;
	v4 =	vmul.f32 v4, v8;
	v8 =	vld [tilespmem:s18+$0x90]  }
0x95: {  	v11 =	vbroadcast v0, $0xB;
	v3 =	vadd.f32 $0.0e+00, v3;
	v12 =	vld [tilespmem:s18+$0x80]  }
0x96: {  	v1 =	vadd.f32 v1, v2;
	v2 =	vmul.f32 v7, v5;
	v5 =	vmul.f32 v6, v5;
	v6 =	vld [tilespmem:s18+$0xB0]  }
0x97: {  	v3 =	vadd.f32 v4, v3;
	v4 =	vbroadcast v0, $0xC;
	v7 =	vld [tilespmem:s18+$0xA0]  }
0x98: {  	v9 =	vmul.f32 v9, v11;
	v1 =	vadd.f32 v2, v1;
	v2 =	vmul.f32 v10, v11;
	v10 =	vld [tilespmem:s18+$0xD0]  }
0x99: {  	v3 =	vadd.f32 v5, v3;
	v5 =	vbroadcast v0, $0xD;
	v11 =	vld [tilespmem:s18+$0xC0]  }
0x9a: {  	v1 =	vadd.f32 v2, v1;
	v2 =	vmul.f32 v12, v4;
	v4 =	vmul.f32 v8, v4;
	v8 =	vld [tilespmem:s18+$0xF0]  }
0x9b: {  	v3 =	vadd.f32 v9, v3;
	v9 =	vbroadcast v0, $0xE;
	v12 =	vld [tilespmem:s18+$0xE0]  }
0x9c: {  	v1 =	vadd.f32 v2, v1;
	v2 =	vmul.f32 v7, v5;
	v5 =	vmul.f32 v6, v5  }
.Ltmp0:
0x9d: {  	v3 =	vadd.f32 v4, v3;
	v4 =	vbroadcast v0, $0xF;
	(pc) =	sbr.rel @p0 .LBB2_2-.Ltmp0, $4  }
0x9e: {  	v6 =	vmul.f32 v10, v9;
	v0 =	vadd.f32 v2, v1;
	v1 =	vmul.f32 v11, v9  }
0x9f: {  	v3 =	vadd.f32 v5, v3  }
0xa0: {  	v0 =	vadd.f32 v1, v0;
	v2 =	vmul.f32 v12, v4;
	v1 =	vmul.f32 v8, v4  }
0xa1: {  	v3 =	vadd.f32 v6, v3  }
0xa2: {  	v0 =	vadd.f32 v2, v0  }
0xa3: {  	v1 =	vadd.f32 v1, v3  }
0xa4: {  	[tilespmem:s24+$0x0] =	vst v0  }
0xa5: {  	s18 =	simm.s32 $0x0;
	[tilespmem:s24+$0x10] =	vst v1  }
0xa6: {  	[hbm4b:s6+s18] =	stream.linear.scatter [tilespmem:s30], [sflag:$0x2], $0x1000, $0x38;
	[tilespmem:$0xB000] =	vst v63  }
0xa7: {  	_ =	swait.ge [sflag:s11], $0x1000  }
0xa8: {  	[sflag:s11] =	ssyncset.done $0x0  }
0xa9: {  	s26 =	simm.s32 $0x400;
	[sflag:s11] =	ssyncadd.s32 $0xFFFFF000  }
0xaa: {  	[tilespmem:s14], [sflag:$0x1] =	stream.indirect.gather [hbm4b:s2+s13], $0x20, s26, s13, $0xb8;
	[tilespmem:$0xB000] =	vst v63  }
0xab: {  	s20 =	simm.s32 $0x480  }
0xac: {  	[tilespmem:s15], [sflag:$0x1] =	stream.indirect.gather [hbm4b:s2+s13], $0x20, s20, s13, $0xb8;
	[tilespmem:$0xB000] =	vst v63  }
0xad: {  	s22 =	simm.s32 $0x500  }
0xae: {  	[tilespmem:s17], [sflag:$0x1] =	stream.indirect.gather [hbm4b:s2+s13], $0x20, s22, s13, $0xb8;
	[tilespmem:$0xB000] =	vst v63  }
0xaf: {  	s24 =	simm.s32 $0x580  }
0xb0: {  	[tilespmem:s19], [sflag:$0x1] =	stream.indirect.gather [hbm4b:s2+s13], $0x20, s24, s13, $0xb8;
	[tilespmem:$0xB000] =	vst v63  }
0xb1: {  	s26 =	simm.s32 $0x600  }
0xb2: {  	[tilespmem:s21], [sflag:$0x1] =	stream.indirect.gather [hbm4b:s2+s13], $0x20, s26, s13, $0xb8;
	[tilespmem:$0xB000] =	vst v63  }
0xb3: {  	s20 =	simm.s32 $0x680  }
0xb4: {  	[tilespmem:s23], [sflag:$0x1] =	stream.indirect.gather [hbm4b:s2+s13], $0x20, s20, s13, $0xb8;
	[tilespmem:$0xB000] =	vst v63  }
0xb5: {  	s22 =	simm.s32 $0x700  }
0xb6: {  	[tilespmem:s25], [sflag:$0x1] =	stream.indirect.gather [hbm4b:s2+s13], $0x20, s22, s13, $0xb8;
	[tilespmem:$0xB000] =	vst v63  }
0xb7: {  	s24 =	simm.s32 $0x780  }
0xb8: {  	[tilespmem:s28], [sflag:$0x1] =	stream.indirect.gather [hbm4b:s2+s13], $0x20, s24, s13, $0xb8;
	[tilespmem:$0xB000] =	vst v63  }
0xb9: {  	_ =	swait.ge [sflag:s29], $0x1000  }
0xba: {  	[sflag:s29] =	ssyncset.done $0x0  }
0xbb: {  	[sflag:s29] =	ssyncadd.s32 $0xFFFFF000  }
0xbc: {  	_ =	swait.ge [sflag:s29], $0x1000  }
0xbd: {  	[sflag:s29] =	ssyncset.done $0x0  }
0xbe: {  	[sflag:s29] =	ssyncadd.s32 $0xFFFFF000  }
0xbf: {  	_ =	swait.ge [sflag:s29], $0x1000  }
0xc0: {  	[sflag:s29] =	ssyncset.done $0x0  }
0xc1: {  	[sflag:s29] =	ssyncadd.s32 $0xFFFFF000  }
0xc2: {  	_ =	swait.ge [sflag:s29], $0x1000  }
0xc3: {  	[sflag:s29] =	ssyncset.done $0x0  }
0xc4: {  	[sflag:s29] =	ssyncadd.s32 $0xFFFFF000  }
0xc5: {  	_ =	swait.ge [sflag:s29], $0x1000  }
0xc6: {  	[sflag:s29] =	ssyncset.done $0x0  }
0xc7: {  	[sflag:s29] =	ssyncadd.s32 $0xFFFFF000  }
0xc8: {  	_ =	swait.ge [sflag:s29], $0x1000  }
0xc9: {  	[sflag:s29] =	ssyncset.done $0x0  }
0xca: {  	[sflag:s29] =	ssyncadd.s32 $0xFFFFF000  }
0xcb: {  	_ =	swait.ge [sflag:s29], $0x1000  }
0xcc: {  	[sflag:s29] =	ssyncset.done $0x0  }
0xcd: {  	[sflag:s29] =	ssyncadd.s32 $0xFFFFF000  }
0xce: {  	_ =	swait.ge [sflag:s29], $0x1000  }
0xcf: {  	[sflag:s29] =	ssyncset.done $0x0  }
0xd0: {  	s26 =	simm.s32 $0x0;
	[sflag:s29] =	ssyncadd.s32 $0xFFFFF000  }
0xd1: {  	v0 =	vld [tilespmem:s26+$0x1400]  }
0xd2: {  	s18 =	simm.s32 $0x2100  }
0xd3: {  	v1 =	vld [tilespmem:s18+$0xFFFFFF00]  }
0xd4: {  	v2 =	vld [tilespmem:s18+$0xFFFFFF10]  }
0xd5: {  	v3 =	vld [tilespmem:s18+$0xFFFFFF20]  }
0xd6: {  	v4 =	vld [tilespmem:s18+$0xFFFFFF30];
	v5 =	vbroadcast v0, $0x0  }
0xd7: {  	v6 =	vld [tilespmem:s18+$0xFFFFFF40]  }
0xd8: {  	v8 =	vld [tilespmem:s18+$0xFFFFFF50];
	v7 =	vbroadcast v0, $0x1;
	v1 =	vmul.f32 v5, v1  }
0xd9: {  	v2 =	vmul.f32 v2, v5;
	v5 =	vld [tilespmem:s18+$0xFFFFFF60]  }
0xda: {  	v10 =	vld [tilespmem:s18+$0xFFFFFF70];
	v9 =	vbroadcast v0, $0x2;
	v3 =	vmul.f32 v3, v7;
	v1 =	vadd.f32 $0.0e+00, v1  }
0xdb: {  	v34 =	vld [tilespmem:s18+$0xFFFFFF80];
	v4 =	vmul.f32 v4, v7;
	v2 =	vadd.f32 $0.0e+00, v2  }
0xdc: {  	v12 =	vld [tilespmem:s18+$0xFFFFFF90];
	v11 =	vbroadcast v0, $0x3;
	v1 =	vadd.f32 v3, v1;
	v3 =	vmul.f32 v6, v9  }
0xdd: {  	v35 =	vmul.f32 v8, v9;
	v2 =	vadd.f32 v4, v2;
	v4 =	vld [tilespmem:s18+$0xFFFFFFA0]  }
0xde: {  	v37 =	vld [tilespmem:s18+$0xFFFFFFB0];
	v36 =	vbroadcast v0, $0x4;
	v1 =	vadd.f32 v3, v1;
	v3 =	vmul.f32 v5, v11  }
0xdf: {  	v38 =	vld [tilespmem:s18+$0xFFFFFFC0];
	v5 =	vmul.f32 v10, v11;
	v2 =	vadd.f32 v35, v2  }
0xe0: {  	v40 =	vld [tilespmem:s18+$0xFFFFFFD0];
	v39 =	vbroadcast v0, $0x5;
	v1 =	vadd.f32 v3, v1;
	v3 =	vmul.f32 v34, v36  }
0xe1: {  	v41 =	vmul.f32 v12, v36;
	v2 =	vadd.f32 v5, v2;
	v5 =	vld [tilespmem:s18+$0xFFFFFFE0]  }
0xe2: {  	v43 =	vld [tilespmem:s18+$0xFFFFFFF0];
	v42 =	vbroadcast v0, $0x6;
	v1 =	vadd.f32 v3, v1;
	v3 =	vmul.f32 v4, v39  }
0xe3: {  	v4 =	vmul.f32 v37, v39;
	v2 =	vadd.f32 v41, v2  }
0xe4: {  	v44 =	vbroadcast v0, $0x7;
	v1 =	vadd.f32 v3, v1;
	v3 =	vmul.f32 v38, v42  }
0xe5: {  	v45 =	vmul.f32 v40, v42;
	v2 =	vadd.f32 v4, v2  }
0xe6: {  	v1 =	vadd.f32 v3, v1;
	v3 =	vmul.f32 v5, v44  }
0xe7: {  	v4 =	vmul.f32 v43, v44;
	v2 =	vadd.f32 v45, v2  }
0xe8: {  	v1 =	vadd.f32 v3, v1  }
0xe9: {  	s20 =	simm.s32 $0xA020;
	v2 =	vadd.f32 v4, v2  }
0xea: {  	[tilespmem:s20+$0xFFFFFFE0] =	vst v1  }
0xeb: {  	[tilespmem:s20+$0xFFFFFFF0] =	vst v2  }
0xec: {  	v1 =	vld [tilespmem:s18+$0x0]  }
0xed: {  	v2 =	vld [tilespmem:s18+$0x10]  }
0xee: {  	v3 =	vld [tilespmem:s18+$0x20]  }
0xef: {  	v5 =	vbroadcast v0, $0x8;
	v4 =	vld [tilespmem:s18+$0x30]  }
0xf0: {  	v46 =	vld [tilespmem:s18+$0x40]  }
0xf1: {  	v48 =	vbroadcast v0, $0x9;
	v47 =	vld [tilespmem:s18+$0x50];
	v1 =	vmul.f32 v1, v5  }
0xf2: {  	v2 =	vmul.f32 v2, v5;
	v5 =	vld [tilespmem:s18+$0x60]  }
0xf3: {  	v50 =	vbroadcast v0, $0xA;
	v49 =	vld [tilespmem:s18+$0x70];
	v3 =	vmul.f32 v3, v48;
	v1 =	vadd.f32 $0.0e+00, v1  }
0xf4: {  	v51 =	vld [tilespmem:s18+$0x80];
	v4 =	vmul.f32 v4, v48;
	v2 =	vadd.f32 $0.0e+00, v2  }
0xf5: {  	v53 =	vbroadcast v0, $0xB;
	v52 =	vld [tilespmem:s18+$0x90];
	v1 =	vadd.f32 v3, v1;
	v3 =	vmul.f32 v46, v50  }
0xf6: {  	v54 =	vmul.f32 v47, v50;
	v2 =	vadd.f32 v4, v2;
	v4 =	vld [tilespmem:s18+$0xA0]  }
0xf7: {  	v56 =	vbroadcast v0, $0xC;
	v55 =	vld [tilespmem:s18+$0xB0];
	v1 =	vadd.f32 v3, v1;
	v3 =	vmul.f32 v5, v53  }
0xf8: {  	v57 =	vld [tilespmem:s18+$0xC0];
	v5 =	vmul.f32 v49, v53;
	v2 =	vadd.f32 v54, v2  }
0xf9: {  	v59 =	vbroadcast v0, $0xD;
	v58 =	vld [tilespmem:s18+$0xD0];
	v1 =	vadd.f32 v3, v1;
	v3 =	vmul.f32 v51, v56  }
0xfa: {  	v62 =	vld [tilespmem:s18+$0xE0];
	v60 =	vmul.f32 v52, v56;
	v2 =	vadd.f32 v5, v2  }
0xfb: {  	v61 =	vld [tilespmem:s18+$0xF0];
	v5 =	vbroadcast v0, $0xE;
	v1 =	vadd.f32 v3, v1;
	v3 =	vmul.f32 v4, v59  }
0xfc: {  	v4 =	vmul.f32 v55, v59;
	v2 =	vadd.f32 v60, v2  }
0xfd: {  	v63 =	vbroadcast v0, $0xF;
	v1 =	vadd.f32 v3, v1;
	v3 =	vmul.f32 v57, v5  }
0xfe: {  	v5 =	vmul.f32 v58, v5;
	v4 =	vadd.f32 v4, v2  }
0xff: {  	v2 =	vmul.f32 v62, v63;
	v0 =	vadd.f32 v3, v1  }
0x100: {  	s22 =	simm.s32 $0x40;
	s24 =	simm.s32 $0xA020;
	v1 =	vmul.f32 v61, v63;
	v3 =	vadd.f32 v5, v4  }
.LBB2_4:
0x101: {  	p0 =	sne.s32 s22, $0xFC0;
	v0 =	vadd.f32 v2, v0;
	s18 =	sadd.s32 $0x200, s18;
	s20 =	sadd.s32 $0x40, s20  }
0x102: {  	s26 =	smov.u32 s22;
	s22 =	sadd.s32 $0x40, s22;
	v1 =	vadd.f32 v1, v3  }
0x103: {  	[tilespmem:s24+$0x0] =	vst v0  }
0x104: {  	s26 =	sshra.s32 s26, $0x2;
	[tilespmem:s24+$0x10] =	vst v1;
	s24 =	smov.u32 s20  }
0x105: {  	v0 =	vld [tilespmem:s26+$0x1400]  }
0x106: {  	v1 =	vld [tilespmem:s18+$0xFFFFFF10]  }
0x107: {  	v2 =	vld [tilespmem:s18+$0xFFFFFF00]  }
0x108: {  	v3 =	vld [tilespmem:s18+$0xFFFFFF30]  }
0x109: {  	v4 =	vld [tilespmem:s18+$0xFFFFFF20]  }
0x10a: {  	v5 =	vbroadcast v0, $0x0;
	v6 =	vbroadcast v0, $0x1;
	v7 =	vld [tilespmem:s18+$0xFFFFFF50]  }
0x10b: {  	v9 =	vbroadcast v0, $0x2;
	v10 =	vbroadcast v0, $0x3;
	v8 =	vld [tilespmem:s18+$0xFFFFFF40]  }
0x10c: {  	v2 =	vmul.f32 v5, v2;
	v1 =	vmul.f32 v1, v5;
	v5 =	vld [tilespmem:s18+$0xFFFFFF70]  }
0x10d: {  	v12 =	vbroadcast v0, $0x4;
	v3 =	vmul.f32 v3, v6;
	v11 =	vld [tilespmem:s18+$0xFFFFFF60]  }
0x10e: {  	v2 =	vadd.f32 $0.0e+00, v2;
	v1 =	vadd.f32 $0.0e+00, v1;
	v4 =	vmul.f32 v4, v6;
	v6 =	vld [tilespmem:s18+$0xFFFFFF90]  }
0x10f: {  	v14 =	vbroadcast v0, $0x5;
	v7 =	vmul.f32 v7, v9;
	v13 =	vld [tilespmem:s18+$0xFFFFFF80]  }
0x110: {  	v2 =	vadd.f32 v4, v2;
	v1 =	vadd.f32 v3, v1;
	v3 =	vmul.f32 v8, v9;
	v4 =	vld [tilespmem:s18+$0xFFFFFFB0]  }
0x111: {  	v9 =	vbroadcast v0, $0x6;
	v5 =	vmul.f32 v5, v10;
	v8 =	vld [tilespmem:s18+$0xFFFFFFA0]  }
0x112: {  	v2 =	vadd.f32 v3, v2;
	v1 =	vadd.f32 v7, v1;
	v3 =	vmul.f32 v11, v10;
	v7 =	vld [tilespmem:s18+$0xFFFFFFD0]  }
0x113: {  	v11 =	vbroadcast v0, $0x7;
	v6 =	vmul.f32 v6, v12;
	v10 =	vld [tilespmem:s18+$0xFFFFFFC0]  }
0x114: {  	v2 =	vadd.f32 v3, v2;
	v1 =	vadd.f32 v5, v1;
	v3 =	vmul.f32 v13, v12;
	v5 =	vld [tilespmem:s18+$0xFFFFFFF0]  }
0x115: {  	v4 =	vmul.f32 v4, v14;
	v12 =	vld [tilespmem:s18+$0xFFFFFFE0]  }
0x116: {  	v2 =	vadd.f32 v3, v2;
	v1 =	vadd.f32 v6, v1;
	v3 =	vmul.f32 v8, v14  }
0x117: {  	v6 =	vmul.f32 v7, v9  }
0x118: {  	v2 =	vadd.f32 v3, v2;
	v1 =	vadd.f32 v4, v1;
	v3 =	vmul.f32 v10, v9  }
0x119: {  	v4 =	vmul.f32 v5, v11  }
0x11a: {  	v2 =	vadd.f32 v3, v2;
	v1 =	vadd.f32 v6, v1;
	v3 =	vmul.f32 v12, v11;
	_ =	sdelay $0x1  }
0x11b: {  	v2 =	vadd.f32 v3, v2;
	v1 =	vadd.f32 v4, v1;
	_ =	sdelay $0x1  }
0x11c: {  	[tilespmem:s20+$0xFFFFFFE0] =	vst v2  }
0x11d: {  	[tilespmem:s20+$0xFFFFFFF0] =	vst v1  }
0x11e: {  	v1 =	vld [tilespmem:s18+$0x20]  }
0x11f: {  	v2 =	vld [tilespmem:s18+$0x0]  }
0x120: {  	v3 =	vld [tilespmem:s18+$0x10]  }
0x121: {  	v4 =	vld [tilespmem:s18+$0x30]  }
0x122: {  	v5 =	vbroadcast v0, $0x8;
	v6 =	vld [tilespmem:s18+$0x50]  }
0x123: {  	v7 =	vld [tilespmem:s18+$0x40]  }
0x124: {  	v8 =	vbroadcast v0, $0x9;
	v2 =	vmul.f32 v2, v5;
	v9 =	vld [tilespmem:s18+$0x70]  }
0x125: {  	v3 =	vmul.f32 v3, v5;
	v5 =	vbroadcast v0, $0xA;
	v10 =	vld [tilespmem:s18+$0x60]  }
0x126: {  	v1 =	vmul.f32 v1, v8;
	v2 =	vadd.f32 $0.0e+00, v2;
	v4 =	vmul.f32 v4, v8;
	v8 =	vld [tilespmem:s18+$0x90]  }
0x127: {  	v11 =	vbroadcast v0, $0xB;
	v3 =	vadd.f32 $0.0e+00, v3;
	v12 =	vld [tilespmem:s18+$0x80]  }
0x128: {  	v1 =	vadd.f32 v1, v2;
	v2 =	vmul.f32 v7, v5;
	v5 =	vmul.f32 v6, v5;
	v6 =	vld [tilespmem:s18+$0xB0]  }
0x129: {  	v3 =	vadd.f32 v4, v3;
	v4 =	vbroadcast v0, $0xC;
	v7 =	vld [tilespmem:s18+$0xA0]  }
0x12a: {  	v9 =	vmul.f32 v9, v11;
	v1 =	vadd.f32 v2, v1;
	v2 =	vmul.f32 v10, v11;
	v10 =	vld [tilespmem:s18+$0xD0]  }
0x12b: {  	v3 =	vadd.f32 v5, v3;
	v5 =	vbroadcast v0, $0xD;
	v11 =	vld [tilespmem:s18+$0xC0]  }
0x12c: {  	v1 =	vadd.f32 v2, v1;
	v2 =	vmul.f32 v12, v4;
	v4 =	vmul.f32 v8, v4;
	v8 =	vld [tilespmem:s18+$0xF0]  }
0x12d: {  	v3 =	vadd.f32 v9, v3;
	v9 =	vbroadcast v0, $0xE;
	v12 =	vld [tilespmem:s18+$0xE0]  }
0x12e: {  	v1 =	vadd.f32 v2, v1;
	v2 =	vmul.f32 v7, v5;
	v5 =	vmul.f32 v6, v5  }
.Ltmp1:
0x12f: {  	v3 =	vadd.f32 v4, v3;
	v4 =	vbroadcast v0, $0xF;
	(pc) =	sbr.rel @p0 .LBB2_4-.Ltmp1, $4  }
0x130: {  	v6 =	vmul.f32 v10, v9;
	v0 =	vadd.f32 v2, v1;
	v1 =	vmul.f32 v11, v9  }
0x131: {  	v3 =	vadd.f32 v5, v3  }
0x132: {  	v0 =	vadd.f32 v1, v0;
	v2 =	vmul.f32 v12, v4;
	v1 =	vmul.f32 v8, v4  }
0x133: {  	v3 =	vadd.f32 v6, v3  }
0x134: {  	v0 =	vadd.f32 v2, v0  }
0x135: {  	v1 =	vadd.f32 v1, v3  }
0x136: {  	[tilespmem:s24+$0x0] =	vst v0  }
0x137: {  	s18 =	simm.s32 $0x0;
	[tilespmem:s24+$0x10] =	vst v1  }
0x138: {  	[hbm4b:s7+s18] =	stream.linear.scatter [tilespmem:s30], [sflag:$0x2], $0x1000, $0x38;
	[tilespmem:$0xB000] =	vst v63  }
0x139: {  	_ =	swait.ge [sflag:s11], $0x1000  }
0x13a: {  	[sflag:s11] =	ssyncset.done $0x0  }
0x13b: {  	s26 =	simm.s32 $0x800;
	[sflag:s11] =	ssyncadd.s32 $0xFFFFF000  }
0x13c: {  	[tilespmem:s14], [sflag:$0x1] =	stream.indirect.gather [hbm4b:s2+s13], $0x20, s26, s13, $0xb8;
	[tilespmem:$0xB000] =	vst v63  }
0x13d: {  	s20 =	simm.s32 $0x880  }
0x13e: {  	[tilespmem:s15], [sflag:$0x1] =	stream.indirect.gather [hbm4b:s2+s13], $0x20, s20, s13, $0xb8;
	[tilespmem:$0xB000] =	vst v63  }
0x13f: {  	s22 =	simm.s32 $0x900  }
0x140: {  	[tilespmem:s17], [sflag:$0x1] =	stream.indirect.gather [hbm4b:s2+s13], $0x20, s22, s13, $0xb8;
	[tilespmem:$0xB000] =	vst v63  }
0x141: {  	s24 =	simm.s32 $0x980  }
0x142: {  	[tilespmem:s19], [sflag:$0x1] =	stream.indirect.gather [hbm4b:s2+s13], $0x20, s24, s13, $0xb8;
	[tilespmem:$0xB000] =	vst v63  }
0x143: {  	s26 =	simm.s32 $0xA00  }
0x144: {  	[tilespmem:s21], [sflag:$0x1] =	stream.indirect.gather [hbm4b:s2+s13], $0x20, s26, s13, $0xb8;
	[tilespmem:$0xB000] =	vst v63  }
0x145: {  	s20 =	simm.s32 $0xA80  }
0x146: {  	[tilespmem:s23], [sflag:$0x1] =	stream.indirect.gather [hbm4b:s2+s13], $0x20, s20, s13, $0xb8;
	[tilespmem:$0xB000] =	vst v63  }
0x147: {  	s22 =	simm.s32 $0xB00  }
0x148: {  	[tilespmem:s25], [sflag:$0x1] =	stream.indirect.gather [hbm4b:s2+s13], $0x20, s22, s13, $0xb8;
	[tilespmem:$0xB000] =	vst v63  }
0x149: {  	s24 =	simm.s32 $0xB80  }
0x14a: {  	[tilespmem:s28], [sflag:$0x1] =	stream.indirect.gather [hbm4b:s2+s13], $0x20, s24, s13, $0xb8;
	[tilespmem:$0xB000] =	vst v63  }
0x14b: {  	_ =	swait.ge [sflag:s29], $0x1000  }
0x14c: {  	[sflag:s29] =	ssyncset.done $0x0  }
0x14d: {  	[sflag:s29] =	ssyncadd.s32 $0xFFFFF000  }
0x14e: {  	_ =	swait.ge [sflag:s29], $0x1000  }
0x14f: {  	[sflag:s29] =	ssyncset.done $0x0  }
0x150: {  	[sflag:s29] =	ssyncadd.s32 $0xFFFFF000  }
0x151: {  	_ =	swait.ge [sflag:s29], $0x1000  }
0x152: {  	[sflag:s29] =	ssyncset.done $0x0  }
0x153: {  	[sflag:s29] =	ssyncadd.s32 $0xFFFFF000  }
0x154: {  	_ =	swait.ge [sflag:s29], $0x1000  }
0x155: {  	[sflag:s29] =	ssyncset.done $0x0  }
0x156: {  	[sflag:s29] =	ssyncadd.s32 $0xFFFFF000  }
0x157: {  	_ =	swait.ge [sflag:s29], $0x1000  }
0x158: {  	[sflag:s29] =	ssyncset.done $0x0  }
0x159: {  	[sflag:s29] =	ssyncadd.s32 $0xFFFFF000  }
0x15a: {  	_ =	swait.ge [sflag:s29], $0x1000  }
0x15b: {  	[sflag:s29] =	ssyncset.done $0x0  }
0x15c: {  	[sflag:s29] =	ssyncadd.s32 $0xFFFFF000  }
0x15d: {  	_ =	swait.ge [sflag:s29], $0x1000  }
0x15e: {  	[sflag:s29] =	ssyncset.done $0x0  }
0x15f: {  	[sflag:s29] =	ssyncadd.s32 $0xFFFFF000  }
0x160: {  	_ =	swait.ge [sflag:s29], $0x1000  }
0x161: {  	[sflag:s29] =	ssyncset.done $0x0  }
0x162: {  	s26 =	simm.s32 $0x0;
	[sflag:s29] =	ssyncadd.s32 $0xFFFFF000  }
0x163: {  	v0 =	vld [tilespmem:s26+$0x1800]  }
0x164: {  	s18 =	simm.s32 $0x2100  }
0x165: {  	v1 =	vld [tilespmem:s18+$0xFFFFFF00]  }
0x166: {  	v2 =	vld [tilespmem:s18+$0xFFFFFF10]  }
0x167: {  	v3 =	vld [tilespmem:s18+$0xFFFFFF20]  }
0x168: {  	v4 =	vld [tilespmem:s18+$0xFFFFFF30];
	v5 =	vbroadcast v0, $0x0  }
0x169: {  	v6 =	vld [tilespmem:s18+$0xFFFFFF40]  }
0x16a: {  	v8 =	vld [tilespmem:s18+$0xFFFFFF50];
	v7 =	vbroadcast v0, $0x1;
	v1 =	vmul.f32 v5, v1  }
0x16b: {  	v2 =	vmul.f32 v2, v5;
	v5 =	vld [tilespmem:s18+$0xFFFFFF60]  }
0x16c: {  	v10 =	vld [tilespmem:s18+$0xFFFFFF70];
	v9 =	vbroadcast v0, $0x2;
	v3 =	vmul.f32 v3, v7;
	v1 =	vadd.f32 $0.0e+00, v1  }
0x16d: {  	v34 =	vld [tilespmem:s18+$0xFFFFFF80];
	v4 =	vmul.f32 v4, v7;
	v2 =	vadd.f32 $0.0e+00, v2  }
0x16e: {  	v12 =	vld [tilespmem:s18+$0xFFFFFF90];
	v11 =	vbroadcast v0, $0x3;
	v1 =	vadd.f32 v3, v1;
	v3 =	vmul.f32 v6, v9  }
0x16f: {  	v35 =	vmul.f32 v8, v9;
	v2 =	vadd.f32 v4, v2;
	v4 =	vld [tilespmem:s18+$0xFFFFFFA0]  }
0x170: {  	v37 =	vld [tilespmem:s18+$0xFFFFFFB0];
	v36 =	vbroadcast v0, $0x4;
	v1 =	vadd.f32 v3, v1;
	v3 =	vmul.f32 v5, v11  }
0x171: {  	v38 =	vld [tilespmem:s18+$0xFFFFFFC0];
	v5 =	vmul.f32 v10, v11;
	v2 =	vadd.f32 v35, v2  }
0x172: {  	v40 =	vld [tilespmem:s18+$0xFFFFFFD0];
	v39 =	vbroadcast v0, $0x5;
	v1 =	vadd.f32 v3, v1;
	v3 =	vmul.f32 v34, v36  }
0x173: {  	v41 =	vmul.f32 v12, v36;
	v2 =	vadd.f32 v5, v2;
	v5 =	vld [tilespmem:s18+$0xFFFFFFE0]  }
0x174: {  	v43 =	vld [tilespmem:s18+$0xFFFFFFF0];
	v42 =	vbroadcast v0, $0x6;
	v1 =	vadd.f32 v3, v1;
	v3 =	vmul.f32 v4, v39  }
0x175: {  	v4 =	vmul.f32 v37, v39;
	v2 =	vadd.f32 v41, v2  }
0x176: {  	v44 =	vbroadcast v0, $0x7;
	v1 =	vadd.f32 v3, v1;
	v3 =	vmul.f32 v38, v42  }
0x177: {  	v45 =	vmul.f32 v40, v42;
	v2 =	vadd.f32 v4, v2  }
0x178: {  	v1 =	vadd.f32 v3, v1;
	v3 =	vmul.f32 v5, v44  }
0x179: {  	v4 =	vmul.f32 v43, v44;
	v2 =	vadd.f32 v45, v2  }
0x17a: {  	v1 =	vadd.f32 v3, v1  }
0x17b: {  	s20 =	simm.s32 $0xA020;
	v2 =	vadd.f32 v4, v2  }
0x17c: {  	[tilespmem:s20+$0xFFFFFFE0] =	vst v1  }
0x17d: {  	[tilespmem:s20+$0xFFFFFFF0] =	vst v2  }
0x17e: {  	v1 =	vld [tilespmem:s18+$0x0]  }
0x17f: {  	v2 =	vld [tilespmem:s18+$0x10]  }
0x180: {  	v3 =	vld [tilespmem:s18+$0x20]  }
0x181: {  	v5 =	vbroadcast v0, $0x8;
	v4 =	vld [tilespmem:s18+$0x30]  }
0x182: {  	v46 =	vld [tilespmem:s18+$0x40]  }
0x183: {  	v48 =	vbroadcast v0, $0x9;
	v47 =	vld [tilespmem:s18+$0x50];
	v1 =	vmul.f32 v1, v5  }
0x184: {  	v2 =	vmul.f32 v2, v5;
	v5 =	vld [tilespmem:s18+$0x60]  }
0x185: {  	v50 =	vbroadcast v0, $0xA;
	v49 =	vld [tilespmem:s18+$0x70];
	v3 =	vmul.f32 v3, v48;
	v1 =	vadd.f32 $0.0e+00, v1  }
0x186: {  	v51 =	vld [tilespmem:s18+$0x80];
	v4 =	vmul.f32 v4, v48;
	v2 =	vadd.f32 $0.0e+00, v2  }
0x187: {  	v53 =	vbroadcast v0, $0xB;
	v52 =	vld [tilespmem:s18+$0x90];
	v1 =	vadd.f32 v3, v1;
	v3 =	vmul.f32 v46, v50  }
0x188: {  	v54 =	vmul.f32 v47, v50;
	v2 =	vadd.f32 v4, v2;
	v4 =	vld [tilespmem:s18+$0xA0]  }
0x189: {  	v56 =	vbroadcast v0, $0xC;
	v55 =	vld [tilespmem:s18+$0xB0];
	v1 =	vadd.f32 v3, v1;
	v3 =	vmul.f32 v5, v53  }
0x18a: {  	v57 =	vld [tilespmem:s18+$0xC0];
	v5 =	vmul.f32 v49, v53;
	v2 =	vadd.f32 v54, v2  }
0x18b: {  	v59 =	vbroadcast v0, $0xD;
	v58 =	vld [tilespmem:s18+$0xD0];
	v1 =	vadd.f32 v3, v1;
	v3 =	vmul.f32 v51, v56  }
0x18c: {  	v62 =	vld [tilespmem:s18+$0xE0];
	v60 =	vmul.f32 v52, v56;
	v2 =	vadd.f32 v5, v2  }
0x18d: {  	v61 =	vld [tilespmem:s18+$0xF0];
	v5 =	vbroadcast v0, $0xE;
	v1 =	vadd.f32 v3, v1;
	v3 =	vmul.f32 v4, v59  }
0x18e: {  	v4 =	vmul.f32 v55, v59;
	v2 =	vadd.f32 v60, v2  }
0x18f: {  	v63 =	vbroadcast v0, $0xF;
	v1 =	vadd.f32 v3, v1;
	v3 =	vmul.f32 v57, v5  }
0x190: {  	v5 =	vmul.f32 v58, v5;
	v4 =	vadd.f32 v4, v2  }
0x191: {  	v2 =	vmul.f32 v62, v63;
	v0 =	vadd.f32 v3, v1  }
0x192: {  	s22 =	simm.s32 $0x40;
	s24 =	simm.s32 $0xA020;
	v1 =	vmul.f32 v61, v63;
	v3 =	vadd.f32 v5, v4  }
.LBB2_6:
0x193: {  	p0 =	sne.s32 s22, $0xFC0;
	v0 =	vadd.f32 v2, v0;
	s18 =	sadd.s32 $0x200, s18;
	s20 =	sadd.s32 $0x40, s20  }
0x194: {  	s26 =	smov.u32 s22;
	s22 =	sadd.s32 $0x40, s22;
	v1 =	vadd.f32 v1, v3  }
0x195: {  	[tilespmem:s24+$0x0] =	vst v0  }
0x196: {  	s26 =	sshra.s32 s26, $0x2;
	[tilespmem:s24+$0x10] =	vst v1;
	s24 =	smov.u32 s20  }
0x197: {  	v0 =	vld [tilespmem:s26+$0x1800]  }
0x198: {  	v1 =	vld [tilespmem:s18+$0xFFFFFF10]  }
0x199: {  	v2 =	vld [tilespmem:s18+$0xFFFFFF00]  }
0x19a: {  	v3 =	vld [tilespmem:s18+$0xFFFFFF30]  }
0x19b: {  	v4 =	vld [tilespmem:s18+$0xFFFFFF20]  }
0x19c: {  	v5 =	vbroadcast v0, $0x0;
	v6 =	vbroadcast v0, $0x1;
	v7 =	vld [tilespmem:s18+$0xFFFFFF50]  }
0x19d: {  	v9 =	vbroadcast v0, $0x2;
	v10 =	vbroadcast v0, $0x3;
	v8 =	vld [tilespmem:s18+$0xFFFFFF40]  }
0x19e: {  	v2 =	vmul.f32 v5, v2;
	v1 =	vmul.f32 v1, v5;
	v5 =	vld [tilespmem:s18+$0xFFFFFF70]  }
0x19f: {  	v12 =	vbroadcast v0, $0x4;
	v3 =	vmul.f32 v3, v6;
	v11 =	vld [tilespmem:s18+$0xFFFFFF60]  }
0x1a0: {  	v2 =	vadd.f32 $0.0e+00, v2;
	v1 =	vadd.f32 $0.0e+00, v1;
	v4 =	vmul.f32 v4, v6;
	v6 =	vld [tilespmem:s18+$0xFFFFFF90]  }
0x1a1: {  	v14 =	vbroadcast v0, $0x5;
	v7 =	vmul.f32 v7, v9;
	v13 =	vld [tilespmem:s18+$0xFFFFFF80]  }
0x1a2: {  	v2 =	vadd.f32 v4, v2;
	v1 =	vadd.f32 v3, v1;
	v3 =	vmul.f32 v8, v9;
	v4 =	vld [tilespmem:s18+$0xFFFFFFB0]  }
0x1a3: {  	v9 =	vbroadcast v0, $0x6;
	v5 =	vmul.f32 v5, v10;
	v8 =	vld [tilespmem:s18+$0xFFFFFFA0]  }
0x1a4: {  	v2 =	vadd.f32 v3, v2;
	v1 =	vadd.f32 v7, v1;
	v3 =	vmul.f32 v11, v10;
	v7 =	vld [tilespmem:s18+$0xFFFFFFD0]  }
0x1a5: {  	v11 =	vbroadcast v0, $0x7;
	v6 =	vmul.f32 v6, v12;
	v10 =	vld [tilespmem:s18+$0xFFFFFFC0]  }
0x1a6: {  	v2 =	vadd.f32 v3, v2;
	v1 =	vadd.f32 v5, v1;
	v3 =	vmul.f32 v13, v12;
	v5 =	vld [tilespmem:s18+$0xFFFFFFF0]  }
0x1a7: {  	v4 =	vmul.f32 v4, v14;
	v12 =	vld [tilespmem:s18+$0xFFFFFFE0]  }
0x1a8: {  	v2 =	vadd.f32 v3, v2;
	v1 =	vadd.f32 v6, v1;
	v3 =	vmul.f32 v8, v14  }
0x1a9: {  	v6 =	vmul.f32 v7, v9  }
0x1aa: {  	v2 =	vadd.f32 v3, v2;
	v1 =	vadd.f32 v4, v1;
	v3 =	vmul.f32 v10, v9  }
0x1ab: {  	v4 =	vmul.f32 v5, v11  }
0x1ac: {  	v2 =	vadd.f32 v3, v2;
	v1 =	vadd.f32 v6, v1;
	v3 =	vmul.f32 v12, v11;
	_ =	sdelay $0x1  }
0x1ad: {  	v2 =	vadd.f32 v3, v2;
	v1 =	vadd.f32 v4, v1;
	_ =	sdelay $0x1  }
0x1ae: {  	[tilespmem:s20+$0xFFFFFFE0] =	vst v2  }
0x1af: {  	[tilespmem:s20+$0xFFFFFFF0] =	vst v1  }
0x1b0: {  	v1 =	vld [tilespmem:s18+$0x20]  }
0x1b1: {  	v2 =	vld [tilespmem:s18+$0x0]  }
0x1b2: {  	v3 =	vld [tilespmem:s18+$0x10]  }
0x1b3: {  	v4 =	vld [tilespmem:s18+$0x30]  }
0x1b4: {  	v5 =	vbroadcast v0, $0x8;
	v6 =	vld [tilespmem:s18+$0x50]  }
0x1b5: {  	v7 =	vld [tilespmem:s18+$0x40]  }
0x1b6: {  	v8 =	vbroadcast v0, $0x9;
	v2 =	vmul.f32 v2, v5;
	v9 =	vld [tilespmem:s18+$0x70]  }
0x1b7: {  	v3 =	vmul.f32 v3, v5;
	v5 =	vbroadcast v0, $0xA;
	v10 =	vld [tilespmem:s18+$0x60]  }
0x1b8: {  	v1 =	vmul.f32 v1, v8;
	v2 =	vadd.f32 $0.0e+00, v2;
	v4 =	vmul.f32 v4, v8;
	v8 =	vld [tilespmem:s18+$0x90]  }
0x1b9: {  	v11 =	vbroadcast v0, $0xB;
	v3 =	vadd.f32 $0.0e+00, v3;
	v12 =	vld [tilespmem:s18+$0x80]  }
0x1ba: {  	v1 =	vadd.f32 v1, v2;
	v2 =	vmul.f32 v7, v5;
	v5 =	vmul.f32 v6, v5;
	v6 =	vld [tilespmem:s18+$0xB0]  }
0x1bb: {  	v3 =	vadd.f32 v4, v3;
	v4 =	vbroadcast v0, $0xC;
	v7 =	vld [tilespmem:s18+$0xA0]  }
0x1bc: {  	v9 =	vmul.f32 v9, v11;
	v1 =	vadd.f32 v2, v1;
	v2 =	vmul.f32 v10, v11;
	v10 =	vld [tilespmem:s18+$0xD0]  }
0x1bd: {  	v3 =	vadd.f32 v5, v3;
	v5 =	vbroadcast v0, $0xD;
	v11 =	vld [tilespmem:s18+$0xC0]  }
0x1be: {  	v1 =	vadd.f32 v2, v1;
	v2 =	vmul.f32 v12, v4;
	v4 =	vmul.f32 v8, v4;
	v8 =	vld [tilespmem:s18+$0xF0]  }
0x1bf: {  	v3 =	vadd.f32 v9, v3;
	v9 =	vbroadcast v0, $0xE;
	v12 =	vld [tilespmem:s18+$0xE0]  }
0x1c0: {  	v1 =	vadd.f32 v2, v1;
	v2 =	vmul.f32 v7, v5;
	v5 =	vmul.f32 v6, v5  }
.Ltmp2:
0x1c1: {  	v3 =	vadd.f32 v4, v3;
	v4 =	vbroadcast v0, $0xF;
	(pc) =	sbr.rel @p0 .LBB2_6-.Ltmp2, $4  }
0x1c2: {  	v6 =	vmul.f32 v10, v9;
	v0 =	vadd.f32 v2, v1;
	v1 =	vmul.f32 v11, v9  }
0x1c3: {  	v3 =	vadd.f32 v5, v3  }
0x1c4: {  	v0 =	vadd.f32 v1, v0;
	v2 =	vmul.f32 v12, v4;
	v1 =	vmul.f32 v8, v4  }
0x1c5: {  	v3 =	vadd.f32 v6, v3  }
0x1c6: {  	v0 =	vadd.f32 v2, v0  }
0x1c7: {  	v1 =	vadd.f32 v1, v3  }
0x1c8: {  	[tilespmem:s24+$0x0] =	vst v0  }
0x1c9: {  	s18 =	simm.s32 $0x0;
	[tilespmem:s24+$0x10] =	vst v1  }
0x1ca: {  	[hbm4b:s8+s18] =	stream.linear.scatter [tilespmem:s30], [sflag:$0x2], $0x1000, $0x38;
	[tilespmem:$0xB000] =	vst v63  }
0x1cb: {  	_ =	swait.ge [sflag:s11], $0x1000  }
0x1cc: {  	[sflag:s11] =	ssyncset.done $0x0  }
0x1cd: {  	s26 =	simm.s32 $0xC00;
	[sflag:s11] =	ssyncadd.s32 $0xFFFFF000  }
0x1ce: {  	[tilespmem:s14], [sflag:$0x1] =	stream.indirect.gather [hbm4b:s2+s13], $0x20, s26, s13, $0xb8;
	[tilespmem:$0xB000] =	vst v63  }
0x1cf: {  	s20 =	simm.s32 $0xC80  }
0x1d0: {  	[tilespmem:s15], [sflag:$0x1] =	stream.indirect.gather [hbm4b:s2+s13], $0x20, s20, s13, $0xb8;
	[tilespmem:$0xB000] =	vst v63  }
0x1d1: {  	s22 =	simm.s32 $0xD00  }
0x1d2: {  	[tilespmem:s17], [sflag:$0x1] =	stream.indirect.gather [hbm4b:s2+s13], $0x20, s22, s13, $0xb8;
	[tilespmem:$0xB000] =	vst v63  }
0x1d3: {  	s24 =	simm.s32 $0xD80  }
0x1d4: {  	[tilespmem:s19], [sflag:$0x1] =	stream.indirect.gather [hbm4b:s2+s13], $0x20, s24, s13, $0xb8;
	[tilespmem:$0xB000] =	vst v63  }
0x1d5: {  	_ = 	snop  }
0x1d6: {  	[tilespmem:s21], [sflag:$0x1] =	stream.indirect.gather [hbm4b:s2+s13], $0x20, s31, s13, $0xb8;
	[tilespmem:$0xB000] =	vst v63  }
0x1d7: {  	_ = 	snop  }
0x1d8: {  	[tilespmem:s23], [sflag:$0x1] =	stream.indirect.gather [hbm4b:s2+s13], $0x20, s0, s13, $0xb8;
	[tilespmem:$0xB000] =	vst v63  }
0x1d9: {  	_ = 	snop  }
0x1da: {  	[tilespmem:s25], [sflag:$0x1] =	stream.indirect.gather [hbm4b:s2+s13], $0x20, s1, s13, $0xb8;
	[tilespmem:$0xB000] =	vst v63  }
0x1db: {  	_ = 	snop  }
0x1dc: {  	[tilespmem:s28], [sflag:$0x1] =	stream.indirect.gather [hbm4b:s2+s13], $0x20, s12, s13, $0xb8;
	[tilespmem:$0xB000] =	vst v63  }
0x1dd: {  	_ =	swait.ge [sflag:s29], $0x1000  }
0x1de: {  	[sflag:s29] =	ssyncset.done $0x0  }
0x1df: {  	[sflag:s29] =	ssyncadd.s32 $0xFFFFF000  }
0x1e0: {  	_ =	swait.ge [sflag:s29], $0x1000  }
0x1e1: {  	[sflag:s29] =	ssyncset.done $0x0  }
0x1e2: {  	[sflag:s29] =	ssyncadd.s32 $0xFFFFF000  }
0x1e3: {  	_ =	swait.ge [sflag:s29], $0x1000  }
0x1e4: {  	[sflag:s29] =	ssyncset.done $0x0  }
0x1e5: {  	[sflag:s29] =	ssyncadd.s32 $0xFFFFF000  }
0x1e6: {  	_ =	swait.ge [sflag:s29], $0x1000  }
0x1e7: {  	[sflag:s29] =	ssyncset.done $0x0  }
0x1e8: {  	[sflag:s29] =	ssyncadd.s32 $0xFFFFF000  }
0x1e9: {  	_ =	swait.ge [sflag:s29], $0x1000  }
0x1ea: {  	[sflag:s29] =	ssyncset.done $0x0  }
0x1eb: {  	[sflag:s29] =	ssyncadd.s32 $0xFFFFF000  }
0x1ec: {  	_ =	swait.ge [sflag:s29], $0x1000  }
0x1ed: {  	[sflag:s29] =	ssyncset.done $0x0  }
0x1ee: {  	[sflag:s29] =	ssyncadd.s32 $0xFFFFF000  }
0x1ef: {  	_ =	swait.ge [sflag:s29], $0x1000  }
0x1f0: {  	[sflag:s29] =	ssyncset.done $0x0  }
0x1f1: {  	[sflag:s29] =	ssyncadd.s32 $0xFFFFF000  }
0x1f2: {  	_ =	swait.ge [sflag:s29], $0x1000  }
0x1f3: {  	[sflag:s29] =	ssyncset.done $0x0  }
0x1f4: {  	s26 =	simm.s32 $0x0;
	[sflag:s29] =	ssyncadd.s32 $0xFFFFF000  }
0x1f5: {  	v0 =	vld [tilespmem:s26+$0x1C00]  }
0x1f6: {  	s18 =	simm.s32 $0x2100  }
0x1f7: {  	v1 =	vld [tilespmem:s18+$0xFFFFFF00]  }
0x1f8: {  	v2 =	vld [tilespmem:s18+$0xFFFFFF10]  }
0x1f9: {  	v3 =	vld [tilespmem:s18+$0xFFFFFF20]  }
0x1fa: {  	v4 =	vld [tilespmem:s18+$0xFFFFFF30];
	v5 =	vbroadcast v0, $0x0  }
0x1fb: {  	v6 =	vld [tilespmem:s18+$0xFFFFFF40]  }
0x1fc: {  	v8 =	vld [tilespmem:s18+$0xFFFFFF50];
	v7 =	vbroadcast v0, $0x1;
	v1 =	vmul.f32 v5, v1  }
0x1fd: {  	v2 =	vmul.f32 v2, v5;
	v5 =	vld [tilespmem:s18+$0xFFFFFF60]  }
0x1fe: {  	v10 =	vld [tilespmem:s18+$0xFFFFFF70];
	v9 =	vbroadcast v0, $0x2;
	v3 =	vmul.f32 v3, v7;
	v1 =	vadd.f32 $0.0e+00, v1  }
0x1ff: {  	v34 =	vld [tilespmem:s18+$0xFFFFFF80];
	v4 =	vmul.f32 v4, v7;
	v2 =	vadd.f32 $0.0e+00, v2  }
0x200: {  	v12 =	vld [tilespmem:s18+$0xFFFFFF90];
	v11 =	vbroadcast v0, $0x3;
	v1 =	vadd.f32 v3, v1;
	v3 =	vmul.f32 v6, v9  }
0x201: {  	v35 =	vmul.f32 v8, v9;
	v2 =	vadd.f32 v4, v2;
	v4 =	vld [tilespmem:s18+$0xFFFFFFA0]  }
0x202: {  	v37 =	vld [tilespmem:s18+$0xFFFFFFB0];
	v36 =	vbroadcast v0, $0x4;
	v1 =	vadd.f32 v3, v1;
	v3 =	vmul.f32 v5, v11  }
0x203: {  	v38 =	vld [tilespmem:s18+$0xFFFFFFC0];
	v5 =	vmul.f32 v10, v11;
	v2 =	vadd.f32 v35, v2  }
0x204: {  	v40 =	vld [tilespmem:s18+$0xFFFFFFD0];
	v39 =	vbroadcast v0, $0x5;
	v1 =	vadd.f32 v3, v1;
	v3 =	vmul.f32 v34, v36  }
0x205: {  	v41 =	vmul.f32 v12, v36;
	v2 =	vadd.f32 v5, v2;
	v5 =	vld [tilespmem:s18+$0xFFFFFFE0]  }
0x206: {  	v43 =	vld [tilespmem:s18+$0xFFFFFFF0];
	v42 =	vbroadcast v0, $0x6;
	v1 =	vadd.f32 v3, v1;
	v3 =	vmul.f32 v4, v39  }
0x207: {  	v4 =	vmul.f32 v37, v39;
	v2 =	vadd.f32 v41, v2  }
0x208: {  	v44 =	vbroadcast v0, $0x7;
	v1 =	vadd.f32 v3, v1;
	v3 =	vmul.f32 v38, v42  }
0x209: {  	v45 =	vmul.f32 v40, v42;
	v2 =	vadd.f32 v4, v2  }
0x20a: {  	v1 =	vadd.f32 v3, v1;
	v3 =	vmul.f32 v5, v44  }
0x20b: {  	v4 =	vmul.f32 v43, v44;
	v2 =	vadd.f32 v45, v2  }
0x20c: {  	v1 =	vadd.f32 v3, v1  }
0x20d: {  	s20 =	simm.s32 $0xA020;
	v2 =	vadd.f32 v4, v2  }
0x20e: {  	[tilespmem:s20+$0xFFFFFFE0] =	vst v1  }
0x20f: {  	[tilespmem:s20+$0xFFFFFFF0] =	vst v2  }
0x210: {  	v1 =	vld [tilespmem:s18+$0x0]  }
0x211: {  	v2 =	vld [tilespmem:s18+$0x10]  }
0x212: {  	v3 =	vld [tilespmem:s18+$0x20]  }
0x213: {  	v5 =	vbroadcast v0, $0x8;
	v4 =	vld [tilespmem:s18+$0x30]  }
0x214: {  	v46 =	vld [tilespmem:s18+$0x40]  }
0x215: {  	v48 =	vbroadcast v0, $0x9;
	v47 =	vld [tilespmem:s18+$0x50];
	v1 =	vmul.f32 v1, v5  }
0x216: {  	v2 =	vmul.f32 v2, v5;
	v5 =	vld [tilespmem:s18+$0x60]  }
0x217: {  	v50 =	vbroadcast v0, $0xA;
	v49 =	vld [tilespmem:s18+$0x70];
	v3 =	vmul.f32 v3, v48;
	v1 =	vadd.f32 $0.0e+00, v1  }
0x218: {  	v51 =	vld [tilespmem:s18+$0x80];
	v4 =	vmul.f32 v4, v48;
	v2 =	vadd.f32 $0.0e+00, v2  }
0x219: {  	v53 =	vbroadcast v0, $0xB;
	v52 =	vld [tilespmem:s18+$0x90];
	v1 =	vadd.f32 v3, v1;
	v3 =	vmul.f32 v46, v50  }
0x21a: {  	v54 =	vmul.f32 v47, v50;
	v2 =	vadd.f32 v4, v2;
	v4 =	vld [tilespmem:s18+$0xA0]  }
0x21b: {  	v56 =	vbroadcast v0, $0xC;
	v55 =	vld [tilespmem:s18+$0xB0];
	v1 =	vadd.f32 v3, v1;
	v3 =	vmul.f32 v5, v53  }
0x21c: {  	v57 =	vld [tilespmem:s18+$0xC0];
	v5 =	vmul.f32 v49, v53;
	v2 =	vadd.f32 v54, v2  }
0x21d: {  	v59 =	vbroadcast v0, $0xD;
	v58 =	vld [tilespmem:s18+$0xD0];
	v1 =	vadd.f32 v3, v1;
	v3 =	vmul.f32 v51, v56  }
0x21e: {  	v62 =	vld [tilespmem:s18+$0xE0];
	v60 =	vmul.f32 v52, v56;
	v2 =	vadd.f32 v5, v2  }
0x21f: {  	v61 =	vld [tilespmem:s18+$0xF0];
	v5 =	vbroadcast v0, $0xE;
	v1 =	vadd.f32 v3, v1;
	v3 =	vmul.f32 v4, v59  }
0x220: {  	v4 =	vmul.f32 v55, v59;
	v2 =	vadd.f32 v60, v2  }
0x221: {  	v63 =	vbroadcast v0, $0xF;
	v1 =	vadd.f32 v3, v1;
	v3 =	vmul.f32 v57, v5  }
0x222: {  	v5 =	vmul.f32 v58, v5;
	v4 =	vadd.f32 v4, v2  }
0x223: {  	v2 =	vmul.f32 v62, v63;
	v0 =	vadd.f32 v3, v1  }
0x224: {  	s22 =	simm.s32 $0x40;
	s24 =	simm.s32 $0xA020;
	v1 =	vmul.f32 v61, v63;
	v3 =	vadd.f32 v5, v4  }
.LBB2_8:
0x225: {  	p0 =	sne.s32 s22, $0xFC0;
	v0 =	vadd.f32 v2, v0;
	s18 =	sadd.s32 $0x200, s18;
	s20 =	sadd.s32 $0x40, s20  }
0x226: {  	s26 =	smov.u32 s22;
	s22 =	sadd.s32 $0x40, s22;
	v1 =	vadd.f32 v1, v3  }
0x227: {  	[tilespmem:s24+$0x0] =	vst v0  }
0x228: {  	s26 =	sshra.s32 s26, $0x2;
	[tilespmem:s24+$0x10] =	vst v1;
	s24 =	smov.u32 s20  }
0x229: {  	v0 =	vld [tilespmem:s26+$0x1C00]  }
0x22a: {  	v1 =	vld [tilespmem:s18+$0xFFFFFF10]  }
0x22b: {  	v2 =	vld [tilespmem:s18+$0xFFFFFF00]  }
0x22c: {  	v3 =	vld [tilespmem:s18+$0xFFFFFF30]  }
0x22d: {  	v4 =	vld [tilespmem:s18+$0xFFFFFF20]  }
0x22e: {  	v5 =	vbroadcast v0, $0x0;
	v6 =	vbroadcast v0, $0x1;
	v7 =	vld [tilespmem:s18+$0xFFFFFF50]  }
0x22f: {  	v9 =	vbroadcast v0, $0x2;
	v10 =	vbroadcast v0, $0x3;
	v8 =	vld [tilespmem:s18+$0xFFFFFF40]  }
0x230: {  	v2 =	vmul.f32 v5, v2;
	v1 =	vmul.f32 v1, v5;
	v5 =	vld [tilespmem:s18+$0xFFFFFF70]  }
0x231: {  	v12 =	vbroadcast v0, $0x4;
	v3 =	vmul.f32 v3, v6;
	v11 =	vld [tilespmem:s18+$0xFFFFFF60]  }
0x232: {  	v2 =	vadd.f32 $0.0e+00, v2;
	v1 =	vadd.f32 $0.0e+00, v1;
	v4 =	vmul.f32 v4, v6;
	v6 =	vld [tilespmem:s18+$0xFFFFFF90]  }
0x233: {  	v14 =	vbroadcast v0, $0x5;
	v7 =	vmul.f32 v7, v9;
	v13 =	vld [tilespmem:s18+$0xFFFFFF80]  }
0x234: {  	v2 =	vadd.f32 v4, v2;
	v1 =	vadd.f32 v3, v1;
	v3 =	vmul.f32 v8, v9;
	v4 =	vld [tilespmem:s18+$0xFFFFFFB0]  }
0x235: {  	v9 =	vbroadcast v0, $0x6;
	v5 =	vmul.f32 v5, v10;
	v8 =	vld [tilespmem:s18+$0xFFFFFFA0]  }
0x236: {  	v2 =	vadd.f32 v3, v2;
	v1 =	vadd.f32 v7, v1;
	v3 =	vmul.f32 v11, v10;
	v7 =	vld [tilespmem:s18+$0xFFFFFFD0]  }
0x237: {  	v11 =	vbroadcast v0, $0x7;
	v6 =	vmul.f32 v6, v12;
	v10 =	vld [tilespmem:s18+$0xFFFFFFC0]  }
0x238: {  	v2 =	vadd.f32 v3, v2;
	v1 =	vadd.f32 v5, v1;
	v3 =	vmul.f32 v13, v12;
	v5 =	vld [tilespmem:s18+$0xFFFFFFF0]  }
0x239: {  	v4 =	vmul.f32 v4, v14;
	v12 =	vld [tilespmem:s18+$0xFFFFFFE0]  }
0x23a: {  	v2 =	vadd.f32 v3, v2;
	v1 =	vadd.f32 v6, v1;
	v3 =	vmul.f32 v8, v14  }
0x23b: {  	v6 =	vmul.f32 v7, v9  }
0x23c: {  	v2 =	vadd.f32 v3, v2;
	v1 =	vadd.f32 v4, v1;
	v3 =	vmul.f32 v10, v9  }
0x23d: {  	v4 =	vmul.f32 v5, v11  }
0x23e: {  	v2 =	vadd.f32 v3, v2;
	v1 =	vadd.f32 v6, v1;
	v3 =	vmul.f32 v12, v11;
	_ =	sdelay $0x1  }
0x23f: {  	v2 =	vadd.f32 v3, v2;
	v1 =	vadd.f32 v4, v1;
	_ =	sdelay $0x1  }
0x240: {  	[tilespmem:s20+$0xFFFFFFE0] =	vst v2  }
0x241: {  	[tilespmem:s20+$0xFFFFFFF0] =	vst v1  }
0x242: {  	v1 =	vld [tilespmem:s18+$0x20]  }
0x243: {  	v2 =	vld [tilespmem:s18+$0x0]  }
0x244: {  	v3 =	vld [tilespmem:s18+$0x10]  }
0x245: {  	v4 =	vld [tilespmem:s18+$0x30]  }
0x246: {  	v5 =	vbroadcast v0, $0x8;
	v6 =	vld [tilespmem:s18+$0x50]  }
0x247: {  	v7 =	vld [tilespmem:s18+$0x40]  }
0x248: {  	v8 =	vbroadcast v0, $0x9;
	v2 =	vmul.f32 v2, v5;
	v9 =	vld [tilespmem:s18+$0x70]  }
0x249: {  	v3 =	vmul.f32 v3, v5;
	v5 =	vbroadcast v0, $0xA;
	v10 =	vld [tilespmem:s18+$0x60]  }
0x24a: {  	v1 =	vmul.f32 v1, v8;
	v2 =	vadd.f32 $0.0e+00, v2;
	v4 =	vmul.f32 v4, v8;
	v8 =	vld [tilespmem:s18+$0x90]  }
0x24b: {  	v11 =	vbroadcast v0, $0xB;
	v3 =	vadd.f32 $0.0e+00, v3;
	v12 =	vld [tilespmem:s18+$0x80]  }
0x24c: {  	v1 =	vadd.f32 v1, v2;
	v2 =	vmul.f32 v7, v5;
	v5 =	vmul.f32 v6, v5;
	v6 =	vld [tilespmem:s18+$0xB0]  }
0x24d: {  	v3 =	vadd.f32 v4, v3;
	v4 =	vbroadcast v0, $0xC;
	v7 =	vld [tilespmem:s18+$0xA0]  }
0x24e: {  	v9 =	vmul.f32 v9, v11;
	v1 =	vadd.f32 v2, v1;
	v2 =	vmul.f32 v10, v11;
	v10 =	vld [tilespmem:s18+$0xD0]  }
0x24f: {  	v3 =	vadd.f32 v5, v3;
	v5 =	vbroadcast v0, $0xD;
	v11 =	vld [tilespmem:s18+$0xC0]  }
0x250: {  	v1 =	vadd.f32 v2, v1;
	v2 =	vmul.f32 v12, v4;
	v4 =	vmul.f32 v8, v4;
	v8 =	vld [tilespmem:s18+$0xF0]  }
0x251: {  	v3 =	vadd.f32 v9, v3;
	v9 =	vbroadcast v0, $0xE;
	v12 =	vld [tilespmem:s18+$0xE0]  }
0x252: {  	v1 =	vadd.f32 v2, v1;
	v2 =	vmul.f32 v7, v5;
	v5 =	vmul.f32 v6, v5  }
.Ltmp3:
0x253: {  	v3 =	vadd.f32 v4, v3;
	v4 =	vbroadcast v0, $0xF;
	(pc) =	sbr.rel @p0 .LBB2_8-.Ltmp3, $4  }
0x254: {  	v6 =	vmul.f32 v10, v9;
	v0 =	vadd.f32 v2, v1;
	v1 =	vmul.f32 v11, v9  }
0x255: {  	v3 =	vadd.f32 v5, v3  }
0x256: {  	v0 =	vadd.f32 v1, v0;
	v2 =	vmul.f32 v12, v4;
	v1 =	vmul.f32 v8, v4  }
0x257: {  	v3 =	vadd.f32 v6, v3  }
0x258: {  	v0 =	vadd.f32 v2, v0  }
0x259: {  	s16 =	sadd.s32 $0x1, s16;
	v1 =	vadd.f32 v1, v3  }
0x25a: {  	p0 =	sne.s32 s16, s10;
	[tilespmem:s24+$0x0] =	vst v0  }
.Ltmp4:
0x25b: {  	[tilespmem:s24+$0x10] =	vst v1;
	(pc) =	sbr.rel @p0 .LBB2_1-.Ltmp4, $4  }
0x25c: {  	[hbm4b:s9+s3] =	stream.linear.scatter [tilespmem:s30], [sflag:$0x2], $0x1000, $0x38;
	[tilespmem:$0xB000] =	vst v63  }
0x25d: {  	_ =	swait.ge [sflag:s11], $0x1000  }
0x25e: {  	[sflag:s11] =	ssyncset.done $0x0  }
0x25f: {  	[sflag:s11] =	ssyncadd.s32 $0xFFFFF000  }
0x260: {  	_ =	sfence.sel $0x180000  }
0x261: {  	[bflag:$0x0] =	sbarrier.arrive $0xFFFF  }
0x262: {  	_ =	strace $0x90000047  }
0x263: {  	s0 =	stileid.u32;
	[bflag:$0x2] =	sbarrier.arrive $0xFFFF  }
0x264: {  	p0 =	sne.s32 s0, $0x0;
	s0 =	rddreg [dreg:$0x2]  }
0x265: {  	s0 =	sadd.s32 @!p0 $0x100000, s0  }
0x266: {  	[sflag:s0] =	ssyncadd.tile.s32 @!p0 $0x1;
	_ =	shalt  }
.Lfunc_end2:
_tile_overlayer_lowered:
.L_overlay_start_2:
0x267: {  	(tag) =	ssettag $0x2  }
0x268: {  	s0 =	rddreg [dreg:$0x0];
	s2 =	stileid.u32  }
0x269: {  	s1 =	rddreg [dreg:$0x1];
	p0 =	sne.s32 s2, $0x0  }
0x26a: {  	s3 =	rddreg [dreg:$0x2];
	[bflag:$0x3] =	sbarrier.arrive $0xFFFF;
	s2 =	simm.s32 @!p0 $0x1C02  }
0x26b: {  	[timem:s3], [sflag:s2] =	dma.local @!p0 [hbm:s0], s1  }
0x26c: {  	s0 =	simm.s32 @!p0 $0x2  }
0x26d: {  	_ =	swait.ge @!p0 [sflag:s0], s1  }
0x26e: {  	s1 =	ssub.s32 @!p0 $0x0, s1;
	[sflag:s0] =	ssyncset.done @!p0 $0x0  }
0x26f: {  	[sflag:s0] =	ssyncadd.s32 @!p0 s1  }
0x270: {  	[bflag:$0x3] =	sbarrier.arrive $0xFFFF  }
0x271: {  	_ =	shalt  }

</sc_bundles>
